<compile_context>
chip_gen: v7x
topology: tpu7x:2x2x1
jax: 0.10.2.dev20260603
libtpu: 0.0.44.dev20260713+nightly
codegen_flags: <defaults>
</compile_context>

<pallas_src>
import functools

import jax
import jax.numpy as jnp
from jax import lax
from jax.experimental import pallas as pl
from jax.experimental.pallas import tpu as pltpu
from jax.experimental.pallas import tpu_sc as plsc

VOCAB = 1000000
EMBED_DIM = 32
BATCH = 16384

NC = 2
NS = 16
L = 16
NW = NC * NS
B_PER_W = BATCH // NW
GROUPS = B_PER_W // L
WAVE = 4
N_WAVES = L // WAVE


def _sc_body(emb_hbm, tgt_hbm, ctx_hbm, out_hbm,
             idx_tv, idx_cv, blk_t, blk_c, out_v, sem_t, sem_c):
    wid = lax.axis_index("s") * NC + lax.axis_index("c")
    base = wid * B_PER_W

    pltpu.sync_copy(tgt_hbm.at[pl.ds(base, B_PER_W)], idx_tv)
    pltpu.sync_copy(ctx_hbm.at[pl.ds(base, B_PER_W)], idx_cv)

    lanes = jnp.arange(L, dtype=jnp.int32)
    comps_lo = jnp.arange(L, dtype=jnp.int32)
    comps_hi = comps_lo + L

    def fire_wave(vt, vc, w):
        buf = w % 2
        for k in range(WAVE):
            r = w * WAVE + k
            jt = pl.multiple_of((vt[r] >> 7) * 128, 128)
            jc = pl.multiple_of((vc[r] >> 7) * 128, 128)
            pltpu.async_copy(emb_hbm.at[:, pl.ds(jt, 128)],
                             blk_t.at[buf, k], sem_t)
            pltpu.async_copy(emb_hbm.at[:, pl.ds(jc, 128)],
                             blk_c.at[buf, k], sem_c)

    def group_body(g, carry):
        vt = idx_tv[pl.ds(g * L, L)]
        vc = idx_cv[pl.ds(g * L, L)]

        def fire(w):
            fire_wave(vt, vc, w)

        def drain():
            pltpu.make_async_copy(emb_hbm.at[:, pl.ds(0, WAVE * 128)],
                                  blk_t.at[0], sem_t).wait()
            pltpu.make_async_copy(emb_hbm.at[:, pl.ds(0, WAVE * 128)],
                                  blk_c.at[0], sem_c).wait()

        def compute(w, acc):
            buf = w % 2
            for k in range(WAVE):
                r = w * WAVE + k
                lt = jnp.full((L,), vt[r] & 127, jnp.int32)
                lc = jnp.full((L,), vc[r] & 127, jnp.int32)
                ta = plsc.load_gather(blk_t.at[buf, k], [comps_lo, lt])
                tb = plsc.load_gather(blk_t.at[buf, k], [comps_hi, lt])
                ca = plsc.load_gather(blk_c.at[buf, k], [comps_lo, lc])
                cb = plsc.load_gather(blk_c.at[buf, k], [comps_hi, lc])
                acc = jnp.where(lanes == r, jnp.sum(ta * ca + tb * cb), acc)
            return acc

        acc = jnp.zeros((L,), jnp.float32)
        fire(0)
        for w in range(N_WAVES):
            if w + 1 < N_WAVES:
                fire(w + 1)
            drain()
            acc = compute(w, acc)

        out_v[pl.ds(g * L, L)] = acc
        return carry

    lax.fori_loop(0, GROUPS, group_body, 0)

    pltpu.sync_copy(out_v, out_hbm.at[pl.ds(base, B_PER_W)])


@jax.jit
def _word2vec_score(target_word, context_word, embeddings):
    emb_t = embeddings.T
    mesh = plsc.VectorSubcoreMesh(core_axis_name="c", subcore_axis_name="s")
    k = functools.partial(
        pl.kernel,
        mesh=mesh,
        compiler_params=pltpu.CompilerParams(needs_layout_passes=False),
        out_type=jax.ShapeDtypeStruct((BATCH,), jnp.float32),
        scratch_types=[
            pltpu.VMEM((B_PER_W,), jnp.int32),
            pltpu.VMEM((B_PER_W,), jnp.int32),
            pltpu.VMEM((2, WAVE, EMBED_DIM, 128), jnp.float32),
            pltpu.VMEM((2, WAVE, EMBED_DIM, 128), jnp.float32),
            pltpu.VMEM((B_PER_W,), jnp.float32),
            pltpu.SemaphoreType.DMA,
            pltpu.SemaphoreType.DMA,
        ],
    )(_sc_body)
    return k(emb_t, target_word, context_word)


def kernel(target_word, context_word, embeddings):
    return _word2vec_score(target_word.astype(jnp.int32),
                           context_word.astype(jnp.int32),
                           embeddings)

# --- scband reference (transcript-rebuilt; emitter-appended) ---
"""Pipeline reference for scband-word2-vec-6141803233848 (READ-ONLY COPY).

The authoritative reference and input builder live on the scoring server;
editing this copy changes nothing except your own understanding.
"""

import jax, jax.numpy as jnp
import numpy as np

VOCAB = 1000000
EMBED_DIM = 32
BATCH = 16384


def setup_inputs(seed: int = 0) -> dict:
    key = jax.random.key(seed)
    k1, k2, k3 = jax.random.split(key, 3)
    target_word = jax.random.randint(k1, (BATCH,), 0, VOCAB, dtype=jnp.int64 if jax.config.jax_enable_x64 else jnp.int32)
    context_word = jax.random.randint(k2, (BATCH,), 0, VOCAB, dtype=jnp.int64 if jax.config.jax_enable_x64 else jnp.int32)
    embeddings = jax.random.normal(k3, (VOCAB, EMBED_DIM), dtype=jnp.float32)
    return {"target_word": target_word, "context_word": context_word, "embeddings": embeddings}


def reference(target_word, context_word, embeddings):
    target_emb = jnp.take(embeddings, target_word, axis=0)
    context_emb = jnp.take(embeddings, context_word, axis=0)
    score = jnp.sum(target_emb * context_emb, axis=1)
    return score

if __name__ == "__main__":
    import jax
    _d = setup_inputs()
    print(jax.jit(kernel)(*tuple(_d.values())))

</pallas_src>

<mosaic_0001>
#map = affine_map<(d0, d1) -> (0, 0)>
#map1 = affine_map<(d0, d1) -> (0)>
module attributes {stable_mosaic.version = 14 : i64} {
  func.func @_sc_body(%arg0: i32, %arg1: i32, %arg2: memref<32x1000000xf32, #tpu.memory_space<hbm>>, %arg3: memref<16384xi32, #tpu.memory_space<hbm>>, %arg4: memref<16384xi32, #tpu.memory_space<hbm>>, %arg5: memref<16384xf32, #tpu.memory_space<hbm>>, %arg6: memref<512xi32, #tpu.memory_space<vmem>>, %arg7: memref<512xi32, #tpu.memory_space<vmem>>, %arg8: memref<2x4x32x128xf32, #tpu.memory_space<vmem>>, %arg9: memref<2x4x32x128xf32, #tpu.memory_space<vmem>>, %arg10: memref<512xf32, #tpu.memory_space<vmem>>, %arg11: memref<!tpu.dma_semaphore, #tpu.memory_space<semaphore_mem>>, %arg12: memref<!tpu.dma_semaphore, #tpu.memory_space<semaphore_mem>>) attributes {dimension_semantics = [#tpu.dimension_semantics<core_parallel>, #tpu.dimension_semantics<subcore_parallel>], iteration_bounds = array<i64: 2, 16>, scalar_prefetch = 0 : i64, scratch_operands = 7 : i64, tpu.core_type = #tpu.core_type<sc_vector_subcore>, window_params = [{transform_indices = #map}, {transform_indices = #map1}, {transform_indices = #map1}, {transform_indices = #map1}]} {
    %mul3A = arith.constant 2 : i32
    %mul3A_0 = arith.muli %arg1, %mul3A : i32
    %add3A = arith.addi %mul3A_0, %arg0 : i32
    %mul3A_1 = arith.constant 512 : i32
    %mul3A_2 = arith.muli %add3A, %mul3A_1 : i32
    "tpu.region"() ({
      %run_scoped3A = tpu.sem_alloc : memref<!tpu.dma_semaphore, #tpu.memory_space<semaphore_mem>>
      %dma_start3A = tpu.memref_slice %arg3[%mul3A_2] : memref<16384xi32, #tpu.memory_space<hbm>> -> memref<512xi32, #tpu.memory_space<hbm>>
      %dma_start3A_12 = tpu.memref_slice %arg3[%mul3A_2] : memref<16384xi32, #tpu.memory_space<hbm>> -> memref<512xi32, #tpu.memory_space<hbm>>
      tpu.enqueue_dma source(%dma_start3A_12 : memref<512xi32, #tpu.memory_space<hbm>>) target(%arg6 : memref<512xi32, #tpu.memory_space<vmem>>) target_semaphore(%run_scoped3A : memref<!tpu.dma_semaphore, #tpu.memory_space<semaphore_mem>>)
      %dma_wait3A = tpu.memref_slice %arg3[%mul3A_2] : memref<16384xi32, #tpu.memory_space<hbm>> -> memref<512xi32, #tpu.memory_space<hbm>>
      %dma_wait3A_13 = tpu.memref_slice %arg3[%mul3A_2] : memref<16384xi32, #tpu.memory_space<hbm>> -> memref<512xi32, #tpu.memory_space<hbm>>
      tpu.wait_dma2 semaphore(%run_scoped3A : memref<!tpu.dma_semaphore, #tpu.memory_space<semaphore_mem>>) src(%dma_wait3A_13 : memref<512xi32, #tpu.memory_space<hbm>>) dst(%arg6 : memref<512xi32, #tpu.memory_space<vmem>>)
      tpu.yield
    }) : () -> ()
    "tpu.region"() ({
      %run_scoped3A = tpu.sem_alloc : memref<!tpu.dma_semaphore, #tpu.memory_space<semaphore_mem>>
      %dma_start3A = tpu.memref_slice %arg4[%mul3A_2] : memref<16384xi32, #tpu.memory_space<hbm>> -> memref<512xi32, #tpu.memory_space<hbm>>
      %dma_start3A_12 = tpu.memref_slice %arg4[%mul3A_2] : memref<16384xi32, #tpu.memory_space<hbm>> -> memref<512xi32, #tpu.memory_space<hbm>>
      tpu.enqueue_dma source(%dma_start3A_12 : memref<512xi32, #tpu.memory_space<hbm>>) target(%arg7 : memref<512xi32, #tpu.memory_space<vmem>>) target_semaphore(%run_scoped3A : memref<!tpu.dma_semaphore, #tpu.memory_space<semaphore_mem>>)
      %dma_wait3A = tpu.memref_slice %arg4[%mul3A_2] : memref<16384xi32, #tpu.memory_space<hbm>> -> memref<512xi32, #tpu.memory_space<hbm>>
      %dma_wait3A_13 = tpu.memref_slice %arg4[%mul3A_2] : memref<16384xi32, #tpu.memory_space<hbm>> -> memref<512xi32, #tpu.memory_space<hbm>>
      tpu.wait_dma2 semaphore(%run_scoped3A : memref<!tpu.dma_semaphore, #tpu.memory_space<semaphore_mem>>) src(%dma_wait3A_13 : memref<512xi32, #tpu.memory_space<hbm>>) dst(%arg7 : memref<512xi32, #tpu.memory_space<vmem>>)
      tpu.yield
    }) : () -> ()
    %iota3A = tpu.iota {dimensions = array<i32: 0>} : vector<16xi32>
    %iota3A_3 = tpu.iota {dimensions = array<i32: 0>} : vector<16xi32>
    %add3A_4 = arith.constant 16 : i32
    %add3A_5 = vector.broadcast %add3A_4 : i32 to vector<16xi32>
    %add3A_6 = arith.addi %iota3A_3, %add3A_5 : vector<16xi32>
    %scan3A = arith.constant 0 : i32
    %scan3A_7 = arith.constant 0 : i32
    %scan3A_8 = arith.constant 32 : i32
    %scan3A_9 = arith.addi %scan3A_7, %scan3A_8 : i32
    %scan3A_10 = arith.constant 1 : i32
    scf.for %scan3A_12 = %scan3A_7 to %scan3A_9 step %scan3A_10  : i32 {
      %mul3A_13 = arith.constant 16 : i32
      %mul3A_14 = arith.muli %scan3A_12, %mul3A_13 : i32
      %get3A = arith.index_cast %mul3A_14 : i32 to index
      %get3A_15 = tpu.vector_load %arg6[%get3A] {strides = array<i32>} : memref<512xi32, #tpu.memory_space<vmem>>, vector<16xi32>,
      %mul3A_16 = arith.constant 16 : i32
      %mul3A_17 = arith.muli %scan3A_12, %mul3A_16 : i32
      %get3A_18 = arith.index_cast %mul3A_17 : i32 to index
      %get3A_19 = tpu.vector_load %arg7[%get3A_18] {strides = array<i32>} : memref<512xi32, #tpu.memory_space<vmem>>, vector<16xi32>,
      %broadcast_in_dim3A = arith.constant 0.000000e+00 : f32
      %broadcast_in_dim3A_20 = vector.broadcast %broadcast_in_dim3A : f32 to vector<16xf32>
      %slice3A = vector.extract_strided_slice %get3A_15 {offsets = [0], sizes = [1], strides = [1]} : vector<16xi32> to vector<1xi32>
      %squeeze3A = vector.extract %slice3A[0] : i32 from vector<1xi32>
      %shift_right_arithmetic3A = arith.constant 7 : i32
      %shift_right_arithmetic3A_21 = arith.shrsi %squeeze3A, %shift_right_arithmetic3A : i32
      %mul3A_22 = arith.constant 128 : i32
      %mul3A_23 = arith.muli %shift_right_arithmetic3A_21, %mul3A_22 : i32
      %multiple_of3A = tpu.assume_multiple %mul3A_23, 128 : i32
      %slice3A_24 = vector.extract_strided_slice %get3A_19 {offsets = [0], sizes = [1], strides = [1]} : vector<16xi32> to vector<1xi32>
      %squeeze3A_25 = vector.extract %slice3A_24[0] : i32 from vector<1xi32>
      %shift_right_arithmetic3A_26 = arith.constant 7 : i32
      %shift_right_arithmetic3A_27 = arith.shrsi %squeeze3A_25, %shift_right_arithmetic3A_26 : i32
      %mul3A_28 = arith.constant 128 : i32
      %mul3A_29 = arith.muli %shift_right_arithmetic3A_27, %mul3A_28 : i32
      %multiple_of3A_30 = tpu.assume_multiple %mul3A_29, 128 : i32
      %dma_start3A = arith.constant 0 : i32
      %dma_start3A_31 = arith.constant 0 : i32
      %dma_start3A_32 = arith.constant 0 : i32
      %dma_start3A_33 = arith.constant 0 : i32
      %dma_start3A_34 = tpu.memref_slice %arg8[%dma_start3A, %dma_start3A_31, %dma_start3A_32, %dma_start3A_33] : memref<2x4x32x128xf32, #tpu.memory_space<vmem>> -> memref<1x1x32x128xf32, #tpu.memory_space<vmem>>
      %dma_start3A_35 = tpu.memref_squeeze %dma_start3A_34 : memref<1x1x32x128xf32, #tpu.memory_space<vmem>> -> memref<32x128xf32, #tpu.memory_space<vmem>>
      %dma_start3A_36 = arith.constant 0 : i32
      %dma_start3A_37 = tpu.memref_slice %arg2[%dma_start3A_36, %multiple_of3A] : memref<32x1000000xf32, #tpu.memory_space<hbm>> -> memref<32x128xf32, #tpu.memory_space<hbm>>
      %dma_start3A_38 = arith.constant 0 : i32
      %dma_start3A_39 = arith.constant 0 : i32
      %dma_start3A_40 = tpu.memref_slice %arg8[%dma_start3A, %dma_start3A_31, %dma_start3A_38, %dma_start3A_39] : memref<2x4x32x128xf32, #tpu.memory_space<vmem>> -> memref<1x1x32x128xf32, #tpu.memory_space<vmem>>
      %dma_start3A_41 = tpu.memref_squeeze %dma_start3A_40 : memref<1x1x32x128xf32, #tpu.memory_space<vmem>> -> memref<32x128xf32, #tpu.memory_space<vmem>>
      %dma_start3A_42 = arith.constant 0 : i32
      %dma_start3A_43 = tpu.memref_slice %arg2[%dma_start3A_42, %multiple_of3A] : memref<32x1000000xf32, #tpu.memory_space<hbm>> -> memref<32x128xf32, #tpu.memory_space<hbm>>
      tpu.enqueue_dma source(%dma_start3A_43 : memref<32x128xf32, #tpu.memory_space<hbm>>) target(%dma_start3A_41 : memref<32x128xf32, #tpu.memory_space<vmem>>) target_semaphore(%arg11 : memref<!tpu.dma_semaphore, #tpu.memory_space<semaphore_mem>>)
      %dma_start3A_44 = arith.constant 0 : i32
      %dma_start3A_45 = arith.constant 0 : i32
      %dma_start3A_46 = arith.constant 0 : i32
      %dma_start3A_47 = arith.constant 0 : i32
      %dma_start3A_48 = tpu.memref_slice %arg9[%dma_start3A_44, %dma_start3A_45, %dma_start3A_46, %dma_start3A_47] : memref<2x4x32x128xf32, #tpu.memory_space<vmem>> -> memref<1x1x32x128xf32, #tpu.memory_space<vmem>>
      %dma_start3A_49 = tpu.memref_squeeze %dma_start3A_48 : memref<1x1x32x128xf32, #tpu.memory_space<vmem>> -> memref<32x128xf32, #tpu.memory_space<vmem>>
      %dma_start3A_50 = arith.constant 0 : i32
      %dma_start3A_51 = tpu.memref_slice %arg2[%dma_start3A_50, %multiple_of3A_30] : memref<32x1000000xf32, #tpu.memory_space<hbm>> -> memref<32x128xf32, #tpu.memory_space<hbm>>
      %dma_start3A_52 = arith.constant 0 : i32
      %dma_start3A_53 = arith.constant 0 : i32
      %dma_start3A_54 = tpu.memref_slice %arg9[%dma_start3A_44, %dma_start3A_45, %dma_start3A_52, %dma_start3A_53] : memref<2x4x32x128xf32, #tpu.memory_space<vmem>> -> memref<1x1x32x128xf32, #tpu.memory_space<vmem>>
      %dma_start3A_55 = tpu.memref_squeeze %dma_start3A_54 : memref<1x1x32x128xf32, #tpu.memory_space<vmem>> -> memref<32x128xf32, #tpu.memory_space<vmem>>
      %dma_start3A_56 = arith.constant 0 : i32
      %dma_start3A_57 = tpu.memref_slice %arg2[%dma_start3A_56, %multiple_of3A_30] : memref<32x1000000xf32, #tpu.memory_space<hbm>> -> memref<32x128xf32, #tpu.memory_space<hbm>>
      tpu.enqueue_dma source(%dma_start3A_57 : memref<32x128xf32, #tpu.memory_space<hbm>>) target(%dma_start3A_55 : memref<32x128xf32, #tpu.memory_space<vmem>>) target_semaphore(%arg12 : memref<!tpu.dma_semaphore, #tpu.memory_space<semaphore_mem>>)
      %slice3A_58 = vector.extract_strided_slice %get3A_15 {offsets = [1], sizes = [1], strides = [1]} : vector<16xi32> to vector<1xi32>
      %squeeze3A_59 = vector.extract %slice3A_58[0] : i32 from vector<1xi32>
      %shift_right_arithmetic3A_60 = arith.constant 7 : i32
      %shift_right_arithmetic3A_61 = arith.shrsi %squeeze3A_59, %shift_right_arithmetic3A_60 : i32
      %mul3A_62 = arith.constant 128 : i32
      %mul3A_63 = arith.muli %shift_right_arithmetic3A_61, %mul3A_62 : i32
      %multiple_of3A_64 = tpu.assume_multiple %mul3A_63, 128 : i32
      %slice3A_65 = vector.extract_strided_slice %get3A_19 {offsets = [1], sizes = [1], strides = [1]} : vector<16xi32> to vector<1xi32>
      %squeeze3A_66 = vector.extract %slice3A_65[0] : i32 from vector<1xi32>
      %shift_right_arithmetic3A_67 = arith.constant 7 : i32
      %shift_right_arithmetic3A_68 = arith.shrsi %squeeze3A_66, %shift_right_arithmetic3A_67 : i32
      %mul3A_69 = arith.constant 128 : i32
      %mul3A_70 = arith.muli %shift_right_arithmetic3A_68, %mul3A_69 : i32
      %multiple_of3A_71 = tpu.assume_multiple %mul3A_70, 128 : i32
      %dma_start3A_72 = arith.constant 0 : i32
      %dma_start3A_73 = arith.constant 1 : i32
      %dma_start3A_74 = arith.constant 0 : i32
      %dma_start3A_75 = arith.constant 0 : i32
      %dma_start3A_76 = tpu.memref_slice %arg8[%dma_start3A_72, %dma_start3A_73, %dma_start3A_74, %dma_start3A_75] : memref<2x4x32x128xf32, #tpu.memory_space<vmem>> -> memref<1x1x32x128xf32, #tpu.memory_space<vmem>>
      %dma_start3A_77 = tpu.memref_squeeze %dma_start3A_76 : memref<1x1x32x128xf32, #tpu.memory_space<vmem>> -> memref<32x128xf32, #tpu.memory_space<vmem>>
      %dma_start3A_78 = arith.constant 0 : i32
      %dma_start3A_79 = tpu.memref_slice %arg2[%dma_start3A_78, %multiple_of3A_64] : memref<32x1000000xf32, #tpu.memory_space<hbm>> -> memref<32x128xf32, #tpu.memory_space<hbm>>
      %dma_start3A_80 = arith.constant 0 : i32
      %dma_start3A_81 = arith.constant 0 : i32
      %dma_start3A_82 = tpu.memref_slice %arg8[%dma_start3A_72, %dma_start3A_73, %dma_start3A_80, %dma_start3A_81] : memref<2x4x32x128xf32, #tpu.memory_space<vmem>> -> memref<1x1x32x128xf32, #tpu.memory_space<vmem>>
      %dma_start3A_83 = tpu.memref_squeeze %dma_start3A_82 : memref<1x1x32x128xf32, #tpu.memory_space<vmem>> -> memref<32x128xf32, #tpu.memory_space<vmem>>
      %dma_start3A_84 = arith.constant 0 : i32
      %dma_start3A_85 = tpu.memref_slice %arg2[%dma_start3A_84, %multiple_of3A_64] : memref<32x1000000xf32, #tpu.memory_space<hbm>> -> memref<32x128xf32, #tpu.memory_space<hbm>>
      tpu.enqueue_dma source(%dma_start3A_85 : memref<32x128xf32, #tpu.memory_space<hbm>>) target(%dma_start3A_83 : memref<32x128xf32, #tpu.memory_space<vmem>>) target_semaphore(%arg11 : memref<!tpu.dma_semaphore, #tpu.memory_space<semaphore_mem>>)
      %dma_start3A_86 = arith.constant 0 : i32
      %dma_start3A_87 = arith.constant 1 : i32
      %dma_start3A_88 = arith.constant 0 : i32
      %dma_start3A_89 = arith.constant 0 : i32
      %dma_start3A_90 = tpu.memref_slice %arg9[%dma_start3A_86, %dma_start3A_87, %dma_start3A_88, %dma_start3A_89] : memref<2x4x32x128xf32, #tpu.memory_space<vmem>> -> memref<1x1x32x128xf32, #tpu.memory_space<vmem>>
      %dma_start3A_91 = tpu.memref_squeeze %dma_start3A_90 : memref<1x1x32x128xf32, #tpu.memory_space<vmem>> -> memref<32x128xf32, #tpu.memory_space<vmem>>
      %dma_start3A_92 = arith.constant 0 : i32
      %dma_start3A_93 = tpu.memref_slice %arg2[%dma_start3A_92, %multiple_of3A_71] : memref<32x1000000xf32, #tpu.memory_space<hbm>> -> memref<32x128xf32, #tpu.memory_space<hbm>>
      %dma_start3A_94 = arith.constant 0 : i32
      %dma_start3A_95 = arith.constant 0 : i32
      %dma_start3A_96 = tpu.memref_slice %arg9[%dma_start3A_86, %dma_start3A_87, %dma_start3A_94, %dma_start3A_95] : memref<2x4x32x128xf32, #tpu.memory_space<vmem>> -> memref<1x1x32x128xf32, #tpu.memory_space<vmem>>
      %dma_start3A_97 = tpu.memref_squeeze %dma_start3A_96 : memref<1x1x32x128xf32, #tpu.memory_space<vmem>> -> memref<32x128xf32, #tpu.memory_space<vmem>>
      %dma_start3A_98 = arith.constant 0 : i32
      %dma_start3A_99 = tpu.memref_slice %arg2[%dma_start3A_98, %multiple_of3A_71] : memref<32x1000000xf32, #tpu.memory_space<hbm>> -> memref<32x128xf32, #tpu.memory_space<hbm>>
      tpu.enqueue_dma source(%dma_start3A_99 : memref<32x128xf32, #tpu.memory_space<hbm>>) target(%dma_start3A_97 : memref<32x128xf32, #tpu.memory_space<vmem>>) target_semaphore(%arg12 : memref<!tpu.dma_semaphore, #tpu.memory_space<semaphore_mem>>)
      %slice3A_100 = vector.extract_strided_slice %get3A_15 {offsets = [2], sizes = [1], strides = [1]} : vector<16xi32> to vector<1xi32>
      %squeeze3A_101 = vector.extract %slice3A_100[0] : i32 from vector<1xi32>
      %shift_right_arithmetic3A_102 = arith.constant 7 : i32
      %shift_right_arithmetic3A_103 = arith.shrsi %squeeze3A_101, %shift_right_arithmetic3A_102 : i32
      %mul3A_104 = arith.constant 128 : i32
      %mul3A_105 = arith.muli %shift_right_arithmetic3A_103, %mul3A_104 : i32
      %multiple_of3A_106 = tpu.assume_multiple %mul3A_105, 128 : i32
      %slice3A_107 = vector.extract_strided_slice %get3A_19 {offsets = [2], sizes = [1], strides = [1]} : vector<16xi32> to vector<1xi32>
      %squeeze3A_108 = vector.extract %slice3A_107[0] : i32 from vector<1xi32>
      %shift_right_arithmetic3A_109 = arith.constant 7 : i32
      %shift_right_arithmetic3A_110 = arith.shrsi %squeeze3A_108, %shift_right_arithmetic3A_109 : i32
      %mul3A_111 = arith.constant 128 : i32
      %mul3A_112 = arith.muli %shift_right_arithmetic3A_110, %mul3A_111 : i32
      %multiple_of3A_113 = tpu.assume_multiple %mul3A_112, 128 : i32
      %dma_start3A_114 = arith.constant 0 : i32
      %dma_start3A_115 = arith.constant 2 : i32
      %dma_start3A_116 = arith.constant 0 : i32
      %dma_start3A_117 = arith.constant 0 : i32
      %dma_start3A_118 = tpu.memref_slice %arg8[%dma_start3A_114, %dma_start3A_115, %dma_start3A_116, %dma_start3A_117] : memref<2x4x32x128xf32, #tpu.memory_space<vmem>> -> memref<1x1x32x128xf32, #tpu.memory_space<vmem>>
      %dma_start3A_119 = tpu.memref_squeeze %dma_start3A_118 : memref<1x1x32x128xf32, #tpu.memory_space<vmem>> -> memref<32x128xf32, #tpu.memory_space<vmem>>
      %dma_start3A_120 = arith.constant 0 : i32
      %dma_start3A_121 = tpu.memref_slice %arg2[%dma_start3A_120, %multiple_of3A_106] : memref<32x1000000xf32, #tpu.memory_space<hbm>> -> memref<32x128xf32, #tpu.memory_space<hbm>>
      %dma_start3A_122 = arith.constant 0 : i32
      %dma_start3A_123 = arith.constant 0 : i32
      %dma_start3A_124 = tpu.memref_slice %arg8[%dma_start3A_114, %dma_start3A_115, %dma_start3A_122, %dma_start3A_123] : memref<2x4x32x128xf32, #tpu.memory_space<vmem>> -> memref<1x1x32x128xf32, #tpu.memory_space<vmem>>
      %dma_start3A_125 = tpu.memref_squeeze %dma_start3A_124 : memref<1x1x32x128xf32, #tpu.memory_space<vmem>> -> memref<32x128xf32, #tpu.memory_space<vmem>>
      %dma_start3A_126 = arith.constant 0 : i32
      %dma_start3A_127 = tpu.memref_slice %arg2[%dma_start3A_126, %multiple_of3A_106] : memref<32x1000000xf32, #tpu.memory_space<hbm>> -> memref<32x128xf32, #tpu.memory_space<hbm>>
      tpu.enqueue_dma source(%dma_start3A_127 : memref<32x128xf32, #tpu.memory_space<hbm>>) target(%dma_start3A_125 : memref<32x128xf32, #tpu.memory_space<vmem>>) target_semaphore(%arg11 : memref<!tpu.dma_semaphore, #tpu.memory_space<semaphore_mem>>)
      %dma_start3A_128 = arith.constant 0 : i32
      %dma_start3A_129 = arith.constant 2 : i32
      %dma_start3A_130 = arith.constant 0 : i32
      %dma_start3A_131 = arith.constant 0 : i32
      %dma_start3A_132 = tpu.memref_slice %arg9[%dma_start3A_128, %dma_start3A_129, %dma_start3A_130, %dma_start3A_131] : memref<2x4x32x128xf32, #tpu.memory_space<vmem>> -> memref<1x1x32x128xf32, #tpu.memory_space<vmem>>
      %dma_start3A_133 = tpu.memref_squeeze %dma_start3A_132 : memref<1x1x32x128xf32, #tpu.memory_space<vmem>> -> memref<32x128xf32, #tpu.memory_space<vmem>>
      %dma_start3A_134 = arith.constant 0 : i32
      %dma_start3A_135 = tpu.memref_slice %arg2[%dma_start3A_134, %multiple_of3A_113] : memref<32x1000000xf32, #tpu.memory_space<hbm>> -> memref<32x128xf32, #tpu.memory_space<hbm>>
      %dma_start3A_136 = arith.constant 0 : i32
      %dma_start3A_137 = arith.constant 0 : i32
      %dma_start3A_138 = tpu.memref_slice %arg9[%dma_start3A_128, %dma_start3A_129, %dma_start3A_136, %dma_start3A_137] : memref<2x4x32x128xf32, #tpu.memory_space<vmem>> -> memref<1x1x32x128xf32, #tpu.memory_space<vmem>>
      %dma_start3A_139 = tpu.memref_squeeze %dma_start3A_138 : memref<1x1x32x128xf32, #tpu.memory_space<vmem>> -> memref<32x128xf32, #tpu.memory_space<vmem>>
      %dma_start3A_140 = arith.constant 0 : i32
      %dma_start3A_141 = tpu.memref_slice %arg2[%dma_start3A_140, %multiple_of3A_113] : memref<32x1000000xf32, #tpu.memory_space<hbm>> -> memref<32x128xf32, #tpu.memory_space<hbm>>
      tpu.enqueue_dma source(%dma_start3A_141 : memref<32x128xf32, #tpu.memory_space<hbm>>) target(%dma_start3A_139 : memref<32x128xf32, #tpu.memory_space<vmem>>) target_semaphore(%arg12 : memref<!tpu.dma_semaphore, #tpu.memory_space<semaphore_mem>>)
      %slice3A_142 = vector.extract_strided_slice %get3A_15 {offsets = [3], sizes = [1], strides = [1]} : vector<16xi32> to vector<1xi32>
      %squeeze3A_143 = vector.extract %slice3A_142[0] : i32 from vector<1xi32>
      %shift_right_arithmetic3A_144 = arith.constant 7 : i32
      %shift_right_arithmetic3A_145 = arith.shrsi %squeeze3A_143, %shift_right_arithmetic3A_144 : i32
      %mul3A_146 = arith.constant 128 : i32
      %mul3A_147 = arith.muli %shift_right_arithmetic3A_145, %mul3A_146 : i32
      %multiple_of3A_148 = tpu.assume_multiple %mul3A_147, 128 : i32
      %slice3A_149 = vector.extract_strided_slice %get3A_19 {offsets = [3], sizes = [1], strides = [1]} : vector<16xi32> to vector<1xi32>
      %squeeze3A_150 = vector.extract %slice3A_149[0] : i32 from vector<1xi32>
      %shift_right_arithmetic3A_151 = arith.constant 7 : i32
      %shift_right_arithmetic3A_152 = arith.shrsi %squeeze3A_150, %shift_right_arithmetic3A_151 : i32
      %mul3A_153 = arith.constant 128 : i32
      %mul3A_154 = arith.muli %shift_right_arithmetic3A_152, %mul3A_153 : i32
      %multiple_of3A_155 = tpu.assume_multiple %mul3A_154, 128 : i32
      %dma_start3A_156 = arith.constant 0 : i32
      %dma_start3A_157 = arith.constant 3 : i32
      %dma_start3A_158 = arith.constant 0 : i32
      %dma_start3A_159 = arith.constant 0 : i32
      %dma_start3A_160 = tpu.memref_slice %arg8[%dma_start3A_156, %dma_start3A_157, %dma_start3A_158, %dma_start3A_159] : memref<2x4x32x128xf32, #tpu.memory_space<vmem>> -> memref<1x1x32x128xf32, #tpu.memory_space<vmem>>
      %dma_start3A_161 = tpu.memref_squeeze %dma_start3A_160 : memref<1x1x32x128xf32, #tpu.memory_space<vmem>> -> memref<32x128xf32, #tpu.memory_space<vmem>>
      %dma_start3A_162 = arith.constant 0 : i32
      %dma_start3A_163 = tpu.memref_slice %arg2[%dma_start3A_162, %multiple_of3A_148] : memref<32x1000000xf32, #tpu.memory_space<hbm>> -> memref<32x128xf32, #tpu.memory_space<hbm>>
      %dma_start3A_164 = arith.constant 0 : i32
      %dma_start3A_165 = arith.constant 0 : i32
      %dma_start3A_166 = tpu.memref_slice %arg8[%dma_start3A_156, %dma_start3A_157, %dma_start3A_164, %dma_start3A_165] : memref<2x4x32x128xf32, #tpu.memory_space<vmem>> -> memref<1x1x32x128xf32, #tpu.memory_space<vmem>>
      %dma_start3A_167 = tpu.memref_squeeze %dma_start3A_166 : memref<1x1x32x128xf32, #tpu.memory_space<vmem>> -> memref<32x128xf32, #tpu.memory_space<vmem>>
      %dma_start3A_168 = arith.constant 0 : i32
      %dma_start3A_169 = tpu.memref_slice %arg2[%dma_start3A_168, %multiple_of3A_148] : memref<32x1000000xf32, #tpu.memory_space<hbm>> -> memref<32x128xf32, #tpu.memory_space<hbm>>
      tpu.enqueue_dma source(%dma_start3A_169 : memref<32x128xf32, #tpu.memory_space<hbm>>) target(%dma_start3A_167 : memref<32x128xf32, #tpu.memory_space<vmem>>) target_semaphore(%arg11 : memref<!tpu.dma_semaphore, #tpu.memory_space<semaphore_mem>>)
      %dma_start3A_170 = arith.constant 0 : i32
      %dma_start3A_171 = arith.constant 3 : i32
      %dma_start3A_172 = arith.constant 0 : i32
      %dma_start3A_173 = arith.constant 0 : i32
      %dma_start3A_174 = tpu.memref_slice %arg9[%dma_start3A_170, %dma_start3A_171, %dma_start3A_172, %dma_start3A_173] : memref<2x4x32x128xf32, #tpu.memory_space<vmem>> -> memref<1x1x32x128xf32, #tpu.memory_space<vmem>>
      %dma_start3A_175 = tpu.memref_squeeze %dma_start3A_174 : memref<1x1x32x128xf32, #tpu.memory_space<vmem>> -> memref<32x128xf32, #tpu.memory_space<vmem>>
      %dma_start3A_176 = arith.constant 0 : i32
      %dma_start3A_177 = tpu.memref_slice %arg2[%dma_start3A_176, %multiple_of3A_155] : memref<32x1000000xf32, #tpu.memory_space<hbm>> -> memref<32x128xf32, #tpu.memory_space<hbm>>
      %dma_start3A_178 = arith.constant 0 : i32
      %dma_start3A_179 = arith.constant 0 : i32
      %dma_start3A_180 = tpu.memref_slice %arg9[%dma_start3A_170, %dma_start3A_171, %dma_start3A_178, %dma_start3A_179] : memref<2x4x32x128xf32, #tpu.memory_space<vmem>> -> memref<1x1x32x128xf32, #tpu.memory_space<vmem>>
      %dma_start3A_181 = tpu.memref_squeeze %dma_start3A_180 : memref<1x1x32x128xf32, #tpu.memory_space<vmem>> -> memref<32x128xf32, #tpu.memory_space<vmem>>
      %dma_start3A_182 = arith.constant 0 : i32
      %dma_start3A_183 = tpu.memref_slice %arg2[%dma_start3A_182, %multiple_of3A_155] : memref<32x1000000xf32, #tpu.memory_space<hbm>> -> memref<32x128xf32, #tpu.memory_space<hbm>>
      tpu.enqueue_dma source(%dma_start3A_183 : memref<32x128xf32, #tpu.memory_space<hbm>>) target(%dma_start3A_181 : memref<32x128xf32, #tpu.memory_space<vmem>>) target_semaphore(%arg12 : memref<!tpu.dma_semaphore, #tpu.memory_space<semaphore_mem>>)
      %slice3A_184 = vector.extract_strided_slice %get3A_15 {offsets = [4], sizes = [1], strides = [1]} : vector<16xi32> to vector<1xi32>
      %squeeze3A_185 = vector.extract %slice3A_184[0] : i32 from vector<1xi32>
      %shift_right_arithmetic3A_186 = arith.constant 7 : i32
      %shift_right_arithmetic3A_187 = arith.shrsi %squeeze3A_185, %shift_right_arithmetic3A_186 : i32
      %mul3A_188 = arith.constant 128 : i32
      %mul3A_189 = arith.muli %shift_right_arithmetic3A_187, %mul3A_188 : i32
      %multiple_of3A_190 = tpu.assume_multiple %mul3A_189, 128 : i32
      %slice3A_191 = vector.extract_strided_slice %get3A_19 {offsets = [4], sizes = [1], strides = [1]} : vector<16xi32> to vector<1xi32>
      %squeeze3A_192 = vector.extract %slice3A_191[0] : i32 from vector<1xi32>
      %shift_right_arithmetic3A_193 = arith.constant 7 : i32
      %shift_right_arithmetic3A_194 = arith.shrsi %squeeze3A_192, %shift_right_arithmetic3A_193 : i32
      %mul3A_195 = arith.constant 128 : i32
      %mul3A_196 = arith.muli %shift_right_arithmetic3A_194, %mul3A_195 : i32
      %multiple_of3A_197 = tpu.assume_multiple %mul3A_196, 128 : i32
      %dma_start3A_198 = arith.constant 1 : i32
      %dma_start3A_199 = arith.constant 0 : i32
      %dma_start3A_200 = arith.constant 0 : i32
      %dma_start3A_201 = arith.constant 0 : i32
      %dma_start3A_202 = tpu.memref_slice %arg8[%dma_start3A_198, %dma_start3A_199, %dma_start3A_200, %dma_start3A_201] : memref<2x4x32x128xf32, #tpu.memory_space<vmem>> -> memref<1x1x32x128xf32, #tpu.memory_space<vmem>>
      %dma_start3A_203 = tpu.memref_squeeze %dma_start3A_202 : memref<1x1x32x128xf32, #tpu.memory_space<vmem>> -> memref<32x128xf32, #tpu.memory_space<vmem>>
      %dma_start3A_204 = arith.constant 0 : i32
      %dma_start3A_205 = tpu.memref_slice %arg2[%dma_start3A_204, %multiple_of3A_190] : memref<32x1000000xf32, #tpu.memory_space<hbm>> -> memref<32x128xf32, #tpu.memory_space<hbm>>
      %dma_start3A_206 = arith.constant 0 : i32
      %dma_start3A_207 = arith.constant 0 : i32
      %dma_start3A_208 = tpu.memref_slice %arg8[%dma_start3A_198, %dma_start3A_199, %dma_start3A_206, %dma_start3A_207] : memref<2x4x32x128xf32, #tpu.memory_space<vmem>> -> memref<1x1x32x128xf32, #tpu.memory_space<vmem>>
      %dma_start3A_209 = tpu.memref_squeeze %dma_start3A_208 : memref<1x1x32x128xf32, #tpu.memory_space<vmem>> -> memref<32x128xf32, #tpu.memory_space<vmem>>
      %dma_start3A_210 = arith.constant 0 : i32
      %dma_start3A_211 = tpu.memref_slice %arg2[%dma_start3A_210, %multiple_of3A_190] : memref<32x1000000xf32, #tpu.memory_space<hbm>> -> memref<32x128xf32, #tpu.memory_space<hbm>>
      tpu.enqueue_dma source(%dma_start3A_211 : memref<32x128xf32, #tpu.memory_space<hbm>>) target(%dma_start3A_209 : memref<32x128xf32, #tpu.memory_space<vmem>>) target_semaphore(%arg11 : memref<!tpu.dma_semaphore, #tpu.memory_space<semaphore_mem>>)
      %dma_start3A_212 = arith.constant 1 : i32
      %dma_start3A_213 = arith.constant 0 : i32
      %dma_start3A_214 = arith.constant 0 : i32
      %dma_start3A_215 = arith.constant 0 : i32
      %dma_start3A_216 = tpu.memref_slice %arg9[%dma_start3A_212, %dma_start3A_213, %dma_start3A_214, %dma_start3A_215] : memref<2x4x32x128xf32, #tpu.memory_space<vmem>> -> memref<1x1x32x128xf32, #tpu.memory_space<vmem>>
      %dma_start3A_217 = tpu.memref_squeeze %dma_start3A_216 : memref<1x1x32x128xf32, #tpu.memory_space<vmem>> -> memref<32x128xf32, #tpu.memory_space<vmem>>
      %dma_start3A_218 = arith.constant 0 : i32
      %dma_start3A_219 = tpu.memref_slice %arg2[%dma_start3A_218, %multiple_of3A_197] : memref<32x1000000xf32, #tpu.memory_space<hbm>> -> memref<32x128xf32, #tpu.memory_space<hbm>>
      %dma_start3A_220 = arith.constant 0 : i32
      %dma_start3A_221 = arith.constant 0 : i32
      %dma_start3A_222 = tpu.memref_slice %arg9[%dma_start3A_212, %dma_start3A_213, %dma_start3A_220, %dma_start3A_221] : memref<2x4x32x128xf32, #tpu.memory_space<vmem>> -> memref<1x1x32x128xf32, #tpu.memory_space<vmem>>
      %dma_start3A_223 = tpu.memref_squeeze %dma_start3A_222 : memref<1x1x32x128xf32, #tpu.memory_space<vmem>> -> memref<32x128xf32, #tpu.memory_space<vmem>>
      %dma_start3A_224 = arith.constant 0 : i32
      %dma_start3A_225 = tpu.memref_slice %arg2[%dma_start3A_224, %multiple_of3A_197] : memref<32x1000000xf32, #tpu.memory_space<hbm>> -> memref<32x128xf32, #tpu.memory_space<hbm>>
      tpu.enqueue_dma source(%dma_start3A_225 : memref<32x128xf32, #tpu.memory_space<hbm>>) target(%dma_start3A_223 : memref<32x128xf32, #tpu.memory_space<vmem>>) target_semaphore(%arg12 : memref<!tpu.dma_semaphore, #tpu.memory_space<semaphore_mem>>)
      %slice3A_226 = vector.extract_strided_slice %get3A_15 {offsets = [5], sizes = [1], strides = [1]} : vector<16xi32> to vector<1xi32>
      %squeeze3A_227 = vector.extract %slice3A_226[0] : i32 from vector<1xi32>
      %shift_right_arithmetic3A_228 = arith.constant 7 : i32
      %shift_right_arithmetic3A_229 = arith.shrsi %squeeze3A_227, %shift_right_arithmetic3A_228 : i32
      %mul3A_230 = arith.constant 128 : i32
      %mul3A_231 = arith.muli %shift_right_arithmetic3A_229, %mul3A_230 : i32
      %multiple_of3A_232 = tpu.assume_multiple %mul3A_231, 128 : i32
      %slice3A_233 = vector.extract_strided_slice %get3A_19 {offsets = [5], sizes = [1], strides = [1]} : vector<16xi32> to vector<1xi32>
      %squeeze3A_234 = vector.extract %slice3A_233[0] : i32 from vector<1xi32>
      %shift_right_arithmetic3A_235 = arith.constant 7 : i32
      %shift_right_arithmetic3A_236 = arith.shrsi %squeeze3A_234, %shift_right_arithmetic3A_235 : i32
      %mul3A_237 = arith.constant 128 : i32
      %mul3A_238 = arith.muli %shift_right_arithmetic3A_236, %mul3A_237 : i32
      %multiple_of3A_239 = tpu.assume_multiple %mul3A_238, 128 : i32
      %dma_start3A_240 = arith.constant 1 : i32
      %dma_start3A_241 = arith.constant 1 : i32
      %dma_start3A_242 = arith.constant 0 : i32
      %dma_start3A_243 = arith.constant 0 : i32
      %dma_start3A_244 = tpu.memref_slice %arg8[%dma_start3A_240, %dma_start3A_241, %dma_start3A_242, %dma_start3A_243] : memref<2x4x32x128xf32, #tpu.memory_space<vmem>> -> memref<1x1x32x128xf32, #tpu.memory_space<vmem>>
      %dma_start3A_245 = tpu.memref_squeeze %dma_start3A_244 : memref<1x1x32x128xf32, #tpu.memory_space<vmem>> -> memref<32x128xf32, #tpu.memory_space<vmem>>
      %dma_start3A_246 = arith.constant 0 : i32
      %dma_start3A_247 = tpu.memref_slice %arg2[%dma_start3A_246, %multiple_of3A_232] : memref<32x1000000xf32, #tpu.memory_space<hbm>> -> memref<32x128xf32, #tpu.memory_space<hbm>>
      %dma_start3A_248 = arith.constant 0 : i32
      %dma_start3A_249 = arith.constant 0 : i32
      %dma_start3A_250 = tpu.memref_slice %arg8[%dma_start3A_240, %dma_start3A_241, %dma_start3A_248, %dma_start3A_249] : memref<2x4x32x128xf32, #tpu.memory_space<vmem>> -> memref<1x1x32x128xf32, #tpu.memory_space<vmem>>
      %dma_start3A_251 = tpu.memref_squeeze %dma_start3A_250 : memref<1x1x32x128xf32, #tpu.memory_space<vmem>> -> memref<32x128xf32, #tpu.memory_space<vmem>>
      %dma_start3A_252 = arith.constant 0 : i32
      %dma_start3A_253 = tpu.memref_slice %arg2[%dma_start3A_252, %multiple_of3A_232] : memref<32x1000000xf32, #tpu.memory_space<hbm>> -> memref<32x128xf32, #tpu.memory_space<hbm>>
      tpu.enqueue_dma source(%dma_start3A_253 : memref<32x128xf32, #tpu.memory_space<hbm>>) target(%dma_start3A_251 : memref<32x128xf32, #tpu.memory_space<vmem>>) target_semaphore(%arg11 : memref<!tpu.dma_semaphore, #tpu.memory_space<semaphore_mem>>)
      %dma_start3A_254 = arith.constant 1 : i32
      %dma_start3A_255 = arith.constant 1 : i32
      %dma_start3A_256 = arith.constant 0 : i32
      %dma_start3A_257 = arith.constant 0 : i32
      %dma_start3A_258 = tpu.memref_slice %arg9[%dma_start3A_254, %dma_start3A_255, %dma_start3A_256, %dma_start3A_257] : memref<2x4x32x128xf32, #tpu.memory_space<vmem>> -> memref<1x1x32x128xf32, #tpu.memory_space<vmem>>
      %dma_start3A_259 = tpu.memref_squeeze %dma_start3A_258 : memref<1x1x32x128xf32, #tpu.memory_space<vmem>> -> memref<32x128xf32, #tpu.memory_space<vmem>>
      %dma_start3A_260 = arith.constant 0 : i32
      %dma_start3A_261 = tpu.memref_slice %arg2[%dma_start3A_260, %multiple_of3A_239] : memref<32x1000000xf32, #tpu.memory_space<hbm>> -> memref<32x128xf32, #tpu.memory_space<hbm>>
      %dma_start3A_262 = arith.constant 0 : i32
      %dma_start3A_263 = arith.constant 0 : i32
      %dma_start3A_264 = tpu.memref_slice %arg9[%dma_start3A_254, %dma_start3A_255, %dma_start3A_262, %dma_start3A_263] : memref<2x4x32x128xf32, #tpu.memory_space<vmem>> -> memref<1x1x32x128xf32, #tpu.memory_space<vmem>>
      %dma_start3A_265 = tpu.memref_squeeze %dma_start3A_264 : memref<1x1x32x128xf32, #tpu.memory_space<vmem>> -> memref<32x128xf32, #tpu.memory_space<vmem>>
      %dma_start3A_266 = arith.constant 0 : i32
      %dma_start3A_267 = tpu.memref_slice %arg2[%dma_start3A_266, %multiple_of3A_239] : memref<32x1000000xf32, #tpu.memory_space<hbm>> -> memref<32x128xf32, #tpu.memory_space<hbm>>
      tpu.enqueue_dma source(%dma_start3A_267 : memref<32x128xf32, #tpu.memory_space<hbm>>) target(%dma_start3A_265 : memref<32x128xf32, #tpu.memory_space<vmem>>) target_semaphore(%arg12 : memref<!tpu.dma_semaphore, #tpu.memory_space<semaphore_mem>>)
      %slice3A_268 = vector.extract_strided_slice %get3A_15 {offsets = [6], sizes = [1], strides = [1]} : vector<16xi32> to vector<1xi32>
      %squeeze3A_269 = vector.extract %slice3A_268[0] : i32 from vector<1xi32>
      %shift_right_arithmetic3A_270 = arith.constant 7 : i32
      %shift_right_arithmetic3A_271 = arith.shrsi %squeeze3A_269, %shift_right_arithmetic3A_270 : i32
      %mul3A_272 = arith.constant 128 : i32
      %mul3A_273 = arith.muli %shift_right_arithmetic3A_271, %mul3A_272 : i32
      %multiple_of3A_274 = tpu.assume_multiple %mul3A_273, 128 : i32
      %slice3A_275 = vector.extract_strided_slice %get3A_19 {offsets = [6], sizes = [1], strides = [1]} : vector<16xi32> to vector<1xi32>
      %squeeze3A_276 = vector.extract %slice3A_275[0] : i32 from vector<1xi32>
      %shift_right_arithmetic3A_277 = arith.constant 7 : i32
      %shift_right_arithmetic3A_278 = arith.shrsi %squeeze3A_276, %shift_right_arithmetic3A_277 : i32
      %mul3A_279 = arith.constant 128 : i32
      %mul3A_280 = arith.muli %shift_right_arithmetic3A_278, %mul3A_279 : i32
      %multiple_of3A_281 = tpu.assume_multiple %mul3A_280, 128 : i32
      %dma_start3A_282 = arith.constant 1 : i32
      %dma_start3A_283 = arith.constant 2 : i32
      %dma_start3A_284 = arith.constant 0 : i32
      %dma_start3A_285 = arith.constant 0 : i32
      %dma_start3A_286 = tpu.memref_slice %arg8[%dma_start3A_282, %dma_start3A_283, %dma_start3A_284, %dma_start3A_285] : memref<2x4x32x128xf32, #tpu.memory_space<vmem>> -> memref<1x1x32x128xf32, #tpu.memory_space<vmem>>
      %dma_start3A_287 = tpu.memref_squeeze %dma_start3A_286 : memref<1x1x32x128xf32, #tpu.memory_space<vmem>> -> memref<32x128xf32, #tpu.memory_space<vmem>>
      %dma_start3A_288 = arith.constant 0 : i32
      %dma_start3A_289 = tpu.memref_slice %arg2[%dma_start3A_288, %multiple_of3A_274] : memref<32x1000000xf32, #tpu.memory_space<hbm>> -> memref<32x128xf32, #tpu.memory_space<hbm>>
      %dma_start3A_290 = arith.constant 0 : i32
      %dma_start3A_291 = arith.constant 0 : i32
      %dma_start3A_292 = tpu.memref_slice %arg8[%dma_start3A_282, %dma_start3A_283, %dma_start3A_290, %dma_start3A_291] : memref<2x4x32x128xf32, #tpu.memory_space<vmem>> -> memref<1x1x32x128xf32, #tpu.memory_space<vmem>>
      %dma_start3A_293 = tpu.memref_squeeze %dma_start3A_292 : memref<1x1x32x128xf32, #tpu.memory_space<vmem>> -> memref<32x128xf32, #tpu.memory_space<vmem>>
      %dma_start3A_294 = arith.constant 0 : i32
      %dma_start3A_295 = tpu.memref_slice %arg2[%dma_start3A_294, %multiple_of3A_274] : memref<32x1000000xf32, #tpu.memory_space<hbm>> -> memref<32x128xf32, #tpu.memory_space<hbm>>
      tpu.enqueue_dma source(%dma_start3A_295 : memref<32x128xf32, #tpu.memory_space<hbm>>) target(%dma_start3A_293 : memref<32x128xf32, #tpu.memory_space<vmem>>) target_semaphore(%arg11 : memref<!tpu.dma_semaphore, #tpu.memory_space<semaphore_mem>>)
      %dma_start3A_296 = arith.constant 1 : i32
      %dma_start3A_297 = arith.constant 2 : i32
      %dma_start3A_298 = arith.constant 0 : i32
      %dma_start3A_299 = arith.constant 0 : i32
      %dma_start3A_300 = tpu.memref_slice %arg9[%dma_start3A_296, %dma_start3A_297, %dma_start3A_298, %dma_start3A_299] : memref<2x4x32x128xf32, #tpu.memory_space<vmem>> -> memref<1x1x32x128xf32, #tpu.memory_space<vmem>>
      %dma_start3A_301 = tpu.memref_squeeze %dma_start3A_300 : memref<1x1x32x128xf32, #tpu.memory_space<vmem>> -> memref<32x128xf32, #tpu.memory_space<vmem>>
      %dma_start3A_302 = arith.constant 0 : i32
      %dma_start3A_303 = tpu.memref_slice %arg2[%dma_start3A_302, %multiple_of3A_281] : memref<32x1000000xf32, #tpu.memory_space<hbm>> -> memref<32x128xf32, #tpu.memory_space<hbm>>
      %dma_start3A_304 = arith.constant 0 : i32
      %dma_start3A_305 = arith.constant 0 : i32
      %dma_start3A_306 = tpu.memref_slice %arg9[%dma_start3A_296, %dma_start3A_297, %dma_start3A_304, %dma_start3A_305] : memref<2x4x32x128xf32, #tpu.memory_space<vmem>> -> memref<1x1x32x128xf32, #tpu.memory_space<vmem>>
      %dma_start3A_307 = tpu.memref_squeeze %dma_start3A_306 : memref<1x1x32x128xf32, #tpu.memory_space<vmem>> -> memref<32x128xf32, #tpu.memory_space<vmem>>
      %dma_start3A_308 = arith.constant 0 : i32
      %dma_start3A_309 = tpu.memref_slice %arg2[%dma_start3A_308, %multiple_of3A_281] : memref<32x1000000xf32, #tpu.memory_space<hbm>> -> memref<32x128xf32, #tpu.memory_space<hbm>>
      tpu.enqueue_dma source(%dma_start3A_309 : memref<32x128xf32, #tpu.memory_space<hbm>>) target(%dma_start3A_307 : memref<32x128xf32, #tpu.memory_space<vmem>>) target_semaphore(%arg12 : memref<!tpu.dma_semaphore, #tpu.memory_space<semaphore_mem>>)
      %slice3A_310 = vector.extract_strided_slice %get3A_15 {offsets = [7], sizes = [1], strides = [1]} : vector<16xi32> to vector<1xi32>
      %squeeze3A_311 = vector.extract %slice3A_310[0] : i32 from vector<1xi32>
      %shift_right_arithmetic3A_312 = arith.constant 7 : i32
      %shift_right_arithmetic3A_313 = arith.shrsi %squeeze3A_311, %shift_right_arithmetic3A_312 : i32
      %mul3A_314 = arith.constant 128 : i32
      %mul3A_315 = arith.muli %shift_right_arithmetic3A_313, %mul3A_314 : i32
      %multiple_of3A_316 = tpu.assume_multiple %mul3A_315, 128 : i32
      %slice3A_317 = vector.extract_strided_slice %get3A_19 {offsets = [7], sizes = [1], strides = [1]} : vector<16xi32> to vector<1xi32>
      %squeeze3A_318 = vector.extract %slice3A_317[0] : i32 from vector<1xi32>
      %shift_right_arithmetic3A_319 = arith.constant 7 : i32
      %shift_right_arithmetic3A_320 = arith.shrsi %squeeze3A_318, %shift_right_arithmetic3A_319 : i32
      %mul3A_321 = arith.constant 128 : i32
      %mul3A_322 = arith.muli %shift_right_arithmetic3A_320, %mul3A_321 : i32
      %multiple_of3A_323 = tpu.assume_multiple %mul3A_322, 128 : i32
      %dma_start3A_324 = arith.constant 1 : i32
      %dma_start3A_325 = arith.constant 3 : i32
      %dma_start3A_326 = arith.constant 0 : i32
      %dma_start3A_327 = arith.constant 0 : i32
      %dma_start3A_328 = tpu.memref_slice %arg8[%dma_start3A_324, %dma_start3A_325, %dma_start3A_326, %dma_start3A_327] : memref<2x4x32x128xf32, #tpu.memory_space<vmem>> -> memref<1x1x32x128xf32, #tpu.memory_space<vmem>>
      %dma_start3A_329 = tpu.memref_squeeze %dma_start3A_328 : memref<1x1x32x128xf32, #tpu.memory_space<vmem>> -> memref<32x128xf32, #tpu.memory_space<vmem>>
      %dma_start3A_330 = arith.constant 0 : i32
      %dma_start3A_331 = tpu.memref_slice %arg2[%dma_start3A_330, %multiple_of3A_316] : memref<32x1000000xf32, #tpu.memory_space<hbm>> -> memref<32x128xf32, #tpu.memory_space<hbm>>
      %dma_start3A_332 = arith.constant 0 : i32
      %dma_start3A_333 = arith.constant 0 : i32
      %dma_start3A_334 = tpu.memref_slice %arg8[%dma_start3A_324, %dma_start3A_325, %dma_start3A_332, %dma_start3A_333] : memref<2x4x32x128xf32, #tpu.memory_space<vmem>> -> memref<1x1x32x128xf32, #tpu.memory_space<vmem>>
      %dma_start3A_335 = tpu.memref_squeeze %dma_start3A_334 : memref<1x1x32x128xf32, #tpu.memory_space<vmem>> -> memref<32x128xf32, #tpu.memory_space<vmem>>
      %dma_start3A_336 = arith.constant 0 : i32
      %dma_start3A_337 = tpu.memref_slice %arg2[%dma_start3A_336, %multiple_of3A_316] : memref<32x1000000xf32, #tpu.memory_space<hbm>> -> memref<32x128xf32, #tpu.memory_space<hbm>>
      tpu.enqueue_dma source(%dma_start3A_337 : memref<32x128xf32, #tpu.memory_space<hbm>>) target(%dma_start3A_335 : memref<32x128xf32, #tpu.memory_space<vmem>>) target_semaphore(%arg11 : memref<!tpu.dma_semaphore, #tpu.memory_space<semaphore_mem>>)
      %dma_start3A_338 = arith.constant 1 : i32
      %dma_start3A_339 = arith.constant 3 : i32
      %dma_start3A_340 = arith.constant 0 : i32
      %dma_start3A_341 = arith.constant 0 : i32
      %dma_start3A_342 = tpu.memref_slice %arg9[%dma_start3A_338, %dma_start3A_339, %dma_start3A_340, %dma_start3A_341] : memref<2x4x32x128xf32, #tpu.memory_space<vmem>> -> memref<1x1x32x128xf32, #tpu.memory_space<vmem>>
      %dma_start3A_343 = tpu.memref_squeeze %dma_start3A_342 : memref<1x1x32x128xf32, #tpu.memory_space<vmem>> -> memref<32x128xf32, #tpu.memory_space<vmem>>
      %dma_start3A_344 = arith.constant 0 : i32
      %dma_start3A_345 = tpu.memref_slice %arg2[%dma_start3A_344, %multiple_of3A_323] : memref<32x1000000xf32, #tpu.memory_space<hbm>> -> memref<32x128xf32, #tpu.memory_space<hbm>>
      %dma_start3A_346 = arith.constant 0 : i32
      %dma_start3A_347 = arith.constant 0 : i32
      %dma_start3A_348 = tpu.memref_slice %arg9[%dma_start3A_338, %dma_start3A_339, %dma_start3A_346, %dma_start3A_347] : memref<2x4x32x128xf32, #tpu.memory_space<vmem>> -> memref<1x1x32x128xf32, #tpu.memory_space<vmem>>
      %dma_start3A_349 = tpu.memref_squeeze %dma_start3A_348 : memref<1x1x32x128xf32, #tpu.memory_space<vmem>> -> memref<32x128xf32, #tpu.memory_space<vmem>>
      %dma_start3A_350 = arith.constant 0 : i32
      %dma_start3A_351 = tpu.memref_slice %arg2[%dma_start3A_350, %multiple_of3A_323] : memref<32x1000000xf32, #tpu.memory_space<hbm>> -> memref<32x128xf32, #tpu.memory_space<hbm>>
      tpu.enqueue_dma source(%dma_start3A_351 : memref<32x128xf32, #tpu.memory_space<hbm>>) target(%dma_start3A_349 : memref<32x128xf32, #tpu.memory_space<vmem>>) target_semaphore(%arg12 : memref<!tpu.dma_semaphore, #tpu.memory_space<semaphore_mem>>)
      %dma_wait3A = arith.constant 0 : i32
      %dma_wait3A_352 = arith.constant 0 : i32
      %dma_wait3A_353 = arith.constant 0 : i32
      %dma_wait3A_354 = arith.constant 0 : i32
      %dma_wait3A_355 = tpu.memref_slice %arg8[%dma_wait3A, %dma_wait3A_352, %dma_wait3A_353, %dma_wait3A_354] : memref<2x4x32x128xf32, #tpu.memory_space<vmem>> -> memref<1x4x32x128xf32, #tpu.memory_space<vmem>>
      %dma_wait3A_356 = tpu.memref_squeeze %dma_wait3A_355 : memref<1x4x32x128xf32, #tpu.memory_space<vmem>> -> memref<4x32x128xf32, #tpu.memory_space<vmem>>
      %dma_wait3A_357 = arith.constant 0 : i32
      %dma_wait3A_358 = arith.constant 0 : i32
      %dma_wait3A_359 = tpu.memref_slice %arg2[%dma_wait3A_357, %dma_wait3A_358] : memref<32x1000000xf32, #tpu.memory_space<hbm>> -> memref<32x512xf32, #tpu.memory_space<hbm>>
      %dma_wait3A_360 = arith.constant 0 : i32
      %dma_wait3A_361 = arith.constant 0 : i32
      %dma_wait3A_362 = arith.constant 0 : i32
      %dma_wait3A_363 = tpu.memref_slice %arg8[%dma_wait3A, %dma_wait3A_360, %dma_wait3A_361, %dma_wait3A_362] : memref<2x4x32x128xf32, #tpu.memory_space<vmem>> -> memref<1x4x32x128xf32, #tpu.memory_space<vmem>>
      %dma_wait3A_364 = tpu.memref_squeeze %dma_wait3A_363 : memref<1x4x32x128xf32, #tpu.memory_space<vmem>> -> memref<4x32x128xf32, #tpu.memory_space<vmem>>
      %dma_wait3A_365 = arith.constant 0 : i32
      %dma_wait3A_366 = arith.constant 0 : i32
      %dma_wait3A_367 = tpu.memref_slice %arg2[%dma_wait3A_365, %dma_wait3A_366] : memref<32x1000000xf32, #tpu.memory_space<hbm>> -> memref<32x512xf32, #tpu.memory_space<hbm>>
      tpu.wait_dma2 semaphore(%arg11 : memref<!tpu.dma_semaphore, #tpu.memory_space<semaphore_mem>>) src(%dma_wait3A_367 : memref<32x512xf32, #tpu.memory_space<hbm>>) dst(%dma_wait3A_364 : memref<4x32x128xf32, #tpu.memory_space<vmem>>)
      %dma_wait3A_368 = arith.constant 0 : i32
      %dma_wait3A_369 = arith.constant 0 : i32
      %dma_wait3A_370 = arith.constant 0 : i32
      %dma_wait3A_371 = arith.constant 0 : i32
      %dma_wait3A_372 = tpu.memref_slice %arg9[%dma_wait3A_368, %dma_wait3A_369, %dma_wait3A_370, %dma_wait3A_371] : memref<2x4x32x128xf32, #tpu.memory_space<vmem>> -> memref<1x4x32x128xf32, #tpu.memory_space<vmem>>
      %dma_wait3A_373 = tpu.memref_squeeze %dma_wait3A_372 : memref<1x4x32x128xf32, #tpu.memory_space<vmem>> -> memref<4x32x128xf32, #tpu.memory_space<vmem>>
      %dma_wait3A_374 = arith.constant 0 : i32
      %dma_wait3A_375 = arith.constant 0 : i32
      %dma_wait3A_376 = tpu.memref_slice %arg2[%dma_wait3A_374, %dma_wait3A_375] : memref<32x1000000xf32, #tpu.memory_space<hbm>> -> memref<32x512xf32, #tpu.memory_space<hbm>>
      %dma_wait3A_377 = arith.constant 0 : i32
      %dma_wait3A_378 = arith.constant 0 : i32
      %dma_wait3A_379 = arith.constant 0 : i32
      %dma_wait3A_380 = tpu.memref_slice %arg9[%dma_wait3A_368, %dma_wait3A_377, %dma_wait3A_378, %dma_wait3A_379] : memref<2x4x32x128xf32, #tpu.memory_space<vmem>> -> memref<1x4x32x128xf32, #tpu.memory_space<vmem>>
      %dma_wait3A_381 = tpu.memref_squeeze %dma_wait3A_380 : memref<1x4x32x128xf32, #tpu.memory_space<vmem>> -> memref<4x32x128xf32, #tpu.memory_space<vmem>>
      %dma_wait3A_382 = arith.constant 0 : i32
      %dma_wait3A_383 = arith.constant 0 : i32
      %dma_wait3A_384 = tpu.memref_slice %arg2[%dma_wait3A_382, %dma_wait3A_383] : memref<32x1000000xf32, #tpu.memory_space<hbm>> -> memref<32x512xf32, #tpu.memory_space<hbm>>
      tpu.wait_dma2 semaphore(%arg12 : memref<!tpu.dma_semaphore, #tpu.memory_space<semaphore_mem>>) src(%dma_wait3A_384 : memref<32x512xf32, #tpu.memory_space<hbm>>) dst(%dma_wait3A_381 : memref<4x32x128xf32, #tpu.memory_space<vmem>>)
      %slice3A_385 = vector.extract_strided_slice %get3A_15 {offsets = [0], sizes = [1], strides = [1]} : vector<16xi32> to vector<1xi32>
      %squeeze3A_386 = vector.extract %slice3A_385[0] : i32 from vector<1xi32>
      %and3A = arith.constant 127 : i32
      %and3A_387 = arith.andi %squeeze3A_386, %and3A : i32
      %broadcast_in_dim3A_388 = vector.broadcast %and3A_387 : i32 to vector<16xi32>
      %slice3A_389 = vector.extract_strided_slice %get3A_19 {offsets = [0], sizes = [1], strides = [1]} : vector<16xi32> to vector<1xi32>
      %squeeze3A_390 = vector.extract %slice3A_389[0] : i32 from vector<1xi32>
      %and3A_391 = arith.constant 127 : i32
      %and3A_392 = arith.andi %squeeze3A_390, %and3A_391 : i32
      %broadcast_in_dim3A_393 = vector.broadcast %and3A_392 : i32 to vector<16xi32>
      %gather3A = arith.constant 0 : i32
      %gather3A_394 = arith.constant 0 : i32
      %gather3A_395 = arith.constant 0 : i32
      %gather3A_396 = arith.constant 0 : i32
      %gather3A_397 = tpu.memref_slice %arg8[%gather3A, %gather3A_394, %gather3A_395, %gather3A_396] : memref<2x4x32x128xf32, #tpu.memory_space<vmem>> -> memref<1x1x32x128xf32, #tpu.memory_space<vmem>>
      %gather3A_398 = tpu.memref_squeeze %gather3A_397 : memref<1x1x32x128xf32, #tpu.memory_space<vmem>> -> memref<32x128xf32, #tpu.memory_space<vmem>>
      %gather3A_399 = tpu.vector_load_idx %gather3A_398[%iota3A_3, %broadcast_in_dim3A_388] : memref<32x128xf32, #tpu.memory_space<vmem>>[vector<16xi32>, vector<16xi32>], vector<16xf32>,
      %gather3A_400 = arith.constant 0 : i32
      %gather3A_401 = arith.constant 0 : i32
      %gather3A_402 = arith.constant 0 : i32
      %gather3A_403 = arith.constant 0 : i32
      %gather3A_404 = tpu.memref_slice %arg8[%gather3A_400, %gather3A_401, %gather3A_402, %gather3A_403] : memref<2x4x32x128xf32, #tpu.memory_space<vmem>> -> memref<1x1x32x128xf32, #tpu.memory_space<vmem>>
      %gather3A_405 = tpu.memref_squeeze %gather3A_404 : memref<1x1x32x128xf32, #tpu.memory_space<vmem>> -> memref<32x128xf32, #tpu.memory_space<vmem>>
      %gather3A_406 = tpu.vector_load_idx %gather3A_405[%add3A_6, %broadcast_in_dim3A_388] : memref<32x128xf32, #tpu.memory_space<vmem>>[vector<16xi32>, vector<16xi32>], vector<16xf32>,
      %gather3A_407 = arith.constant 0 : i32
      %gather3A_408 = arith.constant 0 : i32
      %gather3A_409 = arith.constant 0 : i32
      %gather3A_410 = arith.constant 0 : i32
      %gather3A_411 = tpu.memref_slice %arg9[%gather3A_407, %gather3A_408, %gather3A_409, %gather3A_410] : memref<2x4x32x128xf32, #tpu.memory_space<vmem>> -> memref<1x1x32x128xf32, #tpu.memory_space<vmem>>
      %gather3A_412 = tpu.memref_squeeze %gather3A_411 : memref<1x1x32x128xf32, #tpu.memory_space<vmem>> -> memref<32x128xf32, #tpu.memory_space<vmem>>
      %gather3A_413 = tpu.vector_load_idx %gather3A_412[%iota3A_3, %broadcast_in_dim3A_393] : memref<32x128xf32, #tpu.memory_space<vmem>>[vector<16xi32>, vector<16xi32>], vector<16xf32>,
      %gather3A_414 = arith.constant 0 : i32
      %gather3A_415 = arith.constant 0 : i32
      %gather3A_416 = arith.constant 0 : i32
      %gather3A_417 = arith.constant 0 : i32
      %gather3A_418 = tpu.memref_slice %arg9[%gather3A_414, %gather3A_415, %gather3A_416, %gather3A_417] : memref<2x4x32x128xf32, #tpu.memory_space<vmem>> -> memref<1x1x32x128xf32, #tpu.memory_space<vmem>>
      %gather3A_419 = tpu.memref_squeeze %gather3A_418 : memref<1x1x32x128xf32, #tpu.memory_space<vmem>> -> memref<32x128xf32, #tpu.memory_space<vmem>>
      %gather3A_420 = tpu.vector_load_idx %gather3A_419[%add3A_6, %broadcast_in_dim3A_393] : memref<32x128xf32, #tpu.memory_space<vmem>>[vector<16xi32>, vector<16xi32>], vector<16xf32>,
      %eq3A = arith.constant 0 : i32
      %eq3A_421 = vector.broadcast %eq3A : i32 to vector<16xi32>
      %eq3A_422 = arith.cmpi eq, %iota3A, %eq3A_421 : vector<16xi32>
      %mul3A_423 = arith.mulf %gather3A_399, %gather3A_413 : vector<16xf32>
      %mul3A_424 = arith.mulf %gather3A_406, %gather3A_420 : vector<16xf32>
      %add3A_425 = arith.addf %mul3A_423, %mul3A_424 : vector<16xf32>
      %reduce_sum3A = arith.constant true
      %reduce_sum3A_426 = vector.broadcast %reduce_sum3A : i1 to vector<16xi1>
      %reduce_sum3A_427 = tpu.scan <sum>, %add3A_425 masked %reduce_sum3A_426 : vector<16xf32>, vector<16xi1> -> vector<16xf32>
      %reduce_sum3A_428 = vector.extract %reduce_sum3A_427[15] : f32 from vector<16xf32>
      %broadcast_in_dim3A_429 = vector.broadcast %reduce_sum3A_428 : f32 to vector<16xf32>
      %select_n3A = arith.select %eq3A_422, %broadcast_in_dim3A_429, %broadcast_in_dim3A_20 : vector<16xi1>, vector<16xf32>
      %slice3A_430 = vector.extract_strided_slice %get3A_15 {offsets = [1], sizes = [1], strides = [1]} : vector<16xi32> to vector<1xi32>
      %squeeze3A_431 = vector.extract %slice3A_430[0] : i32 from vector<1xi32>
      %and3A_432 = arith.constant 127 : i32
      %and3A_433 = arith.andi %squeeze3A_431, %and3A_432 : i32
      %broadcast_in_dim3A_434 = vector.broadcast %and3A_433 : i32 to vector<16xi32>
      %slice3A_435 = vector.extract_strided_slice %get3A_19 {offsets = [1], sizes = [1], strides = [1]} : vector<16xi32> to vector<1xi32>
      %squeeze3A_436 = vector.extract %slice3A_435[0] : i32 from vector<1xi32>
      %and3A_437 = arith.constant 127 : i32
      %and3A_438 = arith.andi %squeeze3A_436, %and3A_437 : i32
      %broadcast_in_dim3A_439 = vector.broadcast %and3A_438 : i32 to vector<16xi32>
      %gather3A_440 = arith.constant 0 : i32
      %gather3A_441 = arith.constant 1 : i32
      %gather3A_442 = arith.constant 0 : i32
      %gather3A_443 = arith.constant 0 : i32
      %gather3A_444 = tpu.memref_slice %arg8[%gather3A_440, %gather3A_441, %gather3A_442, %gather3A_443] : memref<2x4x32x128xf32, #tpu.memory_space<vmem>> -> memref<1x1x32x128xf32, #tpu.memory_space<vmem>>
      %gather3A_445 = tpu.memref_squeeze %gather3A_444 : memref<1x1x32x128xf32, #tpu.memory_space<vmem>> -> memref<32x128xf32, #tpu.memory_space<vmem>>
      %gather3A_446 = tpu.vector_load_idx %gather3A_445[%iota3A_3, %broadcast_in_dim3A_434] : memref<32x128xf32, #tpu.memory_space<vmem>>[vector<16xi32>, vector<16xi32>], vector<16xf32>,
      %gather3A_447 = arith.constant 0 : i32
      %gather3A_448 = arith.constant 1 : i32
      %gather3A_449 = arith.constant 0 : i32
      %gather3A_450 = arith.constant 0 : i32
      %gather3A_451 = tpu.memref_slice %arg8[%gather3A_447, %gather3A_448, %gather3A_449, %gather3A_450] : memref<2x4x32x128xf32, #tpu.memory_space<vmem>> -> memref<1x1x32x128xf32, #tpu.memory_space<vmem>>
      %gather3A_452 = tpu.memref_squeeze %gather3A_451 : memref<1x1x32x128xf32, #tpu.memory_space<vmem>> -> memref<32x128xf32, #tpu.memory_space<vmem>>
      %gather3A_453 = tpu.vector_load_idx %gather3A_452[%add3A_6, %broadcast_in_dim3A_434] : memref<32x128xf32, #tpu.memory_space<vmem>>[vector<16xi32>, vector<16xi32>], vector<16xf32>,
      %gather3A_454 = arith.constant 0 : i32
      %gather3A_455 = arith.constant 1 : i32
      %gather3A_456 = arith.constant 0 : i32
      %gather3A_457 = arith.constant 0 : i32
      %gather3A_458 = tpu.memref_slice %arg9[%gather3A_454, %gather3A_455, %gather3A_456, %gather3A_457] : memref<2x4x32x128xf32, #tpu.memory_space<vmem>> -> memref<1x1x32x128xf32, #tpu.memory_space<vmem>>
      %gather3A_459 = tpu.memref_squeeze %gather3A_458 : memref<1x1x32x128xf32, #tpu.memory_space<vmem>> -> memref<32x128xf32, #tpu.memory_space<vmem>>
      %gather3A_460 = tpu.vector_load_idx %gather3A_459[%iota3A_3, %broadcast_in_dim3A_439] : memref<32x128xf32, #tpu.memory_space<vmem>>[vector<16xi32>, vector<16xi32>], vector<16xf32>,
      %gather3A_461 = arith.constant 0 : i32
      %gather3A_462 = arith.constant 1 : i32
      %gather3A_463 = arith.constant 0 : i32
      %gather3A_464 = arith.constant 0 : i32
      %gather3A_465 = tpu.memref_slice %arg9[%gather3A_461, %gather3A_462, %gather3A_463, %gather3A_464] : memref<2x4x32x128xf32, #tpu.memory_space<vmem>> -> memref<1x1x32x128xf32, #tpu.memory_space<vmem>>
      %gather3A_466 = tpu.memref_squeeze %gather3A_465 : memref<1x1x32x128xf32, #tpu.memory_space<vmem>> -> memref<32x128xf32, #tpu.memory_space<vmem>>
      %gather3A_467 = tpu.vector_load_idx %gather3A_466[%add3A_6, %broadcast_in_dim3A_439] : memref<32x128xf32, #tpu.memory_space<vmem>>[vector<16xi32>, vector<16xi32>], vector<16xf32>,
      %eq3A_468 = arith.constant 1 : i32
      %eq3A_469 = vector.broadcast %eq3A_468 : i32 to vector<16xi32>
      %eq3A_470 = arith.cmpi eq, %iota3A, %eq3A_469 : vector<16xi32>
      %mul3A_471 = arith.mulf %gather3A_446, %gather3A_460 : vector<16xf32>
      %mul3A_472 = arith.mulf %gather3A_453, %gather3A_467 : vector<16xf32>
      %add3A_473 = arith.addf %mul3A_471, %mul3A_472 : vector<16xf32>
      %reduce_sum3A_474 = arith.constant true
      %reduce_sum3A_475 = vector.broadcast %reduce_sum3A_474 : i1 to vector<16xi1>
      %reduce_sum3A_476 = tpu.scan <sum>, %add3A_473 masked %reduce_sum3A_475 : vector<16xf32>, vector<16xi1> -> vector<16xf32>
      %reduce_sum3A_477 = vector.extract %reduce_sum3A_476[15] : f32 from vector<16xf32>
      %broadcast_in_dim3A_478 = vector.broadcast %reduce_sum3A_477 : f32 to vector<16xf32>
      %select_n3A_479 = arith.select %eq3A_470, %broadcast_in_dim3A_478, %select_n3A : vector<16xi1>, vector<16xf32>
      %slice3A_480 = vector.extract_strided_slice %get3A_15 {offsets = [2], sizes = [1], strides = [1]} : vector<16xi32> to vector<1xi32>
      %squeeze3A_481 = vector.extract %slice3A_480[0] : i32 from vector<1xi32>
      %and3A_482 = arith.constant 127 : i32
      %and3A_483 = arith.andi %squeeze3A_481, %and3A_482 : i32
      %broadcast_in_dim3A_484 = vector.broadcast %and3A_483 : i32 to vector<16xi32>
      %slice3A_485 = vector.extract_strided_slice %get3A_19 {offsets = [2], sizes = [1], strides = [1]} : vector<16xi32> to vector<1xi32>
      %squeeze3A_486 = vector.extract %slice3A_485[0] : i32 from vector<1xi32>
      %and3A_487 = arith.constant 127 : i32
      %and3A_488 = arith.andi %squeeze3A_486, %and3A_487 : i32
      %broadcast_in_dim3A_489 = vector.broadcast %and3A_488 : i32 to vector<16xi32>
      %gather3A_490 = arith.constant 0 : i32
      %gather3A_491 = arith.constant 2 : i32
      %gather3A_492 = arith.constant 0 : i32
      %gather3A_493 = arith.constant 0 : i32
      %gather3A_494 = tpu.memref_slice %arg8[%gather3A_490, %gather3A_491, %gather3A_492, %gather3A_493] : memref<2x4x32x128xf32, #tpu.memory_space<vmem>> -> memref<1x1x32x128xf32, #tpu.memory_space<vmem>>
      %gather3A_495 = tpu.memref_squeeze %gather3A_494 : memref<1x1x32x128xf32, #tpu.memory_space<vmem>> -> memref<32x128xf32, #tpu.memory_space<vmem>>
      %gather3A_496 = tpu.vector_load_idx %gather3A_495[%iota3A_3, %broadcast_in_dim3A_484] : memref<32x128xf32, #tpu.memory_space<vmem>>[vector<16xi32>, vector<16xi32>], vector<16xf32>,
      %gather3A_497 = arith.constant 0 : i32
      %gather3A_498 = arith.constant 2 : i32
      %gather3A_499 = arith.constant 0 : i32
      %gather3A_500 = arith.constant 0 : i32
      %gather3A_501 = tpu.memref_slice %arg8[%gather3A_497, %gather3A_498, %gather3A_499, %gather3A_500] : memref<2x4x32x128xf32, #tpu.memory_space<vmem>> -> memref<1x1x32x128xf32, #tpu.memory_space<vmem>>
      %gather3A_502 = tpu.memref_squeeze %gather3A_501 : memref<1x1x32x128xf32, #tpu.memory_space<vmem>> -> memref<32x128xf32, #tpu.memory_space<vmem>>
      %gather3A_503 = tpu.vector_load_idx %gather3A_502[%add3A_6, %broadcast_in_dim3A_484] : memref<32x128xf32, #tpu.memory_space<vmem>>[vector<16xi32>, vector<16xi32>], vector<16xf32>,
      %gather3A_504 = arith.constant 0 : i32
      %gather3A_505 = arith.constant 2 : i32
      %gather3A_506 = arith.constant 0 : i32
      %gather3A_507 = arith.constant 0 : i32
      %gather3A_508 = tpu.memref_slice %arg9[%gather3A_504, %gather3A_505, %gather3A_506, %gather3A_507] : memref<2x4x32x128xf32, #tpu.memory_space<vmem>> -> memref<1x1x32x128xf32, #tpu.memory_space<vmem>>
      %gather3A_509 = tpu.memref_squeeze %gather3A_508 : memref<1x1x32x128xf32, #tpu.memory_space<vmem>> -> memref<32x128xf32, #tpu.memory_space<vmem>>
      %gather3A_510 = tpu.vector_load_idx %gather3A_509[%iota3A_3, %broadcast_in_dim3A_489] : memref<32x128xf32, #tpu.memory_space<vmem>>[vector<16xi32>, vector<16xi32>], vector<16xf32>,
      %gather3A_511 = arith.constant 0 : i32
      %gather3A_512 = arith.constant 2 : i32
      %gather3A_513 = arith.constant 0 : i32
      %gather3A_514 = arith.constant 0 : i32
      %gather3A_515 = tpu.memref_slice %arg9[%gather3A_511, %gather3A_512, %gather3A_513, %gather3A_514] : memref<2x4x32x128xf32, #tpu.memory_space<vmem>> -> memref<1x1x32x128xf32, #tpu.memory_space<vmem>>
      %gather3A_516 = tpu.memref_squeeze %gather3A_515 : memref<1x1x32x128xf32, #tpu.memory_space<vmem>> -> memref<32x128xf32, #tpu.memory_space<vmem>>
      %gather3A_517 = tpu.vector_load_idx %gather3A_516[%add3A_6, %broadcast_in_dim3A_489] : memref<32x128xf32, #tpu.memory_space<vmem>>[vector<16xi32>, vector<16xi32>], vector<16xf32>,
      %eq3A_518 = arith.constant 2 : i32
      %eq3A_519 = vector.broadcast %eq3A_518 : i32 to vector<16xi32>
      %eq3A_520 = arith.cmpi eq, %iota3A, %eq3A_519 : vector<16xi32>
      %mul3A_521 = arith.mulf %gather3A_496, %gather3A_510 : vector<16xf32>
      %mul3A_522 = arith.mulf %gather3A_503, %gather3A_517 : vector<16xf32>
      %add3A_523 = arith.addf %mul3A_521, %mul3A_522 : vector<16xf32>
      %reduce_sum3A_524 = arith.constant true
      %reduce_sum3A_525 = vector.broadcast %reduce_sum3A_524 : i1 to vector<16xi1>
      %reduce_sum3A_526 = tpu.scan <sum>, %add3A_523 masked %reduce_sum3A_525 : vector<16xf32>, vector<16xi1> -> vector<16xf32>
      %reduce_sum3A_527 = vector.extract %reduce_sum3A_526[15] : f32 from vector<16xf32>
      %broadcast_in_dim3A_528 = vector.broadcast %reduce_sum3A_527 : f32 to vector<16xf32>
      %select_n3A_529 = arith.select %eq3A_520, %broadcast_in_dim3A_528, %select_n3A_479 : vector<16xi1>, vector<16xf32>
      %slice3A_530 = vector.extract_strided_slice %get3A_15 {offsets = [3], sizes = [1], strides = [1]} : vector<16xi32> to vector<1xi32>
      %squeeze3A_531 = vector.extract %slice3A_530[0] : i32 from vector<1xi32>
      %and3A_532 = arith.constant 127 : i32
      %and3A_533 = arith.andi %squeeze3A_531, %and3A_532 : i32
      %broadcast_in_dim3A_534 = vector.broadcast %and3A_533 : i32 to vector<16xi32>
      %slice3A_535 = vector.extract_strided_slice %get3A_19 {offsets = [3], sizes = [1], strides = [1]} : vector<16xi32> to vector<1xi32>
      %squeeze3A_536 = vector.extract %slice3A_535[0] : i32 from vector<1xi32>
      %and3A_537 = arith.constant 127 : i32
      %and3A_538 = arith.andi %squeeze3A_536, %and3A_537 : i32
      %broadcast_in_dim3A_539 = vector.broadcast %and3A_538 : i32 to vector<16xi32>
      %gather3A_540 = arith.constant 0 : i32
      %gather3A_541 = arith.constant 3 : i32
      %gather3A_542 = arith.constant 0 : i32
      %gather3A_543 = arith.constant 0 : i32
      %gather3A_544 = tpu.memref_slice %arg8[%gather3A_540, %gather3A_541, %gather3A_542, %gather3A_543] : memref<2x4x32x128xf32, #tpu.memory_space<vmem>> -> memref<1x1x32x128xf32, #tpu.memory_space<vmem>>
      %gather3A_545 = tpu.memref_squeeze %gather3A_544 : memref<1x1x32x128xf32, #tpu.memory_space<vmem>> -> memref<32x128xf32, #tpu.memory_space<vmem>>
      %gather3A_546 = tpu.vector_load_idx %gather3A_545[%iota3A_3, %broadcast_in_dim3A_534] : memref<32x128xf32, #tpu.memory_space<vmem>>[vector<16xi32>, vector<16xi32>], vector<16xf32>,
      %gather3A_547 = arith.constant 0 : i32
      %gather3A_548 = arith.constant 3 : i32
      %gather3A_549 = arith.constant 0 : i32
      %gather3A_550 = arith.constant 0 : i32
      %gather3A_551 = tpu.memref_slice %arg8[%gather3A_547, %gather3A_548, %gather3A_549, %gather3A_550] : memref<2x4x32x128xf32, #tpu.memory_space<vmem>> -> memref<1x1x32x128xf32, #tpu.memory_space<vmem>>
      %gather3A_552 = tpu.memref_squeeze %gather3A_551 : memref<1x1x32x128xf32, #tpu.memory_space<vmem>> -> memref<32x128xf32, #tpu.memory_space<vmem>>
      %gather3A_553 = tpu.vector_load_idx %gather3A_552[%add3A_6, %broadcast_in_dim3A_534] : memref<32x128xf32, #tpu.memory_space<vmem>>[vector<16xi32>, vector<16xi32>], vector<16xf32>,
      %gather3A_554 = arith.constant 0 : i32
      %gather3A_555 = arith.constant 3 : i32
      %gather3A_556 = arith.constant 0 : i32
      %gather3A_557 = arith.constant 0 : i32
      %gather3A_558 = tpu.memref_slice %arg9[%gather3A_554, %gather3A_555, %gather3A_556, %gather3A_557] : memref<2x4x32x128xf32, #tpu.memory_space<vmem>> -> memref<1x1x32x128xf32, #tpu.memory_space<vmem>>
      %gather3A_559 = tpu.memref_squeeze %gather3A_558 : memref<1x1x32x128xf32, #tpu.memory_space<vmem>> -> memref<32x128xf32, #tpu.memory_space<vmem>>
      %gather3A_560 = tpu.vector_load_idx %gather3A_559[%iota3A_3, %broadcast_in_dim3A_539] : memref<32x128xf32, #tpu.memory_space<vmem>>[vector<16xi32>, vector<16xi32>], vector<16xf32>,
      %gather3A_561 = arith.constant 0 : i32
      %gather3A_562 = arith.constant 3 : i32
      %gather3A_563 = arith.constant 0 : i32
      %gather3A_564 = arith.constant 0 : i32
      %gather3A_565 = tpu.memref_slice %arg9[%gather3A_561, %gather3A_562, %gather3A_563, %gather3A_564] : memref<2x4x32x128xf32, #tpu.memory_space<vmem>> -> memref<1x1x32x128xf32, #tpu.memory_space<vmem>>
      %gather3A_566 = tpu.memref_squeeze %gather3A_565 : memref<1x1x32x128xf32, #tpu.memory_space<vmem>> -> memref<32x128xf32, #tpu.memory_space<vmem>>
      %gather3A_567 = tpu.vector_load_idx %gather3A_566[%add3A_6, %broadcast_in_dim3A_539] : memref<32x128xf32, #tpu.memory_space<vmem>>[vector<16xi32>, vector<16xi32>], vector<16xf32>,
      %eq3A_568 = arith.constant 3 : i32
      %eq3A_569 = vector.broadcast %eq3A_568 : i32 to vector<16xi32>
      %eq3A_570 = arith.cmpi eq, %iota3A, %eq3A_569 : vector<16xi32>
      %mul3A_571 = arith.mulf %gather3A_546, %gather3A_560 : vector<16xf32>
      %mul3A_572 = arith.mulf %gather3A_553, %gather3A_567 : vector<16xf32>
      %add3A_573 = arith.addf %mul3A_571, %mul3A_572 : vector<16xf32>
      %reduce_sum3A_574 = arith.constant true
      %reduce_sum3A_575 = vector.broadcast %reduce_sum3A_574 : i1 to vector<16xi1>
      %reduce_sum3A_576 = tpu.scan <sum>, %add3A_573 masked %reduce_sum3A_575 : vector<16xf32>, vector<16xi1> -> vector<16xf32>
      %reduce_sum3A_577 = vector.extract %reduce_sum3A_576[15] : f32 from vector<16xf32>
      %broadcast_in_dim3A_578 = vector.broadcast %reduce_sum3A_577 : f32 to vector<16xf32>
      %select_n3A_579 = arith.select %eq3A_570, %broadcast_in_dim3A_578, %select_n3A_529 : vector<16xi1>, vector<16xf32>
      %slice3A_580 = vector.extract_strided_slice %get3A_15 {offsets = [8], sizes = [1], strides = [1]} : vector<16xi32> to vector<1xi32>
      %squeeze3A_581 = vector.extract %slice3A_580[0] : i32 from vector<1xi32>
      %shift_right_arithmetic3A_582 = arith.constant 7 : i32
      %shift_right_arithmetic3A_583 = arith.shrsi %squeeze3A_581, %shift_right_arithmetic3A_582 : i32
      %mul3A_584 = arith.constant 128 : i32
      %mul3A_585 = arith.muli %shift_right_arithmetic3A_583, %mul3A_584 : i32
      %multiple_of3A_586 = tpu.assume_multiple %mul3A_585, 128 : i32
      %slice3A_587 = vector.extract_strided_slice %get3A_19 {offsets = [8], sizes = [1], strides = [1]} : vector<16xi32> to vector<1xi32>
      %squeeze3A_588 = vector.extract %slice3A_587[0] : i32 from vector<1xi32>
      %shift_right_arithmetic3A_589 = arith.constant 7 : i32
      %shift_right_arithmetic3A_590 = arith.shrsi %squeeze3A_588, %shift_right_arithmetic3A_589 : i32
      %mul3A_591 = arith.constant 128 : i32
      %mul3A_592 = arith.muli %shift_right_arithmetic3A_590, %mul3A_591 : i32
      %multiple_of3A_593 = tpu.assume_multiple %mul3A_592, 128 : i32
      %dma_start3A_594 = arith.constant 0 : i32
      %dma_start3A_595 = arith.constant 0 : i32
      %dma_start3A_596 = arith.constant 0 : i32
      %dma_start3A_597 = arith.constant 0 : i32
      %dma_start3A_598 = tpu.memref_slice %arg8[%dma_start3A_594, %dma_start3A_595, %dma_start3A_596, %dma_start3A_597] : memref<2x4x32x128xf32, #tpu.memory_space<vmem>> -> memref<1x1x32x128xf32, #tpu.memory_space<vmem>>
      %dma_start3A_599 = tpu.memref_squeeze %dma_start3A_598 : memref<1x1x32x128xf32, #tpu.memory_space<vmem>> -> memref<32x128xf32, #tpu.memory_space<vmem>>
      %dma_start3A_600 = arith.constant 0 : i32
      %dma_start3A_601 = tpu.memref_slice %arg2[%dma_start3A_600, %multiple_of3A_586] : memref<32x1000000xf32, #tpu.memory_space<hbm>> -> memref<32x128xf32, #tpu.memory_space<hbm>>
      %dma_start3A_602 = arith.constant 0 : i32
      %dma_start3A_603 = arith.constant 0 : i32
      %dma_start3A_604 = tpu.memref_slice %arg8[%dma_start3A_594, %dma_start3A_595, %dma_start3A_602, %dma_start3A_603] : memref<2x4x32x128xf32, #tpu.memory_space<vmem>> -> memref<1x1x32x128xf32, #tpu.memory_space<vmem>>
      %dma_start3A_605 = tpu.memref_squeeze %dma_start3A_604 : memref<1x1x32x128xf32, #tpu.memory_space<vmem>> -> memref<32x128xf32, #tpu.memory_space<vmem>>
      %dma_start3A_606 = arith.constant 0 : i32
      %dma_start3A_607 = tpu.memref_slice %arg2[%dma_start3A_606, %multiple_of3A_586] : memref<32x1000000xf32, #tpu.memory_space<hbm>> -> memref<32x128xf32, #tpu.memory_space<hbm>>
      tpu.enqueue_dma source(%dma_start3A_607 : memref<32x128xf32, #tpu.memory_space<hbm>>) target(%dma_start3A_605 : memref<32x128xf32, #tpu.memory_space<vmem>>) target_semaphore(%arg11 : memref<!tpu.dma_semaphore, #tpu.memory_space<semaphore_mem>>)
      %dma_start3A_608 = arith.constant 0 : i32
      %dma_start3A_609 = arith.constant 0 : i32
      %dma_start3A_610 = arith.constant 0 : i32
      %dma_start3A_611 = arith.constant 0 : i32
      %dma_start3A_612 = tpu.memref_slice %arg9[%dma_start3A_608, %dma_start3A_609, %dma_start3A_610, %dma_start3A_611] : memref<2x4x32x128xf32, #tpu.memory_space<vmem>> -> memref<1x1x32x128xf32, #tpu.memory_space<vmem>>
      %dma_start3A_613 = tpu.memref_squeeze %dma_start3A_612 : memref<1x1x32x128xf32, #tpu.memory_space<vmem>> -> memref<32x128xf32, #tpu.memory_space<vmem>>
      %dma_start3A_614 = arith.constant 0 : i32
      %dma_start3A_615 = tpu.memref_slice %arg2[%dma_start3A_614, %multiple_of3A_593] : memref<32x1000000xf32, #tpu.memory_space<hbm>> -> memref<32x128xf32, #tpu.memory_space<hbm>>
      %dma_start3A_616 = arith.constant 0 : i32
      %dma_start3A_617 = arith.constant 0 : i32
      %dma_start3A_618 = tpu.memref_slice %arg9[%dma_start3A_608, %dma_start3A_609, %dma_start3A_616, %dma_start3A_617] : memref<2x4x32x128xf32, #tpu.memory_space<vmem>> -> memref<1x1x32x128xf32, #tpu.memory_space<vmem>>
      %dma_start3A_619 = tpu.memref_squeeze %dma_start3A_618 : memref<1x1x32x128xf32, #tpu.memory_space<vmem>> -> memref<32x128xf32, #tpu.memory_space<vmem>>
      %dma_start3A_620 = arith.constant 0 : i32
      %dma_start3A_621 = tpu.memref_slice %arg2[%dma_start3A_620, %multiple_of3A_593] : memref<32x1000000xf32, #tpu.memory_space<hbm>> -> memref<32x128xf32, #tpu.memory_space<hbm>>
      tpu.enqueue_dma source(%dma_start3A_621 : memref<32x128xf32, #tpu.memory_space<hbm>>) target(%dma_start3A_619 : memref<32x128xf32, #tpu.memory_space<vmem>>) target_semaphore(%arg12 : memref<!tpu.dma_semaphore, #tpu.memory_space<semaphore_mem>>)
      %slice3A_622 = vector.extract_strided_slice %get3A_15 {offsets = [9], sizes = [1], strides = [1]} : vector<16xi32> to vector<1xi32>
      %squeeze3A_623 = vector.extract %slice3A_622[0] : i32 from vector<1xi32>
      %shift_right_arithmetic3A_624 = arith.constant 7 : i32
      %shift_right_arithmetic3A_625 = arith.shrsi %squeeze3A_623, %shift_right_arithmetic3A_624 : i32
      %mul3A_626 = arith.constant 128 : i32
      %mul3A_627 = arith.muli %shift_right_arithmetic3A_625, %mul3A_626 : i32
      %multiple_of3A_628 = tpu.assume_multiple %mul3A_627, 128 : i32
      %slice3A_629 = vector.extract_strided_slice %get3A_19 {offsets = [9], sizes = [1], strides = [1]} : vector<16xi32> to vector<1xi32>
      %squeeze3A_630 = vector.extract %slice3A_629[0] : i32 from vector<1xi32>
      %shift_right_arithmetic3A_631 = arith.constant 7 : i32
      %shift_right_arithmetic3A_632 = arith.shrsi %squeeze3A_630, %shift_right_arithmetic3A_631 : i32
      %mul3A_633 = arith.constant 128 : i32
      %mul3A_634 = arith.muli %shift_right_arithmetic3A_632, %mul3A_633 : i32
      %multiple_of3A_635 = tpu.assume_multiple %mul3A_634, 128 : i32
      %dma_start3A_636 = arith.constant 0 : i32
      %dma_start3A_637 = arith.constant 1 : i32
      %dma_start3A_638 = arith.constant 0 : i32
      %dma_start3A_639 = arith.constant 0 : i32
      %dma_start3A_640 = tpu.memref_slice %arg8[%dma_start3A_636, %dma_start3A_637, %dma_start3A_638, %dma_start3A_639] : memref<2x4x32x128xf32, #tpu.memory_space<vmem>> -> memref<1x1x32x128xf32, #tpu.memory_space<vmem>>
      %dma_start3A_641 = tpu.memref_squeeze %dma_start3A_640 : memref<1x1x32x128xf32, #tpu.memory_space<vmem>> -> memref<32x128xf32, #tpu.memory_space<vmem>>
      %dma_start3A_642 = arith.constant 0 : i32
      %dma_start3A_643 = tpu.memref_slice %arg2[%dma_start3A_642, %multiple_of3A_628] : memref<32x1000000xf32, #tpu.memory_space<hbm>> -> memref<32x128xf32, #tpu.memory_space<hbm>>
      %dma_start3A_644 = arith.constant 0 : i32
      %dma_start3A_645 = arith.constant 0 : i32
      %dma_start3A_646 = tpu.memref_slice %arg8[%dma_start3A_636, %dma_start3A_637, %dma_start3A_644, %dma_start3A_645] : memref<2x4x32x128xf32, #tpu.memory_space<vmem>> -> memref<1x1x32x128xf32, #tpu.memory_space<vmem>>
      %dma_start3A_647 = tpu.memref_squeeze %dma_start3A_646 : memref<1x1x32x128xf32, #tpu.memory_space<vmem>> -> memref<32x128xf32, #tpu.memory_space<vmem>>
      %dma_start3A_648 = arith.constant 0 : i32
      %dma_start3A_649 = tpu.memref_slice %arg2[%dma_start3A_648, %multiple_of3A_628] : memref<32x1000000xf32, #tpu.memory_space<hbm>> -> memref<32x128xf32, #tpu.memory_space<hbm>>
      tpu.enqueue_dma source(%dma_start3A_649 : memref<32x128xf32, #tpu.memory_space<hbm>>) target(%dma_start3A_647 : memref<32x128xf32, #tpu.memory_space<vmem>>) target_semaphore(%arg11 : memref<!tpu.dma_semaphore, #tpu.memory_space<semaphore_mem>>)
      %dma_start3A_650 = arith.constant 0 : i32
      %dma_start3A_651 = arith.constant 1 : i32
      %dma_start3A_652 = arith.constant 0 : i32
      %dma_start3A_653 = arith.constant 0 : i32
      %dma_start3A_654 = tpu.memref_slice %arg9[%dma_start3A_650, %dma_start3A_651, %dma_start3A_652, %dma_start3A_653] : memref<2x4x32x128xf32, #tpu.memory_space<vmem>> -> memref<1x1x32x128xf32, #tpu.memory_space<vmem>>
      %dma_start3A_655 = tpu.memref_squeeze %dma_start3A_654 : memref<1x1x32x128xf32, #tpu.memory_space<vmem>> -> memref<32x128xf32, #tpu.memory_space<vmem>>
      %dma_start3A_656 = arith.constant 0 : i32
      %dma_start3A_657 = tpu.memref_slice %arg2[%dma_start3A_656, %multiple_of3A_635] : memref<32x1000000xf32, #tpu.memory_space<hbm>> -> memref<32x128xf32, #tpu.memory_space<hbm>>
      %dma_start3A_658 = arith.constant 0 : i32
      %dma_start3A_659 = arith.constant 0 : i32
      %dma_start3A_660 = tpu.memref_slice %arg9[%dma_start3A_650, %dma_start3A_651, %dma_start3A_658, %dma_start3A_659] : memref<2x4x32x128xf32, #tpu.memory_space<vmem>> -> memref<1x1x32x128xf32, #tpu.memory_space<vmem>>
      %dma_start3A_661 = tpu.memref_squeeze %dma_start3A_660 : memref<1x1x32x128xf32, #tpu.memory_space<vmem>> -> memref<32x128xf32, #tpu.memory_space<vmem>>
      %dma_start3A_662 = arith.constant 0 : i32
      %dma_start3A_663 = tpu.memref_slice %arg2[%dma_start3A_662, %multiple_of3A_635] : memref<32x1000000xf32, #tpu.memory_space<hbm>> -> memref<32x128xf32, #tpu.memory_space<hbm>>
      tpu.enqueue_dma source(%dma_start3A_663 : memref<32x128xf32, #tpu.memory_space<hbm>>) target(%dma_start3A_661 : memref<32x128xf32, #tpu.memory_space<vmem>>) target_semaphore(%arg12 : memref<!tpu.dma_semaphore, #tpu.memory_space<semaphore_mem>>)
      %slice3A_664 = vector.extract_strided_slice %get3A_15 {offsets = [10], sizes = [1], strides = [1]} : vector<16xi32> to vector<1xi32>
      %squeeze3A_665 = vector.extract %slice3A_664[0] : i32 from vector<1xi32>
      %shift_right_arithmetic3A_666 = arith.constant 7 : i32
      %shift_right_arithmetic3A_667 = arith.shrsi %squeeze3A_665, %shift_right_arithmetic3A_666 : i32
      %mul3A_668 = arith.constant 128 : i32
      %mul3A_669 = arith.muli %shift_right_arithmetic3A_667, %mul3A_668 : i32
      %multiple_of3A_670 = tpu.assume_multiple %mul3A_669, 128 : i32
      %slice3A_671 = vector.extract_strided_slice %get3A_19 {offsets = [10], sizes = [1], strides = [1]} : vector<16xi32> to vector<1xi32>
      %squeeze3A_672 = vector.extract %slice3A_671[0] : i32 from vector<1xi32>
      %shift_right_arithmetic3A_673 = arith.constant 7 : i32
      %shift_right_arithmetic3A_674 = arith.shrsi %squeeze3A_672, %shift_right_arithmetic3A_673 : i32
      %mul3A_675 = arith.constant 128 : i32
      %mul3A_676 = arith.muli %shift_right_arithmetic3A_674, %mul3A_675 : i32
      %multiple_of3A_677 = tpu.assume_multiple %mul3A_676, 128 : i32
      %dma_start3A_678 = arith.constant 0 : i32
      %dma_start3A_679 = arith.constant 2 : i32
      %dma_start3A_680 = arith.constant 0 : i32
      %dma_start3A_681 = arith.constant 0 : i32
      %dma_start3A_682 = tpu.memref_slice %arg8[%dma_start3A_678, %dma_start3A_679, %dma_start3A_680, %dma_start3A_681] : memref<2x4x32x128xf32, #tpu.memory_space<vmem>> -> memref<1x1x32x128xf32, #tpu.memory_space<vmem>>
      %dma_start3A_683 = tpu.memref_squeeze %dma_start3A_682 : memref<1x1x32x128xf32, #tpu.memory_space<vmem>> -> memref<32x128xf32, #tpu.memory_space<vmem>>
      %dma_start3A_684 = arith.constant 0 : i32
      %dma_start3A_685 = tpu.memref_slice %arg2[%dma_start3A_684, %multiple_of3A_670] : memref<32x1000000xf32, #tpu.memory_space<hbm>> -> memref<32x128xf32, #tpu.memory_space<hbm>>
      %dma_start3A_686 = arith.constant 0 : i32
      %dma_start3A_687 = arith.constant 0 : i32
      %dma_start3A_688 = tpu.memref_slice %arg8[%dma_start3A_678, %dma_start3A_679, %dma_start3A_686, %dma_start3A_687] : memref<2x4x32x128xf32, #tpu.memory_space<vmem>> -> memref<1x1x32x128xf32, #tpu.memory_space<vmem>>
      %dma_start3A_689 = tpu.memref_squeeze %dma_start3A_688 : memref<1x1x32x128xf32, #tpu.memory_space<vmem>> -> memref<32x128xf32, #tpu.memory_space<vmem>>
      %dma_start3A_690 = arith.constant 0 : i32
      %dma_start3A_691 = tpu.memref_slice %arg2[%dma_start3A_690, %multiple_of3A_670] : memref<32x1000000xf32, #tpu.memory_space<hbm>> -> memref<32x128xf32, #tpu.memory_space<hbm>>
      tpu.enqueue_dma source(%dma_start3A_691 : memref<32x128xf32, #tpu.memory_space<hbm>>) target(%dma_start3A_689 : memref<32x128xf32, #tpu.memory_space<vmem>>) target_semaphore(%arg11 : memref<!tpu.dma_semaphore, #tpu.memory_space<semaphore_mem>>)
      %dma_start3A_692 = arith.constant 0 : i32
      %dma_start3A_693 = arith.constant 2 : i32
      %dma_start3A_694 = arith.constant 0 : i32
      %dma_start3A_695 = arith.constant 0 : i32
      %dma_start3A_696 = tpu.memref_slice %arg9[%dma_start3A_692, %dma_start3A_693, %dma_start3A_694, %dma_start3A_695] : memref<2x4x32x128xf32, #tpu.memory_space<vmem>> -> memref<1x1x32x128xf32, #tpu.memory_space<vmem>>
      %dma_start3A_697 = tpu.memref_squeeze %dma_start3A_696 : memref<1x1x32x128xf32, #tpu.memory_space<vmem>> -> memref<32x128xf32, #tpu.memory_space<vmem>>
      %dma_start3A_698 = arith.constant 0 : i32
      %dma_start3A_699 = tpu.memref_slice %arg2[%dma_start3A_698, %multiple_of3A_677] : memref<32x1000000xf32, #tpu.memory_space<hbm>> -> memref<32x128xf32, #tpu.memory_space<hbm>>
      %dma_start3A_700 = arith.constant 0 : i32
      %dma_start3A_701 = arith.constant 0 : i32
      %dma_start3A_702 = tpu.memref_slice %arg9[%dma_start3A_692, %dma_start3A_693, %dma_start3A_700, %dma_start3A_701] : memref<2x4x32x128xf32, #tpu.memory_space<vmem>> -> memref<1x1x32x128xf32, #tpu.memory_space<vmem>>
      %dma_start3A_703 = tpu.memref_squeeze %dma_start3A_702 : memref<1x1x32x128xf32, #tpu.memory_space<vmem>> -> memref<32x128xf32, #tpu.memory_space<vmem>>
      %dma_start3A_704 = arith.constant 0 : i32
      %dma_start3A_705 = tpu.memref_slice %arg2[%dma_start3A_704, %multiple_of3A_677] : memref<32x1000000xf32, #tpu.memory_space<hbm>> -> memref<32x128xf32, #tpu.memory_space<hbm>>
      tpu.enqueue_dma source(%dma_start3A_705 : memref<32x128xf32, #tpu.memory_space<hbm>>) target(%dma_start3A_703 : memref<32x128xf32, #tpu.memory_space<vmem>>) target_semaphore(%arg12 : memref<!tpu.dma_semaphore, #tpu.memory_space<semaphore_mem>>)
      %slice3A_706 = vector.extract_strided_slice %get3A_15 {offsets = [11], sizes = [1], strides = [1]} : vector<16xi32> to vector<1xi32>
      %squeeze3A_707 = vector.extract %slice3A_706[0] : i32 from vector<1xi32>
      %shift_right_arithmetic3A_708 = arith.constant 7 : i32
      %shift_right_arithmetic3A_709 = arith.shrsi %squeeze3A_707, %shift_right_arithmetic3A_708 : i32
      %mul3A_710 = arith.constant 128 : i32
      %mul3A_711 = arith.muli %shift_right_arithmetic3A_709, %mul3A_710 : i32
      %multiple_of3A_712 = tpu.assume_multiple %mul3A_711, 128 : i32
      %slice3A_713 = vector.extract_strided_slice %get3A_19 {offsets = [11], sizes = [1], strides = [1]} : vector<16xi32> to vector<1xi32>
      %squeeze3A_714 = vector.extract %slice3A_713[0] : i32 from vector<1xi32>
      %shift_right_arithmetic3A_715 = arith.constant 7 : i32
      %shift_right_arithmetic3A_716 = arith.shrsi %squeeze3A_714, %shift_right_arithmetic3A_715 : i32
      %mul3A_717 = arith.constant 128 : i32
      %mul3A_718 = arith.muli %shift_right_arithmetic3A_716, %mul3A_717 : i32
      %multiple_of3A_719 = tpu.assume_multiple %mul3A_718, 128 : i32
      %dma_start3A_720 = arith.constant 0 : i32
      %dma_start3A_721 = arith.constant 3 : i32
      %dma_start3A_722 = arith.constant 0 : i32
      %dma_start3A_723 = arith.constant 0 : i32
      %dma_start3A_724 = tpu.memref_slice %arg8[%dma_start3A_720, %dma_start3A_721, %dma_start3A_722, %dma_start3A_723] : memref<2x4x32x128xf32, #tpu.memory_space<vmem>> -> memref<1x1x32x128xf32, #tpu.memory_space<vmem>>
      %dma_start3A_725 = tpu.memref_squeeze %dma_start3A_724 : memref<1x1x32x128xf32, #tpu.memory_space<vmem>> -> memref<32x128xf32, #tpu.memory_space<vmem>>
      %dma_start3A_726 = arith.constant 0 : i32
      %dma_start3A_727 = tpu.memref_slice %arg2[%dma_start3A_726, %multiple_of3A_712] : memref<32x1000000xf32, #tpu.memory_space<hbm>> -> memref<32x128xf32, #tpu.memory_space<hbm>>
      %dma_start3A_728 = arith.constant 0 : i32
      %dma_start3A_729 = arith.constant 0 : i32
      %dma_start3A_730 = tpu.memref_slice %arg8[%dma_start3A_720, %dma_start3A_721, %dma_start3A_728, %dma_start3A_729] : memref<2x4x32x128xf32, #tpu.memory_space<vmem>> -> memref<1x1x32x128xf32, #tpu.memory_space<vmem>>
      %dma_start3A_731 = tpu.memref_squeeze %dma_start3A_730 : memref<1x1x32x128xf32, #tpu.memory_space<vmem>> -> memref<32x128xf32, #tpu.memory_space<vmem>>
      %dma_start3A_732 = arith.constant 0 : i32
      %dma_start3A_733 = tpu.memref_slice %arg2[%dma_start3A_732, %multiple_of3A_712] : memref<32x1000000xf32, #tpu.memory_space<hbm>> -> memref<32x128xf32, #tpu.memory_space<hbm>>
      tpu.enqueue_dma source(%dma_start3A_733 : memref<32x128xf32, #tpu.memory_space<hbm>>) target(%dma_start3A_731 : memref<32x128xf32, #tpu.memory_space<vmem>>) target_semaphore(%arg11 : memref<!tpu.dma_semaphore, #tpu.memory_space<semaphore_mem>>)
      %dma_start3A_734 = arith.constant 0 : i32
      %dma_start3A_735 = arith.constant 3 : i32
      %dma_start3A_736 = arith.constant 0 : i32
      %dma_start3A_737 = arith.constant 0 : i32
      %dma_start3A_738 = tpu.memref_slice %arg9[%dma_start3A_734, %dma_start3A_735, %dma_start3A_736, %dma_start3A_737] : memref<2x4x32x128xf32, #tpu.memory_space<vmem>> -> memref<1x1x32x128xf32, #tpu.memory_space<vmem>>
      %dma_start3A_739 = tpu.memref_squeeze %dma_start3A_738 : memref<1x1x32x128xf32, #tpu.memory_space<vmem>> -> memref<32x128xf32, #tpu.memory_space<vmem>>
      %dma_start3A_740 = arith.constant 0 : i32
      %dma_start3A_741 = tpu.memref_slice %arg2[%dma_start3A_740, %multiple_of3A_719] : memref<32x1000000xf32, #tpu.memory_space<hbm>> -> memref<32x128xf32, #tpu.memory_space<hbm>>
      %dma_start3A_742 = arith.constant 0 : i32
      %dma_start3A_743 = arith.constant 0 : i32
      %dma_start3A_744 = tpu.memref_slice %arg9[%dma_start3A_734, %dma_start3A_735, %dma_start3A_742, %dma_start3A_743] : memref<2x4x32x128xf32, #tpu.memory_space<vmem>> -> memref<1x1x32x128xf32, #tpu.memory_space<vmem>>
      %dma_start3A_745 = tpu.memref_squeeze %dma_start3A_744 : memref<1x1x32x128xf32, #tpu.memory_space<vmem>> -> memref<32x128xf32, #tpu.memory_space<vmem>>
      %dma_start3A_746 = arith.constant 0 : i32
      %dma_start3A_747 = tpu.memref_slice %arg2[%dma_start3A_746, %multiple_of3A_719] : memref<32x1000000xf32, #tpu.memory_space<hbm>> -> memref<32x128xf32, #tpu.memory_space<hbm>>
      tpu.enqueue_dma source(%dma_start3A_747 : memref<32x128xf32, #tpu.memory_space<hbm>>) target(%dma_start3A_745 : memref<32x128xf32, #tpu.memory_space<vmem>>) target_semaphore(%arg12 : memref<!tpu.dma_semaphore, #tpu.memory_space<semaphore_mem>>)
      %dma_wait3A_748 = arith.constant 0 : i32
      %dma_wait3A_749 = arith.constant 0 : i32
      %dma_wait3A_750 = arith.constant 0 : i32
      %dma_wait3A_751 = arith.constant 0 : i32
      %dma_wait3A_752 = tpu.memref_slice %arg8[%dma_wait3A_748, %dma_wait3A_749, %dma_wait3A_750, %dma_wait3A_751] : memref<2x4x32x128xf32, #tpu.memory_space<vmem>> -> memref<1x4x32x128xf32, #tpu.memory_space<vmem>>
      %dma_wait3A_753 = tpu.memref_squeeze %dma_wait3A_752 : memref<1x4x32x128xf32, #tpu.memory_space<vmem>> -> memref<4x32x128xf32, #tpu.memory_space<vmem>>
      %dma_wait3A_754 = arith.constant 0 : i32
      %dma_wait3A_755 = arith.constant 0 : i32
      %dma_wait3A_756 = tpu.memref_slice %arg2[%dma_wait3A_754, %dma_wait3A_755] : memref<32x1000000xf32, #tpu.memory_space<hbm>> -> memref<32x512xf32, #tpu.memory_space<hbm>>
      %dma_wait3A_757 = arith.constant 0 : i32
      %dma_wait3A_758 = arith.constant 0 : i32
      %dma_wait3A_759 = arith.constant 0 : i32
      %dma_wait3A_760 = tpu.memref_slice %arg8[%dma_wait3A_748, %dma_wait3A_757, %dma_wait3A_758, %dma_wait3A_759] : memref<2x4x32x128xf32, #tpu.memory_space<vmem>> -> memref<1x4x32x128xf32, #tpu.memory_space<vmem>>
      %dma_wait3A_761 = tpu.memref_squeeze %dma_wait3A_760 : memref<1x4x32x128xf32, #tpu.memory_space<vmem>> -> memref<4x32x128xf32, #tpu.memory_space<vmem>>
      %dma_wait3A_762 = arith.constant 0 : i32
      %dma_wait3A_763 = arith.constant 0 : i32
      %dma_wait3A_764 = tpu.memref_slice %arg2[%dma_wait3A_762, %dma_wait3A_763] : memref<32x1000000xf32, #tpu.memory_space<hbm>> -> memref<32x512xf32, #tpu.memory_space<hbm>>
      tpu.wait_dma2 semaphore(%arg11 : memref<!tpu.dma_semaphore, #tpu.memory_space<semaphore_mem>>) src(%dma_wait3A_764 : memref<32x512xf32, #tpu.memory_space<hbm>>) dst(%dma_wait3A_761 : memref<4x32x128xf32, #tpu.memory_space<vmem>>)
      %dma_wait3A_765 = arith.constant 0 : i32
      %dma_wait3A_766 = arith.constant 0 : i32
      %dma_wait3A_767 = arith.constant 0 : i32
      %dma_wait3A_768 = arith.constant 0 : i32
      %dma_wait3A_769 = tpu.memref_slice %arg9[%dma_wait3A_765, %dma_wait3A_766, %dma_wait3A_767, %dma_wait3A_768] : memref<2x4x32x128xf32, #tpu.memory_space<vmem>> -> memref<1x4x32x128xf32, #tpu.memory_space<vmem>>
      %dma_wait3A_770 = tpu.memref_squeeze %dma_wait3A_769 : memref<1x4x32x128xf32, #tpu.memory_space<vmem>> -> memref<4x32x128xf32, #tpu.memory_space<vmem>>
      %dma_wait3A_771 = arith.constant 0 : i32
      %dma_wait3A_772 = arith.constant 0 : i32
      %dma_wait3A_773 = tpu.memref_slice %arg2[%dma_wait3A_771, %dma_wait3A_772] : memref<32x1000000xf32, #tpu.memory_space<hbm>> -> memref<32x512xf32, #tpu.memory_space<hbm>>
      %dma_wait3A_774 = arith.constant 0 : i32
      %dma_wait3A_775 = arith.constant 0 : i32
      %dma_wait3A_776 = arith.constant 0 : i32
      %dma_wait3A_777 = tpu.memref_slice %arg9[%dma_wait3A_765, %dma_wait3A_774, %dma_wait3A_775, %dma_wait3A_776] : memref<2x4x32x128xf32, #tpu.memory_space<vmem>> -> memref<1x4x32x128xf32, #tpu.memory_space<vmem>>
      %dma_wait3A_778 = tpu.memref_squeeze %dma_wait3A_777 : memref<1x4x32x128xf32, #tpu.memory_space<vmem>> -> memref<4x32x128xf32, #tpu.memory_space<vmem>>
      %dma_wait3A_779 = arith.constant 0 : i32
      %dma_wait3A_780 = arith.constant 0 : i32
      %dma_wait3A_781 = tpu.memref_slice %arg2[%dma_wait3A_779, %dma_wait3A_780] : memref<32x1000000xf32, #tpu.memory_space<hbm>> -> memref<32x512xf32, #tpu.memory_space<hbm>>
      tpu.wait_dma2 semaphore(%arg12 : memref<!tpu.dma_semaphore, #tpu.memory_space<semaphore_mem>>) src(%dma_wait3A_781 : memref<32x512xf32, #tpu.memory_space<hbm>>) dst(%dma_wait3A_778 : memref<4x32x128xf32, #tpu.memory_space<vmem>>)
      %slice3A_782 = vector.extract_strided_slice %get3A_15 {offsets = [4], sizes = [1], strides = [1]} : vector<16xi32> to vector<1xi32>
      %squeeze3A_783 = vector.extract %slice3A_782[0] : i32 from vector<1xi32>
      %and3A_784 = arith.constant 127 : i32
      %and3A_785 = arith.andi %squeeze3A_783, %and3A_784 : i32
      %broadcast_in_dim3A_786 = vector.broadcast %and3A_785 : i32 to vector<16xi32>
      %slice3A_787 = vector.extract_strided_slice %get3A_19 {offsets = [4], sizes = [1], strides = [1]} : vector<16xi32> to vector<1xi32>
      %squeeze3A_788 = vector.extract %slice3A_787[0] : i32 from vector<1xi32>
      %and3A_789 = arith.constant 127 : i32
      %and3A_790 = arith.andi %squeeze3A_788, %and3A_789 : i32
      %broadcast_in_dim3A_791 = vector.broadcast %and3A_790 : i32 to vector<16xi32>
      %gather3A_792 = arith.constant 1 : i32
      %gather3A_793 = arith.constant 0 : i32
      %gather3A_794 = arith.constant 0 : i32
      %gather3A_795 = arith.constant 0 : i32
      %gather3A_796 = tpu.memref_slice %arg8[%gather3A_792, %gather3A_793, %gather3A_794, %gather3A_795] : memref<2x4x32x128xf32, #tpu.memory_space<vmem>> -> memref<1x1x32x128xf32, #tpu.memory_space<vmem>>
      %gather3A_797 = tpu.memref_squeeze %gather3A_796 : memref<1x1x32x128xf32, #tpu.memory_space<vmem>> -> memref<32x128xf32, #tpu.memory_space<vmem>>
      %gather3A_798 = tpu.vector_load_idx %gather3A_797[%iota3A_3, %broadcast_in_dim3A_786] : memref<32x128xf32, #tpu.memory_space<vmem>>[vector<16xi32>, vector<16xi32>], vector<16xf32>,
      %gather3A_799 = arith.constant 1 : i32
      %gather3A_800 = arith.constant 0 : i32
      %gather3A_801 = arith.constant 0 : i32
      %gather3A_802 = arith.constant 0 : i32
      %gather3A_803 = tpu.memref_slice %arg8[%gather3A_799, %gather3A_800, %gather3A_801, %gather3A_802] : memref<2x4x32x128xf32, #tpu.memory_space<vmem>> -> memref<1x1x32x128xf32, #tpu.memory_space<vmem>>
      %gather3A_804 = tpu.memref_squeeze %gather3A_803 : memref<1x1x32x128xf32, #tpu.memory_space<vmem>> -> memref<32x128xf32, #tpu.memory_space<vmem>>
      %gather3A_805 = tpu.vector_load_idx %gather3A_804[%add3A_6, %broadcast_in_dim3A_786] : memref<32x128xf32, #tpu.memory_space<vmem>>[vector<16xi32>, vector<16xi32>], vector<16xf32>,
      %gather3A_806 = arith.constant 1 : i32
      %gather3A_807 = arith.constant 0 : i32
      %gather3A_808 = arith.constant 0 : i32
      %gather3A_809 = arith.constant 0 : i32
      %gather3A_810 = tpu.memref_slice %arg9[%gather3A_806, %gather3A_807, %gather3A_808, %gather3A_809] : memref<2x4x32x128xf32, #tpu.memory_space<vmem>> -> memref<1x1x32x128xf32, #tpu.memory_space<vmem>>
      %gather3A_811 = tpu.memref_squeeze %gather3A_810 : memref<1x1x32x128xf32, #tpu.memory_space<vmem>> -> memref<32x128xf32, #tpu.memory_space<vmem>>
      %gather3A_812 = tpu.vector_load_idx %gather3A_811[%iota3A_3, %broadcast_in_dim3A_791] : memref<32x128xf32, #tpu.memory_space<vmem>>[vector<16xi32>, vector<16xi32>], vector<16xf32>,
      %gather3A_813 = arith.constant 1 : i32
      %gather3A_814 = arith.constant 0 : i32
      %gather3A_815 = arith.constant 0 : i32
      %gather3A_816 = arith.constant 0 : i32
      %gather3A_817 = tpu.memref_slice %arg9[%gather3A_813, %gather3A_814, %gather3A_815, %gather3A_816] : memref<2x4x32x128xf32, #tpu.memory_space<vmem>> -> memref<1x1x32x128xf32, #tpu.memory_space<vmem>>
      %gather3A_818 = tpu.memref_squeeze %gather3A_817 : memref<1x1x32x128xf32, #tpu.memory_space<vmem>> -> memref<32x128xf32, #tpu.memory_space<vmem>>
      %gather3A_819 = tpu.vector_load_idx %gather3A_818[%add3A_6, %broadcast_in_dim3A_791] : memref<32x128xf32, #tpu.memory_space<vmem>>[vector<16xi32>, vector<16xi32>], vector<16xf32>,
      %eq3A_820 = arith.constant 4 : i32
      %eq3A_821 = vector.broadcast %eq3A_820 : i32 to vector<16xi32>
      %eq3A_822 = arith.cmpi eq, %iota3A, %eq3A_821 : vector<16xi32>
      %mul3A_823 = arith.mulf %gather3A_798, %gather3A_812 : vector<16xf32>
      %mul3A_824 = arith.mulf %gather3A_805, %gather3A_819 : vector<16xf32>
      %add3A_825 = arith.addf %mul3A_823, %mul3A_824 : vector<16xf32>
      %reduce_sum3A_826 = arith.constant true
      %reduce_sum3A_827 = vector.broadcast %reduce_sum3A_826 : i1 to vector<16xi1>
      %reduce_sum3A_828 = tpu.scan <sum>, %add3A_825 masked %reduce_sum3A_827 : vector<16xf32>, vector<16xi1> -> vector<16xf32>
      %reduce_sum3A_829 = vector.extract %reduce_sum3A_828[15] : f32 from vector<16xf32>
      %broadcast_in_dim3A_830 = vector.broadcast %reduce_sum3A_829 : f32 to vector<16xf32>
      %select_n3A_831 = arith.select %eq3A_822, %broadcast_in_dim3A_830, %select_n3A_579 : vector<16xi1>, vector<16xf32>
      %slice3A_832 = vector.extract_strided_slice %get3A_15 {offsets = [5], sizes = [1], strides = [1]} : vector<16xi32> to vector<1xi32>
      %squeeze3A_833 = vector.extract %slice3A_832[0] : i32 from vector<1xi32>
      %and3A_834 = arith.constant 127 : i32
      %and3A_835 = arith.andi %squeeze3A_833, %and3A_834 : i32
      %broadcast_in_dim3A_836 = vector.broadcast %and3A_835 : i32 to vector<16xi32>
      %slice3A_837 = vector.extract_strided_slice %get3A_19 {offsets = [5], sizes = [1], strides = [1]} : vector<16xi32> to vector<1xi32>
      %squeeze3A_838 = vector.extract %slice3A_837[0] : i32 from vector<1xi32>
      %and3A_839 = arith.constant 127 : i32
      %and3A_840 = arith.andi %squeeze3A_838, %and3A_839 : i32
      %broadcast_in_dim3A_841 = vector.broadcast %and3A_840 : i32 to vector<16xi32>
      %gather3A_842 = arith.constant 1 : i32
      %gather3A_843 = arith.constant 1 : i32
      %gather3A_844 = arith.constant 0 : i32
      %gather3A_845 = arith.constant 0 : i32
      %gather3A_846 = tpu.memref_slice %arg8[%gather3A_842, %gather3A_843, %gather3A_844, %gather3A_845] : memref<2x4x32x128xf32, #tpu.memory_space<vmem>> -> memref<1x1x32x128xf32, #tpu.memory_space<vmem>>
      %gather3A_847 = tpu.memref_squeeze %gather3A_846 : memref<1x1x32x128xf32, #tpu.memory_space<vmem>> -> memref<32x128xf32, #tpu.memory_space<vmem>>
      %gather3A_848 = tpu.vector_load_idx %gather3A_847[%iota3A_3, %broadcast_in_dim3A_836] : memref<32x128xf32, #tpu.memory_space<vmem>>[vector<16xi32>, vector<16xi32>], vector<16xf32>,
      %gather3A_849 = arith.constant 1 : i32
      %gather3A_850 = arith.constant 1 : i32
      %gather3A_851 = arith.constant 0 : i32
      %gather3A_852 = arith.constant 0 : i32
      %gather3A_853 = tpu.memref_slice %arg8[%gather3A_849, %gather3A_850, %gather3A_851, %gather3A_852] : memref<2x4x32x128xf32, #tpu.memory_space<vmem>> -> memref<1x1x32x128xf32, #tpu.memory_space<vmem>>
      %gather3A_854 = tpu.memref_squeeze %gather3A_853 : memref<1x1x32x128xf32, #tpu.memory_space<vmem>> -> memref<32x128xf32, #tpu.memory_space<vmem>>
      %gather3A_855 = tpu.vector_load_idx %gather3A_854[%add3A_6, %broadcast_in_dim3A_836] : memref<32x128xf32, #tpu.memory_space<vmem>>[vector<16xi32>, vector<16xi32>], vector<16xf32>,
      %gather3A_856 = arith.constant 1 : i32
      %gather3A_857 = arith.constant 1 : i32
      %gather3A_858 = arith.constant 0 : i32
      %gather3A_859 = arith.constant 0 : i32
      %gather3A_860 = tpu.memref_slice %arg9[%gather3A_856, %gather3A_857, %gather3A_858, %gather3A_859] : memref<2x4x32x128xf32, #tpu.memory_space<vmem>> -> memref<1x1x32x128xf32, #tpu.memory_space<vmem>>
      %gather3A_861 = tpu.memref_squeeze %gather3A_860 : memref<1x1x32x128xf32, #tpu.memory_space<vmem>> -> memref<32x128xf32, #tpu.memory_space<vmem>>
      %gather3A_862 = tpu.vector_load_idx %gather3A_861[%iota3A_3, %broadcast_in_dim3A_841] : memref<32x128xf32, #tpu.memory_space<vmem>>[vector<16xi32>, vector<16xi32>], vector<16xf32>,
      %gather3A_863 = arith.constant 1 : i32
      %gather3A_864 = arith.constant 1 : i32
      %gather3A_865 = arith.constant 0 : i32
      %gather3A_866 = arith.constant 0 : i32
      %gather3A_867 = tpu.memref_slice %arg9[%gather3A_863, %gather3A_864, %gather3A_865, %gather3A_866] : memref<2x4x32x128xf32, #tpu.memory_space<vmem>> -> memref<1x1x32x128xf32, #tpu.memory_space<vmem>>
      %gather3A_868 = tpu.memref_squeeze %gather3A_867 : memref<1x1x32x128xf32, #tpu.memory_space<vmem>> -> memref<32x128xf32, #tpu.memory_space<vmem>>
      %gather3A_869 = tpu.vector_load_idx %gather3A_868[%add3A_6, %broadcast_in_dim3A_841] : memref<32x128xf32, #tpu.memory_space<vmem>>[vector<16xi32>, vector<16xi32>], vector<16xf32>,
      %eq3A_870 = arith.constant 5 : i32
      %eq3A_871 = vector.broadcast %eq3A_870 : i32 to vector<16xi32>
      %eq3A_872 = arith.cmpi eq, %iota3A, %eq3A_871 : vector<16xi32>
      %mul3A_873 = arith.mulf %gather3A_848, %gather3A_862 : vector<16xf32>
      %mul3A_874 = arith.mulf %gather3A_855, %gather3A_869 : vector<16xf32>
      %add3A_875 = arith.addf %mul3A_873, %mul3A_874 : vector<16xf32>
      %reduce_sum3A_876 = arith.constant true
      %reduce_sum3A_877 = vector.broadcast %reduce_sum3A_876 : i1 to vector<16xi1>
      %reduce_sum3A_878 = tpu.scan <sum>, %add3A_875 masked %reduce_sum3A_877 : vector<16xf32>, vector<16xi1> -> vector<16xf32>
      %reduce_sum3A_879 = vector.extract %reduce_sum3A_878[15] : f32 from vector<16xf32>
      %broadcast_in_dim3A_880 = vector.broadcast %reduce_sum3A_879 : f32 to vector<16xf32>
      %select_n3A_881 = arith.select %eq3A_872, %broadcast_in_dim3A_880, %select_n3A_831 : vector<16xi1>, vector<16xf32>
      %slice3A_882 = vector.extract_strided_slice %get3A_15 {offsets = [6], sizes = [1], strides = [1]} : vector<16xi32> to vector<1xi32>
      %squeeze3A_883 = vector.extract %slice3A_882[0] : i32 from vector<1xi32>
      %and3A_884 = arith.constant 127 : i32
      %and3A_885 = arith.andi %squeeze3A_883, %and3A_884 : i32
      %broadcast_in_dim3A_886 = vector.broadcast %and3A_885 : i32 to vector<16xi32>
      %slice3A_887 = vector.extract_strided_slice %get3A_19 {offsets = [6], sizes = [1], strides = [1]} : vector<16xi32> to vector<1xi32>
      %squeeze3A_888 = vector.extract %slice3A_887[0] : i32 from vector<1xi32>
      %and3A_889 = arith.constant 127 : i32
      %and3A_890 = arith.andi %squeeze3A_888, %and3A_889 : i32
      %broadcast_in_dim3A_891 = vector.broadcast %and3A_890 : i32 to vector<16xi32>
      %gather3A_892 = arith.constant 1 : i32
      %gather3A_893 = arith.constant 2 : i32
      %gather3A_894 = arith.constant 0 : i32
      %gather3A_895 = arith.constant 0 : i32
      %gather3A_896 = tpu.memref_slice %arg8[%gather3A_892, %gather3A_893, %gather3A_894, %gather3A_895] : memref<2x4x32x128xf32, #tpu.memory_space<vmem>> -> memref<1x1x32x128xf32, #tpu.memory_space<vmem>>
      %gather3A_897 = tpu.memref_squeeze %gather3A_896 : memref<1x1x32x128xf32, #tpu.memory_space<vmem>> -> memref<32x128xf32, #tpu.memory_space<vmem>>
      %gather3A_898 = tpu.vector_load_idx %gather3A_897[%iota3A_3, %broadcast_in_dim3A_886] : memref<32x128xf32, #tpu.memory_space<vmem>>[vector<16xi32>, vector<16xi32>], vector<16xf32>,
      %gather3A_899 = arith.constant 1 : i32
      %gather3A_900 = arith.constant 2 : i32
      %gather3A_901 = arith.constant 0 : i32
      %gather3A_902 = arith.constant 0 : i32
      %gather3A_903 = tpu.memref_slice %arg8[%gather3A_899, %gather3A_900, %gather3A_901, %gather3A_902] : memref<2x4x32x128xf32, #tpu.memory_space<vmem>> -> memref<1x1x32x128xf32, #tpu.memory_space<vmem>>
      %gather3A_904 = tpu.memref_squeeze %gather3A_903 : memref<1x1x32x128xf32, #tpu.memory_space<vmem>> -> memref<32x128xf32, #tpu.memory_space<vmem>>
      %gather3A_905 = tpu.vector_load_idx %gather3A_904[%add3A_6, %broadcast_in_dim3A_886] : memref<32x128xf32, #tpu.memory_space<vmem>>[vector<16xi32>, vector<16xi32>], vector<16xf32>,
      %gather3A_906 = arith.constant 1 : i32
      %gather3A_907 = arith.constant 2 : i32
      %gather3A_908 = arith.constant 0 : i32
      %gather3A_909 = arith.constant 0 : i32
      %gather3A_910 = tpu.memref_slice %arg9[%gather3A_906, %gather3A_907, %gather3A_908, %gather3A_909] : memref<2x4x32x128xf32, #tpu.memory_space<vmem>> -> memref<1x1x32x128xf32, #tpu.memory_space<vmem>>
      %gather3A_911 = tpu.memref_squeeze %gather3A_910 : memref<1x1x32x128xf32, #tpu.memory_space<vmem>> -> memref<32x128xf32, #tpu.memory_space<vmem>>
      %gather3A_912 = tpu.vector_load_idx %gather3A_911[%iota3A_3, %broadcast_in_dim3A_891] : memref<32x128xf32, #tpu.memory_space<vmem>>[vector<16xi32>, vector<16xi32>], vector<16xf32>,
      %gather3A_913 = arith.constant 1 : i32
      %gather3A_914 = arith.constant 2 : i32
      %gather3A_915 = arith.constant 0 : i32
      %gather3A_916 = arith.constant 0 : i32
      %gather3A_917 = tpu.memref_slice %arg9[%gather3A_913, %gather3A_914, %gather3A_915, %gather3A_916] : memref<2x4x32x128xf32, #tpu.memory_space<vmem>> -> memref<1x1x32x128xf32, #tpu.memory_space<vmem>>
      %gather3A_918 = tpu.memref_squeeze %gather3A_917 : memref<1x1x32x128xf32, #tpu.memory_space<vmem>> -> memref<32x128xf32, #tpu.memory_space<vmem>>
      %gather3A_919 = tpu.vector_load_idx %gather3A_918[%add3A_6, %broadcast_in_dim3A_891] : memref<32x128xf32, #tpu.memory_space<vmem>>[vector<16xi32>, vector<16xi32>], vector<16xf32>,
      %eq3A_920 = arith.constant 6 : i32
      %eq3A_921 = vector.broadcast %eq3A_920 : i32 to vector<16xi32>
      %eq3A_922 = arith.cmpi eq, %iota3A, %eq3A_921 : vector<16xi32>
      %mul3A_923 = arith.mulf %gather3A_898, %gather3A_912 : vector<16xf32>
      %mul3A_924 = arith.mulf %gather3A_905, %gather3A_919 : vector<16xf32>
      %add3A_925 = arith.addf %mul3A_923, %mul3A_924 : vector<16xf32>
      %reduce_sum3A_926 = arith.constant true
      %reduce_sum3A_927 = vector.broadcast %reduce_sum3A_926 : i1 to vector<16xi1>
      %reduce_sum3A_928 = tpu.scan <sum>, %add3A_925 masked %reduce_sum3A_927 : vector<16xf32>, vector<16xi1> -> vector<16xf32>
      %reduce_sum3A_929 = vector.extract %reduce_sum3A_928[15] : f32 from vector<16xf32>
      %broadcast_in_dim3A_930 = vector.broadcast %reduce_sum3A_929 : f32 to vector<16xf32>
      %select_n3A_931 = arith.select %eq3A_922, %broadcast_in_dim3A_930, %select_n3A_881 : vector<16xi1>, vector<16xf32>
      %slice3A_932 = vector.extract_strided_slice %get3A_15 {offsets = [7], sizes = [1], strides = [1]} : vector<16xi32> to vector<1xi32>
      %squeeze3A_933 = vector.extract %slice3A_932[0] : i32 from vector<1xi32>
      %and3A_934 = arith.constant 127 : i32
      %and3A_935 = arith.andi %squeeze3A_933, %and3A_934 : i32
      %broadcast_in_dim3A_936 = vector.broadcast %and3A_935 : i32 to vector<16xi32>
      %slice3A_937 = vector.extract_strided_slice %get3A_19 {offsets = [7], sizes = [1], strides = [1]} : vector<16xi32> to vector<1xi32>
      %squeeze3A_938 = vector.extract %slice3A_937[0] : i32 from vector<1xi32>
      %and3A_939 = arith.constant 127 : i32
      %and3A_940 = arith.andi %squeeze3A_938, %and3A_939 : i32
      %broadcast_in_dim3A_941 = vector.broadcast %and3A_940 : i32 to vector<16xi32>
      %gather3A_942 = arith.constant 1 : i32
      %gather3A_943 = arith.constant 3 : i32
      %gather3A_944 = arith.constant 0 : i32
      %gather3A_945 = arith.constant 0 : i32
      %gather3A_946 = tpu.memref_slice %arg8[%gather3A_942, %gather3A_943, %gather3A_944, %gather3A_945] : memref<2x4x32x128xf32, #tpu.memory_space<vmem>> -> memref<1x1x32x128xf32, #tpu.memory_space<vmem>>
      %gather3A_947 = tpu.memref_squeeze %gather3A_946 : memref<1x1x32x128xf32, #tpu.memory_space<vmem>> -> memref<32x128xf32, #tpu.memory_space<vmem>>
      %gather3A_948 = tpu.vector_load_idx %gather3A_947[%iota3A_3, %broadcast_in_dim3A_936] : memref<32x128xf32, #tpu.memory_space<vmem>>[vector<16xi32>, vector<16xi32>], vector<16xf32>,
      %gather3A_949 = arith.constant 1 : i32
      %gather3A_950 = arith.constant 3 : i32
      %gather3A_951 = arith.constant 0 : i32
      %gather3A_952 = arith.constant 0 : i32
      %gather3A_953 = tpu.memref_slice %arg8[%gather3A_949, %gather3A_950, %gather3A_951, %gather3A_952] : memref<2x4x32x128xf32, #tpu.memory_space<vmem>> -> memref<1x1x32x128xf32, #tpu.memory_space<vmem>>
      %gather3A_954 = tpu.memref_squeeze %gather3A_953 : memref<1x1x32x128xf32, #tpu.memory_space<vmem>> -> memref<32x128xf32, #tpu.memory_space<vmem>>
      %gather3A_955 = tpu.vector_load_idx %gather3A_954[%add3A_6, %broadcast_in_dim3A_936] : memref<32x128xf32, #tpu.memory_space<vmem>>[vector<16xi32>, vector<16xi32>], vector<16xf32>,
      %gather3A_956 = arith.constant 1 : i32
      %gather3A_957 = arith.constant 3 : i32
      %gather3A_958 = arith.constant 0 : i32
      %gather3A_959 = arith.constant 0 : i32
      %gather3A_960 = tpu.memref_slice %arg9[%gather3A_956, %gather3A_957, %gather3A_958, %gather3A_959] : memref<2x4x32x128xf32, #tpu.memory_space<vmem>> -> memref<1x1x32x128xf32, #tpu.memory_space<vmem>>
      %gather3A_961 = tpu.memref_squeeze %gather3A_960 : memref<1x1x32x128xf32, #tpu.memory_space<vmem>> -> memref<32x128xf32, #tpu.memory_space<vmem>>
      %gather3A_962 = tpu.vector_load_idx %gather3A_961[%iota3A_3, %broadcast_in_dim3A_941] : memref<32x128xf32, #tpu.memory_space<vmem>>[vector<16xi32>, vector<16xi32>], vector<16xf32>,
      %gather3A_963 = arith.constant 1 : i32
      %gather3A_964 = arith.constant 3 : i32
      %gather3A_965 = arith.constant 0 : i32
      %gather3A_966 = arith.constant 0 : i32
      %gather3A_967 = tpu.memref_slice %arg9[%gather3A_963, %gather3A_964, %gather3A_965, %gather3A_966] : memref<2x4x32x128xf32, #tpu.memory_space<vmem>> -> memref<1x1x32x128xf32, #tpu.memory_space<vmem>>
      %gather3A_968 = tpu.memref_squeeze %gather3A_967 : memref<1x1x32x128xf32, #tpu.memory_space<vmem>> -> memref<32x128xf32, #tpu.memory_space<vmem>>
      %gather3A_969 = tpu.vector_load_idx %gather3A_968[%add3A_6, %broadcast_in_dim3A_941] : memref<32x128xf32, #tpu.memory_space<vmem>>[vector<16xi32>, vector<16xi32>], vector<16xf32>,
      %eq3A_970 = arith.constant 7 : i32
      %eq3A_971 = vector.broadcast %eq3A_970 : i32 to vector<16xi32>
      %eq3A_972 = arith.cmpi eq, %iota3A, %eq3A_971 : vector<16xi32>
      %mul3A_973 = arith.mulf %gather3A_948, %gather3A_962 : vector<16xf32>
      %mul3A_974 = arith.mulf %gather3A_955, %gather3A_969 : vector<16xf32>
      %add3A_975 = arith.addf %mul3A_973, %mul3A_974 : vector<16xf32>
      %reduce_sum3A_976 = arith.constant true
      %reduce_sum3A_977 = vector.broadcast %reduce_sum3A_976 : i1 to vector<16xi1>
      %reduce_sum3A_978 = tpu.scan <sum>, %add3A_975 masked %reduce_sum3A_977 : vector<16xf32>, vector<16xi1> -> vector<16xf32>
      %reduce_sum3A_979 = vector.extract %reduce_sum3A_978[15] : f32 from vector<16xf32>
      %broadcast_in_dim3A_980 = vector.broadcast %reduce_sum3A_979 : f32 to vector<16xf32>
      %select_n3A_981 = arith.select %eq3A_972, %broadcast_in_dim3A_980, %select_n3A_931 : vector<16xi1>, vector<16xf32>
      %slice3A_982 = vector.extract_strided_slice %get3A_15 {offsets = [12], sizes = [1], strides = [1]} : vector<16xi32> to vector<1xi32>
      %squeeze3A_983 = vector.extract %slice3A_982[0] : i32 from vector<1xi32>
      %shift_right_arithmetic3A_984 = arith.constant 7 : i32
      %shift_right_arithmetic3A_985 = arith.shrsi %squeeze3A_983, %shift_right_arithmetic3A_984 : i32
      %mul3A_986 = arith.constant 128 : i32
      %mul3A_987 = arith.muli %shift_right_arithmetic3A_985, %mul3A_986 : i32
      %multiple_of3A_988 = tpu.assume_multiple %mul3A_987, 128 : i32
      %slice3A_989 = vector.extract_strided_slice %get3A_19 {offsets = [12], sizes = [1], strides = [1]} : vector<16xi32> to vector<1xi32>
      %squeeze3A_990 = vector.extract %slice3A_989[0] : i32 from vector<1xi32>
      %shift_right_arithmetic3A_991 = arith.constant 7 : i32
      %shift_right_arithmetic3A_992 = arith.shrsi %squeeze3A_990, %shift_right_arithmetic3A_991 : i32
      %mul3A_993 = arith.constant 128 : i32
      %mul3A_994 = arith.muli %shift_right_arithmetic3A_992, %mul3A_993 : i32
      %multiple_of3A_995 = tpu.assume_multiple %mul3A_994, 128 : i32
      %dma_start3A_996 = arith.constant 1 : i32
      %dma_start3A_997 = arith.constant 0 : i32
      %dma_start3A_998 = arith.constant 0 : i32
      %dma_start3A_999 = arith.constant 0 : i32
      %dma_start3A_1000 = tpu.memref_slice %arg8[%dma_start3A_996, %dma_start3A_997, %dma_start3A_998, %dma_start3A_999] : memref<2x4x32x128xf32, #tpu.memory_space<vmem>> -> memref<1x1x32x128xf32, #tpu.memory_space<vmem>>
      %dma_start3A_1001 = tpu.memref_squeeze %dma_start3A_1000 : memref<1x1x32x128xf32, #tpu.memory_space<vmem>> -> memref<32x128xf32, #tpu.memory_space<vmem>>
      %dma_start3A_1002 = arith.constant 0 : i32
      %dma_start3A_1003 = tpu.memref_slice %arg2[%dma_start3A_1002, %multiple_of3A_988] : memref<32x1000000xf32, #tpu.memory_space<hbm>> -> memref<32x128xf32, #tpu.memory_space<hbm>>
      %dma_start3A_1004 = arith.constant 0 : i32
      %dma_start3A_1005 = arith.constant 0 : i32
      %dma_start3A_1006 = tpu.memref_slice %arg8[%dma_start3A_996, %dma_start3A_997, %dma_start3A_1004, %dma_start3A_1005] : memref<2x4x32x128xf32, #tpu.memory_space<vmem>> -> memref<1x1x32x128xf32, #tpu.memory_space<vmem>>
      %dma_start3A_1007 = tpu.memref_squeeze %dma_start3A_1006 : memref<1x1x32x128xf32, #tpu.memory_space<vmem>> -> memref<32x128xf32, #tpu.memory_space<vmem>>
      %dma_start3A_1008 = arith.constant 0 : i32
      %dma_start3A_1009 = tpu.memref_slice %arg2[%dma_start3A_1008, %multiple_of3A_988] : memref<32x1000000xf32, #tpu.memory_space<hbm>> -> memref<32x128xf32, #tpu.memory_space<hbm>>
      tpu.enqueue_dma source(%dma_start3A_1009 : memref<32x128xf32, #tpu.memory_space<hbm>>) target(%dma_start3A_1007 : memref<32x128xf32, #tpu.memory_space<vmem>>) target_semaphore(%arg11 : memref<!tpu.dma_semaphore, #tpu.memory_space<semaphore_mem>>)
      %dma_start3A_1010 = arith.constant 1 : i32
      %dma_start3A_1011 = arith.constant 0 : i32
      %dma_start3A_1012 = arith.constant 0 : i32
      %dma_start3A_1013 = arith.constant 0 : i32
      %dma_start3A_1014 = tpu.memref_slice %arg9[%dma_start3A_1010, %dma_start3A_1011, %dma_start3A_1012, %dma_start3A_1013] : memref<2x4x32x128xf32, #tpu.memory_space<vmem>> -> memref<1x1x32x128xf32, #tpu.memory_space<vmem>>
      %dma_start3A_1015 = tpu.memref_squeeze %dma_start3A_1014 : memref<1x1x32x128xf32, #tpu.memory_space<vmem>> -> memref<32x128xf32, #tpu.memory_space<vmem>>
      %dma_start3A_1016 = arith.constant 0 : i32
      %dma_start3A_1017 = tpu.memref_slice %arg2[%dma_start3A_1016, %multiple_of3A_995] : memref<32x1000000xf32, #tpu.memory_space<hbm>> -> memref<32x128xf32, #tpu.memory_space<hbm>>
      %dma_start3A_1018 = arith.constant 0 : i32
      %dma_start3A_1019 = arith.constant 0 : i32
      %dma_start3A_1020 = tpu.memref_slice %arg9[%dma_start3A_1010, %dma_start3A_1011, %dma_start3A_1018, %dma_start3A_1019] : memref<2x4x32x128xf32, #tpu.memory_space<vmem>> -> memref<1x1x32x128xf32, #tpu.memory_space<vmem>>
      %dma_start3A_1021 = tpu.memref_squeeze %dma_start3A_1020 : memref<1x1x32x128xf32, #tpu.memory_space<vmem>> -> memref<32x128xf32, #tpu.memory_space<vmem>>
      %dma_start3A_1022 = arith.constant 0 : i32
      %dma_start3A_1023 = tpu.memref_slice %arg2[%dma_start3A_1022, %multiple_of3A_995] : memref<32x1000000xf32, #tpu.memory_space<hbm>> -> memref<32x128xf32, #tpu.memory_space<hbm>>
      tpu.enqueue_dma source(%dma_start3A_1023 : memref<32x128xf32, #tpu.memory_space<hbm>>) target(%dma_start3A_1021 : memref<32x128xf32, #tpu.memory_space<vmem>>) target_semaphore(%arg12 : memref<!tpu.dma_semaphore, #tpu.memory_space<semaphore_mem>>)
      %slice3A_1024 = vector.extract_strided_slice %get3A_15 {offsets = [13], sizes = [1], strides = [1]} : vector<16xi32> to vector<1xi32>
      %squeeze3A_1025 = vector.extract %slice3A_1024[0] : i32 from vector<1xi32>
      %shift_right_arithmetic3A_1026 = arith.constant 7 : i32
      %shift_right_arithmetic3A_1027 = arith.shrsi %squeeze3A_1025, %shift_right_arithmetic3A_1026 : i32
      %mul3A_1028 = arith.constant 128 : i32
      %mul3A_1029 = arith.muli %shift_right_arithmetic3A_1027, %mul3A_1028 : i32
      %multiple_of3A_1030 = tpu.assume_multiple %mul3A_1029, 128 : i32
      %slice3A_1031 = vector.extract_strided_slice %get3A_19 {offsets = [13], sizes = [1], strides = [1]} : vector<16xi32> to vector<1xi32>
      %squeeze3A_1032 = vector.extract %slice3A_1031[0] : i32 from vector<1xi32>
      %shift_right_arithmetic3A_1033 = arith.constant 7 : i32
      %shift_right_arithmetic3A_1034 = arith.shrsi %squeeze3A_1032, %shift_right_arithmetic3A_1033 : i32
      %mul3A_1035 = arith.constant 128 : i32
      %mul3A_1036 = arith.muli %shift_right_arithmetic3A_1034, %mul3A_1035 : i32
      %multiple_of3A_1037 = tpu.assume_multiple %mul3A_1036, 128 : i32
      %dma_start3A_1038 = arith.constant 1 : i32
      %dma_start3A_1039 = arith.constant 1 : i32
      %dma_start3A_1040 = arith.constant 0 : i32
      %dma_start3A_1041 = arith.constant 0 : i32
      %dma_start3A_1042 = tpu.memref_slice %arg8[%dma_start3A_1038, %dma_start3A_1039, %dma_start3A_1040, %dma_start3A_1041] : memref<2x4x32x128xf32, #tpu.memory_space<vmem>> -> memref<1x1x32x128xf32, #tpu.memory_space<vmem>>
      %dma_start3A_1043 = tpu.memref_squeeze %dma_start3A_1042 : memref<1x1x32x128xf32, #tpu.memory_space<vmem>> -> memref<32x128xf32, #tpu.memory_space<vmem>>
      %dma_start3A_1044 = arith.constant 0 : i32
      %dma_start3A_1045 = tpu.memref_slice %arg2[%dma_start3A_1044, %multiple_of3A_1030] : memref<32x1000000xf32, #tpu.memory_space<hbm>> -> memref<32x128xf32, #tpu.memory_space<hbm>>
      %dma_start3A_1046 = arith.constant 0 : i32
      %dma_start3A_1047 = arith.constant 0 : i32
      %dma_start3A_1048 = tpu.memref_slice %arg8[%dma_start3A_1038, %dma_start3A_1039, %dma_start3A_1046, %dma_start3A_1047] : memref<2x4x32x128xf32, #tpu.memory_space<vmem>> -> memref<1x1x32x128xf32, #tpu.memory_space<vmem>>
      %dma_start3A_1049 = tpu.memref_squeeze %dma_start3A_1048 : memref<1x1x32x128xf32, #tpu.memory_space<vmem>> -> memref<32x128xf32, #tpu.memory_space<vmem>>
      %dma_start3A_1050 = arith.constant 0 : i32
      %dma_start3A_1051 = tpu.memref_slice %arg2[%dma_start3A_1050, %multiple_of3A_1030] : memref<32x1000000xf32, #tpu.memory_space<hbm>> -> memref<32x128xf32, #tpu.memory_space<hbm>>
      tpu.enqueue_dma source(%dma_start3A_1051 : memref<32x128xf32, #tpu.memory_space<hbm>>) target(%dma_start3A_1049 : memref<32x128xf32, #tpu.memory_space<vmem>>) target_semaphore(%arg11 : memref<!tpu.dma_semaphore, #tpu.memory_space<semaphore_mem>>)
      %dma_start3A_1052 = arith.constant 1 : i32
      %dma_start3A_1053 = arith.constant 1 : i32
      %dma_start3A_1054 = arith.constant 0 : i32
      %dma_start3A_1055 = arith.constant 0 : i32
      %dma_start3A_1056 = tpu.memref_slice %arg9[%dma_start3A_1052, %dma_start3A_1053, %dma_start3A_1054, %dma_start3A_1055] : memref<2x4x32x128xf32, #tpu.memory_space<vmem>> -> memref<1x1x32x128xf32, #tpu.memory_space<vmem>>
      %dma_start3A_1057 = tpu.memref_squeeze %dma_start3A_1056 : memref<1x1x32x128xf32, #tpu.memory_space<vmem>> -> memref<32x128xf32, #tpu.memory_space<vmem>>
      %dma_start3A_1058 = arith.constant 0 : i32
      %dma_start3A_1059 = tpu.memref_slice %arg2[%dma_start3A_1058, %multiple_of3A_1037] : memref<32x1000000xf32, #tpu.memory_space<hbm>> -> memref<32x128xf32, #tpu.memory_space<hbm>>
      %dma_start3A_1060 = arith.constant 0 : i32
      %dma_start3A_1061 = arith.constant 0 : i32
      %dma_start3A_1062 = tpu.memref_slice %arg9[%dma_start3A_1052, %dma_start3A_1053, %dma_start3A_1060, %dma_start3A_1061] : memref<2x4x32x128xf32, #tpu.memory_space<vmem>> -> memref<1x1x32x128xf32, #tpu.memory_space<vmem>>
      %dma_start3A_1063 = tpu.memref_squeeze %dma_start3A_1062 : memref<1x1x32x128xf32, #tpu.memory_space<vmem>> -> memref<32x128xf32, #tpu.memory_space<vmem>>
      %dma_start3A_1064 = arith.constant 0 : i32
      %dma_start3A_1065 = tpu.memref_slice %arg2[%dma_start3A_1064, %multiple_of3A_1037] : memref<32x1000000xf32, #tpu.memory_space<hbm>> -> memref<32x128xf32, #tpu.memory_space<hbm>>
      tpu.enqueue_dma source(%dma_start3A_1065 : memref<32x128xf32, #tpu.memory_space<hbm>>) target(%dma_start3A_1063 : memref<32x128xf32, #tpu.memory_space<vmem>>) target_semaphore(%arg12 : memref<!tpu.dma_semaphore, #tpu.memory_space<semaphore_mem>>)
      %slice3A_1066 = vector.extract_strided_slice %get3A_15 {offsets = [14], sizes = [1], strides = [1]} : vector<16xi32> to vector<1xi32>
      %squeeze3A_1067 = vector.extract %slice3A_1066[0] : i32 from vector<1xi32>
      %shift_right_arithmetic3A_1068 = arith.constant 7 : i32
      %shift_right_arithmetic3A_1069 = arith.shrsi %squeeze3A_1067, %shift_right_arithmetic3A_1068 : i32
      %mul3A_1070 = arith.constant 128 : i32
      %mul3A_1071 = arith.muli %shift_right_arithmetic3A_1069, %mul3A_1070 : i32
      %multiple_of3A_1072 = tpu.assume_multiple %mul3A_1071, 128 : i32
      %slice3A_1073 = vector.extract_strided_slice %get3A_19 {offsets = [14], sizes = [1], strides = [1]} : vector<16xi32> to vector<1xi32>
      %squeeze3A_1074 = vector.extract %slice3A_1073[0] : i32 from vector<1xi32>
      %shift_right_arithmetic3A_1075 = arith.constant 7 : i32
      %shift_right_arithmetic3A_1076 = arith.shrsi %squeeze3A_1074, %shift_right_arithmetic3A_1075 : i32
      %mul3A_1077 = arith.constant 128 : i32
      %mul3A_1078 = arith.muli %shift_right_arithmetic3A_1076, %mul3A_1077 : i32
      %multiple_of3A_1079 = tpu.assume_multiple %mul3A_1078, 128 : i32
      %dma_start3A_1080 = arith.constant 1 : i32
      %dma_start3A_1081 = arith.constant 2 : i32
      %dma_start3A_1082 = arith.constant 0 : i32
      %dma_start3A_1083 = arith.constant 0 : i32
      %dma_start3A_1084 = tpu.memref_slice %arg8[%dma_start3A_1080, %dma_start3A_1081, %dma_start3A_1082, %dma_start3A_1083] : memref<2x4x32x128xf32, #tpu.memory_space<vmem>> -> memref<1x1x32x128xf32, #tpu.memory_space<vmem>>
      %dma_start3A_1085 = tpu.memref_squeeze %dma_start3A_1084 : memref<1x1x32x128xf32, #tpu.memory_space<vmem>> -> memref<32x128xf32, #tpu.memory_space<vmem>>
      %dma_start3A_1086 = arith.constant 0 : i32
      %dma_start3A_1087 = tpu.memref_slice %arg2[%dma_start3A_1086, %multiple_of3A_1072] : memref<32x1000000xf32, #tpu.memory_space<hbm>> -> memref<32x128xf32, #tpu.memory_space<hbm>>
      %dma_start3A_1088 = arith.constant 0 : i32
      %dma_start3A_1089 = arith.constant 0 : i32
      %dma_start3A_1090 = tpu.memref_slice %arg8[%dma_start3A_1080, %dma_start3A_1081, %dma_start3A_1088, %dma_start3A_1089] : memref<2x4x32x128xf32, #tpu.memory_space<vmem>> -> memref<1x1x32x128xf32, #tpu.memory_space<vmem>>
      %dma_start3A_1091 = tpu.memref_squeeze %dma_start3A_1090 : memref<1x1x32x128xf32, #tpu.memory_space<vmem>> -> memref<32x128xf32, #tpu.memory_space<vmem>>
      %dma_start3A_1092 = arith.constant 0 : i32
      %dma_start3A_1093 = tpu.memref_slice %arg2[%dma_start3A_1092, %multiple_of3A_1072] : memref<32x1000000xf32, #tpu.memory_space<hbm>> -> memref<32x128xf32, #tpu.memory_space<hbm>>
      tpu.enqueue_dma source(%dma_start3A_1093 : memref<32x128xf32, #tpu.memory_space<hbm>>) target(%dma_start3A_1091 : memref<32x128xf32, #tpu.memory_space<vmem>>) target_semaphore(%arg11 : memref<!tpu.dma_semaphore, #tpu.memory_space<semaphore_mem>>)
      %dma_start3A_1094 = arith.constant 1 : i32
      %dma_start3A_1095 = arith.constant 2 : i32
      %dma_start3A_1096 = arith.constant 0 : i32
      %dma_start3A_1097 = arith.constant 0 : i32
      %dma_start3A_1098 = tpu.memref_slice %arg9[%dma_start3A_1094, %dma_start3A_1095, %dma_start3A_1096, %dma_start3A_1097] : memref<2x4x32x128xf32, #tpu.memory_space<vmem>> -> memref<1x1x32x128xf32, #tpu.memory_space<vmem>>
      %dma_start3A_1099 = tpu.memref_squeeze %dma_start3A_1098 : memref<1x1x32x128xf32, #tpu.memory_space<vmem>> -> memref<32x128xf32, #tpu.memory_space<vmem>>
      %dma_start3A_1100 = arith.constant 0 : i32
      %dma_start3A_1101 = tpu.memref_slice %arg2[%dma_start3A_1100, %multiple_of3A_1079] : memref<32x1000000xf32, #tpu.memory_space<hbm>> -> memref<32x128xf32, #tpu.memory_space<hbm>>
      %dma_start3A_1102 = arith.constant 0 : i32
      %dma_start3A_1103 = arith.constant 0 : i32
      %dma_start3A_1104 = tpu.memref_slice %arg9[%dma_start3A_1094, %dma_start3A_1095, %dma_start3A_1102, %dma_start3A_1103] : memref<2x4x32x128xf32, #tpu.memory_space<vmem>> -> memref<1x1x32x128xf32, #tpu.memory_space<vmem>>
      %dma_start3A_1105 = tpu.memref_squeeze %dma_start3A_1104 : memref<1x1x32x128xf32, #tpu.memory_space<vmem>> -> memref<32x128xf32, #tpu.memory_space<vmem>>
      %dma_start3A_1106 = arith.constant 0 : i32
      %dma_start3A_1107 = tpu.memref_slice %arg2[%dma_start3A_1106, %multiple_of3A_1079] : memref<32x1000000xf32, #tpu.memory_space<hbm>> -> memref<32x128xf32, #tpu.memory_space<hbm>>
      tpu.enqueue_dma source(%dma_start3A_1107 : memref<32x128xf32, #tpu.memory_space<hbm>>) target(%dma_start3A_1105 : memref<32x128xf32, #tpu.memory_space<vmem>>) target_semaphore(%arg12 : memref<!tpu.dma_semaphore, #tpu.memory_space<semaphore_mem>>)
      %slice3A_1108 = vector.extract_strided_slice %get3A_15 {offsets = [15], sizes = [1], strides = [1]} : vector<16xi32> to vector<1xi32>
      %squeeze3A_1109 = vector.extract %slice3A_1108[0] : i32 from vector<1xi32>
      %shift_right_arithmetic3A_1110 = arith.constant 7 : i32
      %shift_right_arithmetic3A_1111 = arith.shrsi %squeeze3A_1109, %shift_right_arithmetic3A_1110 : i32
      %mul3A_1112 = arith.constant 128 : i32
      %mul3A_1113 = arith.muli %shift_right_arithmetic3A_1111, %mul3A_1112 : i32
      %multiple_of3A_1114 = tpu.assume_multiple %mul3A_1113, 128 : i32
      %slice3A_1115 = vector.extract_strided_slice %get3A_19 {offsets = [15], sizes = [1], strides = [1]} : vector<16xi32> to vector<1xi32>
      %squeeze3A_1116 = vector.extract %slice3A_1115[0] : i32 from vector<1xi32>
      %shift_right_arithmetic3A_1117 = arith.constant 7 : i32
      %shift_right_arithmetic3A_1118 = arith.shrsi %squeeze3A_1116, %shift_right_arithmetic3A_1117 : i32
      %mul3A_1119 = arith.constant 128 : i32
      %mul3A_1120 = arith.muli %shift_right_arithmetic3A_1118, %mul3A_1119 : i32
      %multiple_of3A_1121 = tpu.assume_multiple %mul3A_1120, 128 : i32
      %dma_start3A_1122 = arith.constant 1 : i32
      %dma_start3A_1123 = arith.constant 3 : i32
      %dma_start3A_1124 = arith.constant 0 : i32
      %dma_start3A_1125 = arith.constant 0 : i32
      %dma_start3A_1126 = tpu.memref_slice %arg8[%dma_start3A_1122, %dma_start3A_1123, %dma_start3A_1124, %dma_start3A_1125] : memref<2x4x32x128xf32, #tpu.memory_space<vmem>> -> memref<1x1x32x128xf32, #tpu.memory_space<vmem>>
      %dma_start3A_1127 = tpu.memref_squeeze %dma_start3A_1126 : memref<1x1x32x128xf32, #tpu.memory_space<vmem>> -> memref<32x128xf32, #tpu.memory_space<vmem>>
      %dma_start3A_1128 = arith.constant 0 : i32
      %dma_start3A_1129 = tpu.memref_slice %arg2[%dma_start3A_1128, %multiple_of3A_1114] : memref<32x1000000xf32, #tpu.memory_space<hbm>> -> memref<32x128xf32, #tpu.memory_space<hbm>>
      %dma_start3A_1130 = arith.constant 0 : i32
      %dma_start3A_1131 = arith.constant 0 : i32
      %dma_start3A_1132 = tpu.memref_slice %arg8[%dma_start3A_1122, %dma_start3A_1123, %dma_start3A_1130, %dma_start3A_1131] : memref<2x4x32x128xf32, #tpu.memory_space<vmem>> -> memref<1x1x32x128xf32, #tpu.memory_space<vmem>>
      %dma_start3A_1133 = tpu.memref_squeeze %dma_start3A_1132 : memref<1x1x32x128xf32, #tpu.memory_space<vmem>> -> memref<32x128xf32, #tpu.memory_space<vmem>>
      %dma_start3A_1134 = arith.constant 0 : i32
      %dma_start3A_1135 = tpu.memref_slice %arg2[%dma_start3A_1134, %multiple_of3A_1114] : memref<32x1000000xf32, #tpu.memory_space<hbm>> -> memref<32x128xf32, #tpu.memory_space<hbm>>
      tpu.enqueue_dma source(%dma_start3A_1135 : memref<32x128xf32, #tpu.memory_space<hbm>>) target(%dma_start3A_1133 : memref<32x128xf32, #tpu.memory_space<vmem>>) target_semaphore(%arg11 : memref<!tpu.dma_semaphore, #tpu.memory_space<semaphore_mem>>)
      %dma_start3A_1136 = arith.constant 1 : i32
      %dma_start3A_1137 = arith.constant 3 : i32
      %dma_start3A_1138 = arith.constant 0 : i32
      %dma_start3A_1139 = arith.constant 0 : i32
      %dma_start3A_1140 = tpu.memref_slice %arg9[%dma_start3A_1136, %dma_start3A_1137, %dma_start3A_1138, %dma_start3A_1139] : memref<2x4x32x128xf32, #tpu.memory_space<vmem>> -> memref<1x1x32x128xf32, #tpu.memory_space<vmem>>
      %dma_start3A_1141 = tpu.memref_squeeze %dma_start3A_1140 : memref<1x1x32x128xf32, #tpu.memory_space<vmem>> -> memref<32x128xf32, #tpu.memory_space<vmem>>
      %dma_start3A_1142 = arith.constant 0 : i32
      %dma_start3A_1143 = tpu.memref_slice %arg2[%dma_start3A_1142, %multiple_of3A_1121] : memref<32x1000000xf32, #tpu.memory_space<hbm>> -> memref<32x128xf32, #tpu.memory_space<hbm>>
      %dma_start3A_1144 = arith.constant 0 : i32
      %dma_start3A_1145 = arith.constant 0 : i32
      %dma_start3A_1146 = tpu.memref_slice %arg9[%dma_start3A_1136, %dma_start3A_1137, %dma_start3A_1144, %dma_start3A_1145] : memref<2x4x32x128xf32, #tpu.memory_space<vmem>> -> memref<1x1x32x128xf32, #tpu.memory_space<vmem>>
      %dma_start3A_1147 = tpu.memref_squeeze %dma_start3A_1146 : memref<1x1x32x128xf32, #tpu.memory_space<vmem>> -> memref<32x128xf32, #tpu.memory_space<vmem>>
      %dma_start3A_1148 = arith.constant 0 : i32
      %dma_start3A_1149 = tpu.memref_slice %arg2[%dma_start3A_1148, %multiple_of3A_1121] : memref<32x1000000xf32, #tpu.memory_space<hbm>> -> memref<32x128xf32, #tpu.memory_space<hbm>>
      tpu.enqueue_dma source(%dma_start3A_1149 : memref<32x128xf32, #tpu.memory_space<hbm>>) target(%dma_start3A_1147 : memref<32x128xf32, #tpu.memory_space<vmem>>) target_semaphore(%arg12 : memref<!tpu.dma_semaphore, #tpu.memory_space<semaphore_mem>>)
      %dma_wait3A_1150 = arith.constant 0 : i32
      %dma_wait3A_1151 = arith.constant 0 : i32
      %dma_wait3A_1152 = arith.constant 0 : i32
      %dma_wait3A_1153 = arith.constant 0 : i32
      %dma_wait3A_1154 = tpu.memref_slice %arg8[%dma_wait3A_1150, %dma_wait3A_1151, %dma_wait3A_1152, %dma_wait3A_1153] : memref<2x4x32x128xf32, #tpu.memory_space<vmem>> -> memref<1x4x32x128xf32, #tpu.memory_space<vmem>>
      %dma_wait3A_1155 = tpu.memref_squeeze %dma_wait3A_1154 : memref<1x4x32x128xf32, #tpu.memory_space<vmem>> -> memref<4x32x128xf32, #tpu.memory_space<vmem>>
      %dma_wait3A_1156 = arith.constant 0 : i32
      %dma_wait3A_1157 = arith.constant 0 : i32
      %dma_wait3A_1158 = tpu.memref_slice %arg2[%dma_wait3A_1156, %dma_wait3A_1157] : memref<32x1000000xf32, #tpu.memory_space<hbm>> -> memref<32x512xf32, #tpu.memory_space<hbm>>
      %dma_wait3A_1159 = arith.constant 0 : i32
      %dma_wait3A_1160 = arith.constant 0 : i32
      %dma_wait3A_1161 = arith.constant 0 : i32
      %dma_wait3A_1162 = tpu.memref_slice %arg8[%dma_wait3A_1150, %dma_wait3A_1159, %dma_wait3A_1160, %dma_wait3A_1161] : memref<2x4x32x128xf32, #tpu.memory_space<vmem>> -> memref<1x4x32x128xf32, #tpu.memory_space<vmem>>
      %dma_wait3A_1163 = tpu.memref_squeeze %dma_wait3A_1162 : memref<1x4x32x128xf32, #tpu.memory_space<vmem>> -> memref<4x32x128xf32, #tpu.memory_space<vmem>>
      %dma_wait3A_1164 = arith.constant 0 : i32
      %dma_wait3A_1165 = arith.constant 0 : i32
      %dma_wait3A_1166 = tpu.memref_slice %arg2[%dma_wait3A_1164, %dma_wait3A_1165] : memref<32x1000000xf32, #tpu.memory_space<hbm>> -> memref<32x512xf32, #tpu.memory_space<hbm>>
      tpu.wait_dma2 semaphore(%arg11 : memref<!tpu.dma_semaphore, #tpu.memory_space<semaphore_mem>>) src(%dma_wait3A_1166 : memref<32x512xf32, #tpu.memory_space<hbm>>) dst(%dma_wait3A_1163 : memref<4x32x128xf32, #tpu.memory_space<vmem>>)
      %dma_wait3A_1167 = arith.constant 0 : i32
      %dma_wait3A_1168 = arith.constant 0 : i32
      %dma_wait3A_1169 = arith.constant 0 : i32
      %dma_wait3A_1170 = arith.constant 0 : i32
      %dma_wait3A_1171 = tpu.memref_slice %arg9[%dma_wait3A_1167, %dma_wait3A_1168, %dma_wait3A_1169, %dma_wait3A_1170] : memref<2x4x32x128xf32, #tpu.memory_space<vmem>> -> memref<1x4x32x128xf32, #tpu.memory_space<vmem>>
      %dma_wait3A_1172 = tpu.memref_squeeze %dma_wait3A_1171 : memref<1x4x32x128xf32, #tpu.memory_space<vmem>> -> memref<4x32x128xf32, #tpu.memory_space<vmem>>
      %dma_wait3A_1173 = arith.constant 0 : i32
      %dma_wait3A_1174 = arith.constant 0 : i32
      %dma_wait3A_1175 = tpu.memref_slice %arg2[%dma_wait3A_1173, %dma_wait3A_1174] : memref<32x1000000xf32, #tpu.memory_space<hbm>> -> memref<32x512xf32, #tpu.memory_space<hbm>>
      %dma_wait3A_1176 = arith.constant 0 : i32
      %dma_wait3A_1177 = arith.constant 0 : i32
      %dma_wait3A_1178 = arith.constant 0 : i32
      %dma_wait3A_1179 = tpu.memref_slice %arg9[%dma_wait3A_1167, %dma_wait3A_1176, %dma_wait3A_1177, %dma_wait3A_1178] : memref<2x4x32x128xf32, #tpu.memory_space<vmem>> -> memref<1x4x32x128xf32, #tpu.memory_space<vmem>>
      %dma_wait3A_1180 = tpu.memref_squeeze %dma_wait3A_1179 : memref<1x4x32x128xf32, #tpu.memory_space<vmem>> -> memref<4x32x128xf32, #tpu.memory_space<vmem>>
      %dma_wait3A_1181 = arith.constant 0 : i32
      %dma_wait3A_1182 = arith.constant 0 : i32
      %dma_wait3A_1183 = tpu.memref_slice %arg2[%dma_wait3A_1181, %dma_wait3A_1182] : memref<32x1000000xf32, #tpu.memory_space<hbm>> -> memref<32x512xf32, #tpu.memory_space<hbm>>
      tpu.wait_dma2 semaphore(%arg12 : memref<!tpu.dma_semaphore, #tpu.memory_space<semaphore_mem>>) src(%dma_wait3A_1183 : memref<32x512xf32, #tpu.memory_space<hbm>>) dst(%dma_wait3A_1180 : memref<4x32x128xf32, #tpu.memory_space<vmem>>)
      %slice3A_1184 = vector.extract_strided_slice %get3A_15 {offsets = [8], sizes = [1], strides = [1]} : vector<16xi32> to vector<1xi32>
      %squeeze3A_1185 = vector.extract %slice3A_1184[0] : i32 from vector<1xi32>
      %and3A_1186 = arith.constant 127 : i32
      %and3A_1187 = arith.andi %squeeze3A_1185, %and3A_1186 : i32
      %broadcast_in_dim3A_1188 = vector.broadcast %and3A_1187 : i32 to vector<16xi32>
      %slice3A_1189 = vector.extract_strided_slice %get3A_19 {offsets = [8], sizes = [1], strides = [1]} : vector<16xi32> to vector<1xi32>
      %squeeze3A_1190 = vector.extract %slice3A_1189[0] : i32 from vector<1xi32>
      %and3A_1191 = arith.constant 127 : i32
      %and3A_1192 = arith.andi %squeeze3A_1190, %and3A_1191 : i32
      %broadcast_in_dim3A_1193 = vector.broadcast %and3A_1192 : i32 to vector<16xi32>
      %gather3A_1194 = arith.constant 0 : i32
      %gather3A_1195 = arith.constant 0 : i32
      %gather3A_1196 = arith.constant 0 : i32
      %gather3A_1197 = arith.constant 0 : i32
      %gather3A_1198 = tpu.memref_slice %arg8[%gather3A_1194, %gather3A_1195, %gather3A_1196, %gather3A_1197] : memref<2x4x32x128xf32, #tpu.memory_space<vmem>> -> memref<1x1x32x128xf32, #tpu.memory_space<vmem>>
      %gather3A_1199 = tpu.memref_squeeze %gather3A_1198 : memref<1x1x32x128xf32, #tpu.memory_space<vmem>> -> memref<32x128xf32, #tpu.memory_space<vmem>>
      %gather3A_1200 = tpu.vector_load_idx %gather3A_1199[%iota3A_3, %broadcast_in_dim3A_1188] : memref<32x128xf32, #tpu.memory_space<vmem>>[vector<16xi32>, vector<16xi32>], vector<16xf32>,
      %gather3A_1201 = arith.constant 0 : i32
      %gather3A_1202 = arith.constant 0 : i32
      %gather3A_1203 = arith.constant 0 : i32
      %gather3A_1204 = arith.constant 0 : i32
      %gather3A_1205 = tpu.memref_slice %arg8[%gather3A_1201, %gather3A_1202, %gather3A_1203, %gather3A_1204] : memref<2x4x32x128xf32, #tpu.memory_space<vmem>> -> memref<1x1x32x128xf32, #tpu.memory_space<vmem>>
      %gather3A_1206 = tpu.memref_squeeze %gather3A_1205 : memref<1x1x32x128xf32, #tpu.memory_space<vmem>> -> memref<32x128xf32, #tpu.memory_space<vmem>>
      %gather3A_1207 = tpu.vector_load_idx %gather3A_1206[%add3A_6, %broadcast_in_dim3A_1188] : memref<32x128xf32, #tpu.memory_space<vmem>>[vector<16xi32>, vector<16xi32>], vector<16xf32>,
      %gather3A_1208 = arith.constant 0 : i32
      %gather3A_1209 = arith.constant 0 : i32
      %gather3A_1210 = arith.constant 0 : i32
      %gather3A_1211 = arith.constant 0 : i32
      %gather3A_1212 = tpu.memref_slice %arg9[%gather3A_1208, %gather3A_1209, %gather3A_1210, %gather3A_1211] : memref<2x4x32x128xf32, #tpu.memory_space<vmem>> -> memref<1x1x32x128xf32, #tpu.memory_space<vmem>>
      %gather3A_1213 = tpu.memref_squeeze %gather3A_1212 : memref<1x1x32x128xf32, #tpu.memory_space<vmem>> -> memref<32x128xf32, #tpu.memory_space<vmem>>
      %gather3A_1214 = tpu.vector_load_idx %gather3A_1213[%iota3A_3, %broadcast_in_dim3A_1193] : memref<32x128xf32, #tpu.memory_space<vmem>>[vector<16xi32>, vector<16xi32>], vector<16xf32>,
      %gather3A_1215 = arith.constant 0 : i32
      %gather3A_1216 = arith.constant 0 : i32
      %gather3A_1217 = arith.constant 0 : i32
      %gather3A_1218 = arith.constant 0 : i32
      %gather3A_1219 = tpu.memref_slice %arg9[%gather3A_1215, %gather3A_1216, %gather3A_1217, %gather3A_1218] : memref<2x4x32x128xf32, #tpu.memory_space<vmem>> -> memref<1x1x32x128xf32, #tpu.memory_space<vmem>>
      %gather3A_1220 = tpu.memref_squeeze %gather3A_1219 : memref<1x1x32x128xf32, #tpu.memory_space<vmem>> -> memref<32x128xf32, #tpu.memory_space<vmem>>
      %gather3A_1221 = tpu.vector_load_idx %gather3A_1220[%add3A_6, %broadcast_in_dim3A_1193] : memref<32x128xf32, #tpu.memory_space<vmem>>[vector<16xi32>, vector<16xi32>], vector<16xf32>,
      %eq3A_1222 = arith.constant 8 : i32
      %eq3A_1223 = vector.broadcast %eq3A_1222 : i32 to vector<16xi32>
      %eq3A_1224 = arith.cmpi eq, %iota3A, %eq3A_1223 : vector<16xi32>
      %mul3A_1225 = arith.mulf %gather3A_1200, %gather3A_1214 : vector<16xf32>
      %mul3A_1226 = arith.mulf %gather3A_1207, %gather3A_1221 : vector<16xf32>
      %add3A_1227 = arith.addf %mul3A_1225, %mul3A_1226 : vector<16xf32>
      %reduce_sum3A_1228 = arith.constant true
      %reduce_sum3A_1229 = vector.broadcast %reduce_sum3A_1228 : i1 to vector<16xi1>
      %reduce_sum3A_1230 = tpu.scan <sum>, %add3A_1227 masked %reduce_sum3A_1229 : vector<16xf32>, vector<16xi1> -> vector<16xf32>
      %reduce_sum3A_1231 = vector.extract %reduce_sum3A_1230[15] : f32 from vector<16xf32>
      %broadcast_in_dim3A_1232 = vector.broadcast %reduce_sum3A_1231 : f32 to vector<16xf32>
      %select_n3A_1233 = arith.select %eq3A_1224, %broadcast_in_dim3A_1232, %select_n3A_981 : vector<16xi1>, vector<16xf32>
      %slice3A_1234 = vector.extract_strided_slice %get3A_15 {offsets = [9], sizes = [1], strides = [1]} : vector<16xi32> to vector<1xi32>
      %squeeze3A_1235 = vector.extract %slice3A_1234[0] : i32 from vector<1xi32>
      %and3A_1236 = arith.constant 127 : i32
      %and3A_1237 = arith.andi %squeeze3A_1235, %and3A_1236 : i32
      %broadcast_in_dim3A_1238 = vector.broadcast %and3A_1237 : i32 to vector<16xi32>
      %slice3A_1239 = vector.extract_strided_slice %get3A_19 {offsets = [9], sizes = [1], strides = [1]} : vector<16xi32> to vector<1xi32>
      %squeeze3A_1240 = vector.extract %slice3A_1239[0] : i32 from vector<1xi32>
      %and3A_1241 = arith.constant 127 : i32
      %and3A_1242 = arith.andi %squeeze3A_1240, %and3A_1241 : i32
      %broadcast_in_dim3A_1243 = vector.broadcast %and3A_1242 : i32 to vector<16xi32>
      %gather3A_1244 = arith.constant 0 : i32
      %gather3A_1245 = arith.constant 1 : i32
      %gather3A_1246 = arith.constant 0 : i32
      %gather3A_1247 = arith.constant 0 : i32
      %gather3A_1248 = tpu.memref_slice %arg8[%gather3A_1244, %gather3A_1245, %gather3A_1246, %gather3A_1247] : memref<2x4x32x128xf32, #tpu.memory_space<vmem>> -> memref<1x1x32x128xf32, #tpu.memory_space<vmem>>
      %gather3A_1249 = tpu.memref_squeeze %gather3A_1248 : memref<1x1x32x128xf32, #tpu.memory_space<vmem>> -> memref<32x128xf32, #tpu.memory_space<vmem>>
      %gather3A_1250 = tpu.vector_load_idx %gather3A_1249[%iota3A_3, %broadcast_in_dim3A_1238] : memref<32x128xf32, #tpu.memory_space<vmem>>[vector<16xi32>, vector<16xi32>], vector<16xf32>,
      %gather3A_1251 = arith.constant 0 : i32
      %gather3A_1252 = arith.constant 1 : i32
      %gather3A_1253 = arith.constant 0 : i32
      %gather3A_1254 = arith.constant 0 : i32
      %gather3A_1255 = tpu.memref_slice %arg8[%gather3A_1251, %gather3A_1252, %gather3A_1253, %gather3A_1254] : memref<2x4x32x128xf32, #tpu.memory_space<vmem>> -> memref<1x1x32x128xf32, #tpu.memory_space<vmem>>
      %gather3A_1256 = tpu.memref_squeeze %gather3A_1255 : memref<1x1x32x128xf32, #tpu.memory_space<vmem>> -> memref<32x128xf32, #tpu.memory_space<vmem>>
      %gather3A_1257 = tpu.vector_load_idx %gather3A_1256[%add3A_6, %broadcast_in_dim3A_1238] : memref<32x128xf32, #tpu.memory_space<vmem>>[vector<16xi32>, vector<16xi32>], vector<16xf32>,
      %gather3A_1258 = arith.constant 0 : i32
      %gather3A_1259 = arith.constant 1 : i32
      %gather3A_1260 = arith.constant 0 : i32
      %gather3A_1261 = arith.constant 0 : i32
      %gather3A_1262 = tpu.memref_slice %arg9[%gather3A_1258, %gather3A_1259, %gather3A_1260, %gather3A_1261] : memref<2x4x32x128xf32, #tpu.memory_space<vmem>> -> memref<1x1x32x128xf32, #tpu.memory_space<vmem>>
      %gather3A_1263 = tpu.memref_squeeze %gather3A_1262 : memref<1x1x32x128xf32, #tpu.memory_space<vmem>> -> memref<32x128xf32, #tpu.memory_space<vmem>>
      %gather3A_1264 = tpu.vector_load_idx %gather3A_1263[%iota3A_3, %broadcast_in_dim3A_1243] : memref<32x128xf32, #tpu.memory_space<vmem>>[vector<16xi32>, vector<16xi32>], vector<16xf32>,
      %gather3A_1265 = arith.constant 0 : i32
      %gather3A_1266 = arith.constant 1 : i32
      %gather3A_1267 = arith.constant 0 : i32
      %gather3A_1268 = arith.constant 0 : i32
      %gather3A_1269 = tpu.memref_slice %arg9[%gather3A_1265, %gather3A_1266, %gather3A_1267, %gather3A_1268] : memref<2x4x32x128xf32, #tpu.memory_space<vmem>> -> memref<1x1x32x128xf32, #tpu.memory_space<vmem>>
      %gather3A_1270 = tpu.memref_squeeze %gather3A_1269 : memref<1x1x32x128xf32, #tpu.memory_space<vmem>> -> memref<32x128xf32, #tpu.memory_space<vmem>>
      %gather3A_1271 = tpu.vector_load_idx %gather3A_1270[%add3A_6, %broadcast_in_dim3A_1243] : memref<32x128xf32, #tpu.memory_space<vmem>>[vector<16xi32>, vector<16xi32>], vector<16xf32>,
      %eq3A_1272 = arith.constant 9 : i32
      %eq3A_1273 = vector.broadcast %eq3A_1272 : i32 to vector<16xi32>
      %eq3A_1274 = arith.cmpi eq, %iota3A, %eq3A_1273 : vector<16xi32>
      %mul3A_1275 = arith.mulf %gather3A_1250, %gather3A_1264 : vector<16xf32>
      %mul3A_1276 = arith.mulf %gather3A_1257, %gather3A_1271 : vector<16xf32>
      %add3A_1277 = arith.addf %mul3A_1275, %mul3A_1276 : vector<16xf32>
      %reduce_sum3A_1278 = arith.constant true
      %reduce_sum3A_1279 = vector.broadcast %reduce_sum3A_1278 : i1 to vector<16xi1>
      %reduce_sum3A_1280 = tpu.scan <sum>, %add3A_1277 masked %reduce_sum3A_1279 : vector<16xf32>, vector<16xi1> -> vector<16xf32>
      %reduce_sum3A_1281 = vector.extract %reduce_sum3A_1280[15] : f32 from vector<16xf32>
      %broadcast_in_dim3A_1282 = vector.broadcast %reduce_sum3A_1281 : f32 to vector<16xf32>
      %select_n3A_1283 = arith.select %eq3A_1274, %broadcast_in_dim3A_1282, %select_n3A_1233 : vector<16xi1>, vector<16xf32>
      %slice3A_1284 = vector.extract_strided_slice %get3A_15 {offsets = [10], sizes = [1], strides = [1]} : vector<16xi32> to vector<1xi32>
      %squeeze3A_1285 = vector.extract %slice3A_1284[0] : i32 from vector<1xi32>
      %and3A_1286 = arith.constant 127 : i32
      %and3A_1287 = arith.andi %squeeze3A_1285, %and3A_1286 : i32
      %broadcast_in_dim3A_1288 = vector.broadcast %and3A_1287 : i32 to vector<16xi32>
      %slice3A_1289 = vector.extract_strided_slice %get3A_19 {offsets = [10], sizes = [1], strides = [1]} : vector<16xi32> to vector<1xi32>
      %squeeze3A_1290 = vector.extract %slice3A_1289[0] : i32 from vector<1xi32>
      %and3A_1291 = arith.constant 127 : i32
      %and3A_1292 = arith.andi %squeeze3A_1290, %and3A_1291 : i32
      %broadcast_in_dim3A_1293 = vector.broadcast %and3A_1292 : i32 to vector<16xi32>
      %gather3A_1294 = arith.constant 0 : i32
      %gather3A_1295 = arith.constant 2 : i32
      %gather3A_1296 = arith.constant 0 : i32
      %gather3A_1297 = arith.constant 0 : i32
      %gather3A_1298 = tpu.memref_slice %arg8[%gather3A_1294, %gather3A_1295, %gather3A_1296, %gather3A_1297] : memref<2x4x32x128xf32, #tpu.memory_space<vmem>> -> memref<1x1x32x128xf32, #tpu.memory_space<vmem>>
      %gather3A_1299 = tpu.memref_squeeze %gather3A_1298 : memref<1x1x32x128xf32, #tpu.memory_space<vmem>> -> memref<32x128xf32, #tpu.memory_space<vmem>>
      %gather3A_1300 = tpu.vector_load_idx %gather3A_1299[%iota3A_3, %broadcast_in_dim3A_1288] : memref<32x128xf32, #tpu.memory_space<vmem>>[vector<16xi32>, vector<16xi32>], vector<16xf32>,
      %gather3A_1301 = arith.constant 0 : i32
      %gather3A_1302 = arith.constant 2 : i32
      %gather3A_1303 = arith.constant 0 : i32
      %gather3A_1304 = arith.constant 0 : i32
      %gather3A_1305 = tpu.memref_slice %arg8[%gather3A_1301, %gather3A_1302, %gather3A_1303, %gather3A_1304] : memref<2x4x32x128xf32, #tpu.memory_space<vmem>> -> memref<1x1x32x128xf32, #tpu.memory_space<vmem>>
      %gather3A_1306 = tpu.memref_squeeze %gather3A_1305 : memref<1x1x32x128xf32, #tpu.memory_space<vmem>> -> memref<32x128xf32, #tpu.memory_space<vmem>>
      %gather3A_1307 = tpu.vector_load_idx %gather3A_1306[%add3A_6, %broadcast_in_dim3A_1288] : memref<32x128xf32, #tpu.memory_space<vmem>>[vector<16xi32>, vector<16xi32>], vector<16xf32>,
      %gather3A_1308 = arith.constant 0 : i32
      %gather3A_1309 = arith.constant 2 : i32
      %gather3A_1310 = arith.constant 0 : i32
      %gather3A_1311 = arith.constant 0 : i32
      %gather3A_1312 = tpu.memref_slice %arg9[%gather3A_1308, %gather3A_1309, %gather3A_1310, %gather3A_1311] : memref<2x4x32x128xf32, #tpu.memory_space<vmem>> -> memref<1x1x32x128xf32, #tpu.memory_space<vmem>>
      %gather3A_1313 = tpu.memref_squeeze %gather3A_1312 : memref<1x1x32x128xf32, #tpu.memory_space<vmem>> -> memref<32x128xf32, #tpu.memory_space<vmem>>
      %gather3A_1314 = tpu.vector_load_idx %gather3A_1313[%iota3A_3, %broadcast_in_dim3A_1293] : memref<32x128xf32, #tpu.memory_space<vmem>>[vector<16xi32>, vector<16xi32>], vector<16xf32>,
      %gather3A_1315 = arith.constant 0 : i32
      %gather3A_1316 = arith.constant 2 : i32
      %gather3A_1317 = arith.constant 0 : i32
      %gather3A_1318 = arith.constant 0 : i32
      %gather3A_1319 = tpu.memref_slice %arg9[%gather3A_1315, %gather3A_1316, %gather3A_1317, %gather3A_1318] : memref<2x4x32x128xf32, #tpu.memory_space<vmem>> -> memref<1x1x32x128xf32, #tpu.memory_space<vmem>>
      %gather3A_1320 = tpu.memref_squeeze %gather3A_1319 : memref<1x1x32x128xf32, #tpu.memory_space<vmem>> -> memref<32x128xf32, #tpu.memory_space<vmem>>
      %gather3A_1321 = tpu.vector_load_idx %gather3A_1320[%add3A_6, %broadcast_in_dim3A_1293] : memref<32x128xf32, #tpu.memory_space<vmem>>[vector<16xi32>, vector<16xi32>], vector<16xf32>,
      %eq3A_1322 = arith.constant 10 : i32
      %eq3A_1323 = vector.broadcast %eq3A_1322 : i32 to vector<16xi32>
      %eq3A_1324 = arith.cmpi eq, %iota3A, %eq3A_1323 : vector<16xi32>
      %mul3A_1325 = arith.mulf %gather3A_1300, %gather3A_1314 : vector<16xf32>
      %mul3A_1326 = arith.mulf %gather3A_1307, %gather3A_1321 : vector<16xf32>
      %add3A_1327 = arith.addf %mul3A_1325, %mul3A_1326 : vector<16xf32>
      %reduce_sum3A_1328 = arith.constant true
      %reduce_sum3A_1329 = vector.broadcast %reduce_sum3A_1328 : i1 to vector<16xi1>
      %reduce_sum3A_1330 = tpu.scan <sum>, %add3A_1327 masked %reduce_sum3A_1329 : vector<16xf32>, vector<16xi1> -> vector<16xf32>
      %reduce_sum3A_1331 = vector.extract %reduce_sum3A_1330[15] : f32 from vector<16xf32>
      %broadcast_in_dim3A_1332 = vector.broadcast %reduce_sum3A_1331 : f32 to vector<16xf32>
      %select_n3A_1333 = arith.select %eq3A_1324, %broadcast_in_dim3A_1332, %select_n3A_1283 : vector<16xi1>, vector<16xf32>
      %slice3A_1334 = vector.extract_strided_slice %get3A_15 {offsets = [11], sizes = [1], strides = [1]} : vector<16xi32> to vector<1xi32>
      %squeeze3A_1335 = vector.extract %slice3A_1334[0] : i32 from vector<1xi32>
      %and3A_1336 = arith.constant 127 : i32
      %and3A_1337 = arith.andi %squeeze3A_1335, %and3A_1336 : i32
      %broadcast_in_dim3A_1338 = vector.broadcast %and3A_1337 : i32 to vector<16xi32>
      %slice3A_1339 = vector.extract_strided_slice %get3A_19 {offsets = [11], sizes = [1], strides = [1]} : vector<16xi32> to vector<1xi32>
      %squeeze3A_1340 = vector.extract %slice3A_1339[0] : i32 from vector<1xi32>
      %and3A_1341 = arith.constant 127 : i32
      %and3A_1342 = arith.andi %squeeze3A_1340, %and3A_1341 : i32
      %broadcast_in_dim3A_1343 = vector.broadcast %and3A_1342 : i32 to vector<16xi32>
      %gather3A_1344 = arith.constant 0 : i32
      %gather3A_1345 = arith.constant 3 : i32
      %gather3A_1346 = arith.constant 0 : i32
      %gather3A_1347 = arith.constant 0 : i32
      %gather3A_1348 = tpu.memref_slice %arg8[%gather3A_1344, %gather3A_1345, %gather3A_1346, %gather3A_1347] : memref<2x4x32x128xf32, #tpu.memory_space<vmem>> -> memref<1x1x32x128xf32, #tpu.memory_space<vmem>>
      %gather3A_1349 = tpu.memref_squeeze %gather3A_1348 : memref<1x1x32x128xf32, #tpu.memory_space<vmem>> -> memref<32x128xf32, #tpu.memory_space<vmem>>
      %gather3A_1350 = tpu.vector_load_idx %gather3A_1349[%iota3A_3, %broadcast_in_dim3A_1338] : memref<32x128xf32, #tpu.memory_space<vmem>>[vector<16xi32>, vector<16xi32>], vector<16xf32>,
      %gather3A_1351 = arith.constant 0 : i32
      %gather3A_1352 = arith.constant 3 : i32
      %gather3A_1353 = arith.constant 0 : i32
      %gather3A_1354 = arith.constant 0 : i32
      %gather3A_1355 = tpu.memref_slice %arg8[%gather3A_1351, %gather3A_1352, %gather3A_1353, %gather3A_1354] : memref<2x4x32x128xf32, #tpu.memory_space<vmem>> -> memref<1x1x32x128xf32, #tpu.memory_space<vmem>>
      %gather3A_1356 = tpu.memref_squeeze %gather3A_1355 : memref<1x1x32x128xf32, #tpu.memory_space<vmem>> -> memref<32x128xf32, #tpu.memory_space<vmem>>
      %gather3A_1357 = tpu.vector_load_idx %gather3A_1356[%add3A_6, %broadcast_in_dim3A_1338] : memref<32x128xf32, #tpu.memory_space<vmem>>[vector<16xi32>, vector<16xi32>], vector<16xf32>,
      %gather3A_1358 = arith.constant 0 : i32
      %gather3A_1359 = arith.constant 3 : i32
      %gather3A_1360 = arith.constant 0 : i32
      %gather3A_1361 = arith.constant 0 : i32
      %gather3A_1362 = tpu.memref_slice %arg9[%gather3A_1358, %gather3A_1359, %gather3A_1360, %gather3A_1361] : memref<2x4x32x128xf32, #tpu.memory_space<vmem>> -> memref<1x1x32x128xf32, #tpu.memory_space<vmem>>
      %gather3A_1363 = tpu.memref_squeeze %gather3A_1362 : memref<1x1x32x128xf32, #tpu.memory_space<vmem>> -> memref<32x128xf32, #tpu.memory_space<vmem>>
      %gather3A_1364 = tpu.vector_load_idx %gather3A_1363[%iota3A_3, %broadcast_in_dim3A_1343] : memref<32x128xf32, #tpu.memory_space<vmem>>[vector<16xi32>, vector<16xi32>], vector<16xf32>,
      %gather3A_1365 = arith.constant 0 : i32
      %gather3A_1366 = arith.constant 3 : i32
      %gather3A_1367 = arith.constant 0 : i32
      %gather3A_1368 = arith.constant 0 : i32
      %gather3A_1369 = tpu.memref_slice %arg9[%gather3A_1365, %gather3A_1366, %gather3A_1367, %gather3A_1368] : memref<2x4x32x128xf32, #tpu.memory_space<vmem>> -> memref<1x1x32x128xf32, #tpu.memory_space<vmem>>
      %gather3A_1370 = tpu.memref_squeeze %gather3A_1369 : memref<1x1x32x128xf32, #tpu.memory_space<vmem>> -> memref<32x128xf32, #tpu.memory_space<vmem>>
      %gather3A_1371 = tpu.vector_load_idx %gather3A_1370[%add3A_6, %broadcast_in_dim3A_1343] : memref<32x128xf32, #tpu.memory_space<vmem>>[vector<16xi32>, vector<16xi32>], vector<16xf32>,
      %eq3A_1372 = arith.constant 11 : i32
      %eq3A_1373 = vector.broadcast %eq3A_1372 : i32 to vector<16xi32>
      %eq3A_1374 = arith.cmpi eq, %iota3A, %eq3A_1373 : vector<16xi32>
      %mul3A_1375 = arith.mulf %gather3A_1350, %gather3A_1364 : vector<16xf32>
      %mul3A_1376 = arith.mulf %gather3A_1357, %gather3A_1371 : vector<16xf32>
      %add3A_1377 = arith.addf %mul3A_1375, %mul3A_1376 : vector<16xf32>
      %reduce_sum3A_1378 = arith.constant true
      %reduce_sum3A_1379 = vector.broadcast %reduce_sum3A_1378 : i1 to vector<16xi1>
      %reduce_sum3A_1380 = tpu.scan <sum>, %add3A_1377 masked %reduce_sum3A_1379 : vector<16xf32>, vector<16xi1> -> vector<16xf32>
      %reduce_sum3A_1381 = vector.extract %reduce_sum3A_1380[15] : f32 from vector<16xf32>
      %broadcast_in_dim3A_1382 = vector.broadcast %reduce_sum3A_1381 : f32 to vector<16xf32>
      %select_n3A_1383 = arith.select %eq3A_1374, %broadcast_in_dim3A_1382, %select_n3A_1333 : vector<16xi1>, vector<16xf32>
      %dma_wait3A_1384 = arith.constant 0 : i32
      %dma_wait3A_1385 = arith.constant 0 : i32
      %dma_wait3A_1386 = arith.constant 0 : i32
      %dma_wait3A_1387 = arith.constant 0 : i32
      %dma_wait3A_1388 = tpu.memref_slice %arg8[%dma_wait3A_1384, %dma_wait3A_1385, %dma_wait3A_1386, %dma_wait3A_1387] : memref<2x4x32x128xf32, #tpu.memory_space<vmem>> -> memref<1x4x32x128xf32, #tpu.memory_space<vmem>>
      %dma_wait3A_1389 = tpu.memref_squeeze %dma_wait3A_1388 : memref<1x4x32x128xf32, #tpu.memory_space<vmem>> -> memref<4x32x128xf32, #tpu.memory_space<vmem>>
      %dma_wait3A_1390 = arith.constant 0 : i32
      %dma_wait3A_1391 = arith.constant 0 : i32
      %dma_wait3A_1392 = tpu.memref_slice %arg2[%dma_wait3A_1390, %dma_wait3A_1391] : memref<32x1000000xf32, #tpu.memory_space<hbm>> -> memref<32x512xf32, #tpu.memory_space<hbm>>
      %dma_wait3A_1393 = arith.constant 0 : i32
      %dma_wait3A_1394 = arith.constant 0 : i32
      %dma_wait3A_1395 = arith.constant 0 : i32
      %dma_wait3A_1396 = tpu.memref_slice %arg8[%dma_wait3A_1384, %dma_wait3A_1393, %dma_wait3A_1394, %dma_wait3A_1395] : memref<2x4x32x128xf32, #tpu.memory_space<vmem>> -> memref<1x4x32x128xf32, #tpu.memory_space<vmem>>
      %dma_wait3A_1397 = tpu.memref_squeeze %dma_wait3A_1396 : memref<1x4x32x128xf32, #tpu.memory_space<vmem>> -> memref<4x32x128xf32, #tpu.memory_space<vmem>>
      %dma_wait3A_1398 = arith.constant 0 : i32
      %dma_wait3A_1399 = arith.constant 0 : i32
      %dma_wait3A_1400 = tpu.memref_slice %arg2[%dma_wait3A_1398, %dma_wait3A_1399] : memref<32x1000000xf32, #tpu.memory_space<hbm>> -> memref<32x512xf32, #tpu.memory_space<hbm>>
      tpu.wait_dma2 semaphore(%arg11 : memref<!tpu.dma_semaphore, #tpu.memory_space<semaphore_mem>>) src(%dma_wait3A_1400 : memref<32x512xf32, #tpu.memory_space<hbm>>) dst(%dma_wait3A_1397 : memref<4x32x128xf32, #tpu.memory_space<vmem>>)
      %dma_wait3A_1401 = arith.constant 0 : i32
      %dma_wait3A_1402 = arith.constant 0 : i32
      %dma_wait3A_1403 = arith.constant 0 : i32
      %dma_wait3A_1404 = arith.constant 0 : i32
      %dma_wait3A_1405 = tpu.memref_slice %arg9[%dma_wait3A_1401, %dma_wait3A_1402, %dma_wait3A_1403, %dma_wait3A_1404] : memref<2x4x32x128xf32, #tpu.memory_space<vmem>> -> memref<1x4x32x128xf32, #tpu.memory_space<vmem>>
      %dma_wait3A_1406 = tpu.memref_squeeze %dma_wait3A_1405 : memref<1x4x32x128xf32, #tpu.memory_space<vmem>> -> memref<4x32x128xf32, #tpu.memory_space<vmem>>
      %dma_wait3A_1407 = arith.constant 0 : i32
      %dma_wait3A_1408 = arith.constant 0 : i32
      %dma_wait3A_1409 = tpu.memref_slice %arg2[%dma_wait3A_1407, %dma_wait3A_1408] : memref<32x1000000xf32, #tpu.memory_space<hbm>> -> memref<32x512xf32, #tpu.memory_space<hbm>>
      %dma_wait3A_1410 = arith.constant 0 : i32
      %dma_wait3A_1411 = arith.constant 0 : i32
      %dma_wait3A_1412 = arith.constant 0 : i32
      %dma_wait3A_1413 = tpu.memref_slice %arg9[%dma_wait3A_1401, %dma_wait3A_1410, %dma_wait3A_1411, %dma_wait3A_1412] : memref<2x4x32x128xf32, #tpu.memory_space<vmem>> -> memref<1x4x32x128xf32, #tpu.memory_space<vmem>>
      %dma_wait3A_1414 = tpu.memref_squeeze %dma_wait3A_1413 : memref<1x4x32x128xf32, #tpu.memory_space<vmem>> -> memref<4x32x128xf32, #tpu.memory_space<vmem>>
      %dma_wait3A_1415 = arith.constant 0 : i32
      %dma_wait3A_1416 = arith.constant 0 : i32
      %dma_wait3A_1417 = tpu.memref_slice %arg2[%dma_wait3A_1415, %dma_wait3A_1416] : memref<32x1000000xf32, #tpu.memory_space<hbm>> -> memref<32x512xf32, #tpu.memory_space<hbm>>
      tpu.wait_dma2 semaphore(%arg12 : memref<!tpu.dma_semaphore, #tpu.memory_space<semaphore_mem>>) src(%dma_wait3A_1417 : memref<32x512xf32, #tpu.memory_space<hbm>>) dst(%dma_wait3A_1414 : memref<4x32x128xf32, #tpu.memory_space<vmem>>)
      %slice3A_1418 = vector.extract_strided_slice %get3A_15 {offsets = [12], sizes = [1], strides = [1]} : vector<16xi32> to vector<1xi32>
      %squeeze3A_1419 = vector.extract %slice3A_1418[0] : i32 from vector<1xi32>
      %and3A_1420 = arith.constant 127 : i32
      %and3A_1421 = arith.andi %squeeze3A_1419, %and3A_1420 : i32
      %broadcast_in_dim3A_1422 = vector.broadcast %and3A_1421 : i32 to vector<16xi32>
      %slice3A_1423 = vector.extract_strided_slice %get3A_19 {offsets = [12], sizes = [1], strides = [1]} : vector<16xi32> to vector<1xi32>
      %squeeze3A_1424 = vector.extract %slice3A_1423[0] : i32 from vector<1xi32>
      %and3A_1425 = arith.constant 127 : i32
      %and3A_1426 = arith.andi %squeeze3A_1424, %and3A_1425 : i32
      %broadcast_in_dim3A_1427 = vector.broadcast %and3A_1426 : i32 to vector<16xi32>
      %gather3A_1428 = arith.constant 1 : i32
      %gather3A_1429 = arith.constant 0 : i32
      %gather3A_1430 = arith.constant 0 : i32
      %gather3A_1431 = arith.constant 0 : i32
      %gather3A_1432 = tpu.memref_slice %arg8[%gather3A_1428, %gather3A_1429, %gather3A_1430, %gather3A_1431] : memref<2x4x32x128xf32, #tpu.memory_space<vmem>> -> memref<1x1x32x128xf32, #tpu.memory_space<vmem>>
      %gather3A_1433 = tpu.memref_squeeze %gather3A_1432 : memref<1x1x32x128xf32, #tpu.memory_space<vmem>> -> memref<32x128xf32, #tpu.memory_space<vmem>>
      %gather3A_1434 = tpu.vector_load_idx %gather3A_1433[%iota3A_3, %broadcast_in_dim3A_1422] : memref<32x128xf32, #tpu.memory_space<vmem>>[vector<16xi32>, vector<16xi32>], vector<16xf32>,
      %gather3A_1435 = arith.constant 1 : i32
      %gather3A_1436 = arith.constant 0 : i32
      %gather3A_1437 = arith.constant 0 : i32
      %gather3A_1438 = arith.constant 0 : i32
      %gather3A_1439 = tpu.memref_slice %arg8[%gather3A_1435, %gather3A_1436, %gather3A_1437, %gather3A_1438] : memref<2x4x32x128xf32, #tpu.memory_space<vmem>> -> memref<1x1x32x128xf32, #tpu.memory_space<vmem>>
      %gather3A_1440 = tpu.memref_squeeze %gather3A_1439 : memref<1x1x32x128xf32, #tpu.memory_space<vmem>> -> memref<32x128xf32, #tpu.memory_space<vmem>>
      %gather3A_1441 = tpu.vector_load_idx %gather3A_1440[%add3A_6, %broadcast_in_dim3A_1422] : memref<32x128xf32, #tpu.memory_space<vmem>>[vector<16xi32>, vector<16xi32>], vector<16xf32>,
      %gather3A_1442 = arith.constant 1 : i32
      %gather3A_1443 = arith.constant 0 : i32
      %gather3A_1444 = arith.constant 0 : i32
      %gather3A_1445 = arith.constant 0 : i32
      %gather3A_1446 = tpu.memref_slice %arg9[%gather3A_1442, %gather3A_1443, %gather3A_1444, %gather3A_1445] : memref<2x4x32x128xf32, #tpu.memory_space<vmem>> -> memref<1x1x32x128xf32, #tpu.memory_space<vmem>>
      %gather3A_1447 = tpu.memref_squeeze %gather3A_1446 : memref<1x1x32x128xf32, #tpu.memory_space<vmem>> -> memref<32x128xf32, #tpu.memory_space<vmem>>
      %gather3A_1448 = tpu.vector_load_idx %gather3A_1447[%iota3A_3, %broadcast_in_dim3A_1427] : memref<32x128xf32, #tpu.memory_space<vmem>>[vector<16xi32>, vector<16xi32>], vector<16xf32>,
      %gather3A_1449 = arith.constant 1 : i32
      %gather3A_1450 = arith.constant 0 : i32
      %gather3A_1451 = arith.constant 0 : i32
      %gather3A_1452 = arith.constant 0 : i32
      %gather3A_1453 = tpu.memref_slice %arg9[%gather3A_1449, %gather3A_1450, %gather3A_1451, %gather3A_1452] : memref<2x4x32x128xf32, #tpu.memory_space<vmem>> -> memref<1x1x32x128xf32, #tpu.memory_space<vmem>>
      %gather3A_1454 = tpu.memref_squeeze %gather3A_1453 : memref<1x1x32x128xf32, #tpu.memory_space<vmem>> -> memref<32x128xf32, #tpu.memory_space<vmem>>
      %gather3A_1455 = tpu.vector_load_idx %gather3A_1454[%add3A_6, %broadcast_in_dim3A_1427] : memref<32x128xf32, #tpu.memory_space<vmem>>[vector<16xi32>, vector<16xi32>], vector<16xf32>,
      %eq3A_1456 = arith.constant 12 : i32
      %eq3A_1457 = vector.broadcast %eq3A_1456 : i32 to vector<16xi32>
      %eq3A_1458 = arith.cmpi eq, %iota3A, %eq3A_1457 : vector<16xi32>
      %mul3A_1459 = arith.mulf %gather3A_1434, %gather3A_1448 : vector<16xf32>
      %mul3A_1460 = arith.mulf %gather3A_1441, %gather3A_1455 : vector<16xf32>
      %add3A_1461 = arith.addf %mul3A_1459, %mul3A_1460 : vector<16xf32>
      %reduce_sum3A_1462 = arith.constant true
      %reduce_sum3A_1463 = vector.broadcast %reduce_sum3A_1462 : i1 to vector<16xi1>
      %reduce_sum3A_1464 = tpu.scan <sum>, %add3A_1461 masked %reduce_sum3A_1463 : vector<16xf32>, vector<16xi1> -> vector<16xf32>
      %reduce_sum3A_1465 = vector.extract %reduce_sum3A_1464[15] : f32 from vector<16xf32>
      %broadcast_in_dim3A_1466 = vector.broadcast %reduce_sum3A_1465 : f32 to vector<16xf32>
      %select_n3A_1467 = arith.select %eq3A_1458, %broadcast_in_dim3A_1466, %select_n3A_1383 : vector<16xi1>, vector<16xf32>
      %slice3A_1468 = vector.extract_strided_slice %get3A_15 {offsets = [13], sizes = [1], strides = [1]} : vector<16xi32> to vector<1xi32>
      %squeeze3A_1469 = vector.extract %slice3A_1468[0] : i32 from vector<1xi32>
      %and3A_1470 = arith.constant 127 : i32
      %and3A_1471 = arith.andi %squeeze3A_1469, %and3A_1470 : i32
      %broadcast_in_dim3A_1472 = vector.broadcast %and3A_1471 : i32 to vector<16xi32>
      %slice3A_1473 = vector.extract_strided_slice %get3A_19 {offsets = [13], sizes = [1], strides = [1]} : vector<16xi32> to vector<1xi32>
      %squeeze3A_1474 = vector.extract %slice3A_1473[0] : i32 from vector<1xi32>
      %and3A_1475 = arith.constant 127 : i32
      %and3A_1476 = arith.andi %squeeze3A_1474, %and3A_1475 : i32
      %broadcast_in_dim3A_1477 = vector.broadcast %and3A_1476 : i32 to vector<16xi32>
      %gather3A_1478 = arith.constant 1 : i32
      %gather3A_1479 = arith.constant 1 : i32
      %gather3A_1480 = arith.constant 0 : i32
      %gather3A_1481 = arith.constant 0 : i32
      %gather3A_1482 = tpu.memref_slice %arg8[%gather3A_1478, %gather3A_1479, %gather3A_1480, %gather3A_1481] : memref<2x4x32x128xf32, #tpu.memory_space<vmem>> -> memref<1x1x32x128xf32, #tpu.memory_space<vmem>>
      %gather3A_1483 = tpu.memref_squeeze %gather3A_1482 : memref<1x1x32x128xf32, #tpu.memory_space<vmem>> -> memref<32x128xf32, #tpu.memory_space<vmem>>
      %gather3A_1484 = tpu.vector_load_idx %gather3A_1483[%iota3A_3, %broadcast_in_dim3A_1472] : memref<32x128xf32, #tpu.memory_space<vmem>>[vector<16xi32>, vector<16xi32>], vector<16xf32>,
      %gather3A_1485 = arith.constant 1 : i32
      %gather3A_1486 = arith.constant 1 : i32
      %gather3A_1487 = arith.constant 0 : i32
      %gather3A_1488 = arith.constant 0 : i32
      %gather3A_1489 = tpu.memref_slice %arg8[%gather3A_1485, %gather3A_1486, %gather3A_1487, %gather3A_1488] : memref<2x4x32x128xf32, #tpu.memory_space<vmem>> -> memref<1x1x32x128xf32, #tpu.memory_space<vmem>>
      %gather3A_1490 = tpu.memref_squeeze %gather3A_1489 : memref<1x1x32x128xf32, #tpu.memory_space<vmem>> -> memref<32x128xf32, #tpu.memory_space<vmem>>
      %gather3A_1491 = tpu.vector_load_idx %gather3A_1490[%add3A_6, %broadcast_in_dim3A_1472] : memref<32x128xf32, #tpu.memory_space<vmem>>[vector<16xi32>, vector<16xi32>], vector<16xf32>,
      %gather3A_1492 = arith.constant 1 : i32
      %gather3A_1493 = arith.constant 1 : i32
      %gather3A_1494 = arith.constant 0 : i32
      %gather3A_1495 = arith.constant 0 : i32
      %gather3A_1496 = tpu.memref_slice %arg9[%gather3A_1492, %gather3A_1493, %gather3A_1494, %gather3A_1495] : memref<2x4x32x128xf32, #tpu.memory_space<vmem>> -> memref<1x1x32x128xf32, #tpu.memory_space<vmem>>
      %gather3A_1497 = tpu.memref_squeeze %gather3A_1496 : memref<1x1x32x128xf32, #tpu.memory_space<vmem>> -> memref<32x128xf32, #tpu.memory_space<vmem>>
      %gather3A_1498 = tpu.vector_load_idx %gather3A_1497[%iota3A_3, %broadcast_in_dim3A_1477] : memref<32x128xf32, #tpu.memory_space<vmem>>[vector<16xi32>, vector<16xi32>], vector<16xf32>,
      %gather3A_1499 = arith.constant 1 : i32
      %gather3A_1500 = arith.constant 1 : i32
      %gather3A_1501 = arith.constant 0 : i32
      %gather3A_1502 = arith.constant 0 : i32
      %gather3A_1503 = tpu.memref_slice %arg9[%gather3A_1499, %gather3A_1500, %gather3A_1501, %gather3A_1502] : memref<2x4x32x128xf32, #tpu.memory_space<vmem>> -> memref<1x1x32x128xf32, #tpu.memory_space<vmem>>
      %gather3A_1504 = tpu.memref_squeeze %gather3A_1503 : memref<1x1x32x128xf32, #tpu.memory_space<vmem>> -> memref<32x128xf32, #tpu.memory_space<vmem>>
      %gather3A_1505 = tpu.vector_load_idx %gather3A_1504[%add3A_6, %broadcast_in_dim3A_1477] : memref<32x128xf32, #tpu.memory_space<vmem>>[vector<16xi32>, vector<16xi32>], vector<16xf32>,
      %eq3A_1506 = arith.constant 13 : i32
      %eq3A_1507 = vector.broadcast %eq3A_1506 : i32 to vector<16xi32>
      %eq3A_1508 = arith.cmpi eq, %iota3A, %eq3A_1507 : vector<16xi32>
      %mul3A_1509 = arith.mulf %gather3A_1484, %gather3A_1498 : vector<16xf32>
      %mul3A_1510 = arith.mulf %gather3A_1491, %gather3A_1505 : vector<16xf32>
      %add3A_1511 = arith.addf %mul3A_1509, %mul3A_1510 : vector<16xf32>
      %reduce_sum3A_1512 = arith.constant true
      %reduce_sum3A_1513 = vector.broadcast %reduce_sum3A_1512 : i1 to vector<16xi1>
      %reduce_sum3A_1514 = tpu.scan <sum>, %add3A_1511 masked %reduce_sum3A_1513 : vector<16xf32>, vector<16xi1> -> vector<16xf32>
      %reduce_sum3A_1515 = vector.extract %reduce_sum3A_1514[15] : f32 from vector<16xf32>
      %broadcast_in_dim3A_1516 = vector.broadcast %reduce_sum3A_1515 : f32 to vector<16xf32>
      %select_n3A_1517 = arith.select %eq3A_1508, %broadcast_in_dim3A_1516, %select_n3A_1467 : vector<16xi1>, vector<16xf32>
      %slice3A_1518 = vector.extract_strided_slice %get3A_15 {offsets = [14], sizes = [1], strides = [1]} : vector<16xi32> to vector<1xi32>
      %squeeze3A_1519 = vector.extract %slice3A_1518[0] : i32 from vector<1xi32>
      %and3A_1520 = arith.constant 127 : i32
      %and3A_1521 = arith.andi %squeeze3A_1519, %and3A_1520 : i32
      %broadcast_in_dim3A_1522 = vector.broadcast %and3A_1521 : i32 to vector<16xi32>
      %slice3A_1523 = vector.extract_strided_slice %get3A_19 {offsets = [14], sizes = [1], strides = [1]} : vector<16xi32> to vector<1xi32>
      %squeeze3A_1524 = vector.extract %slice3A_1523[0] : i32 from vector<1xi32>
      %and3A_1525 = arith.constant 127 : i32
      %and3A_1526 = arith.andi %squeeze3A_1524, %and3A_1525 : i32
      %broadcast_in_dim3A_1527 = vector.broadcast %and3A_1526 : i32 to vector<16xi32>
      %gather3A_1528 = arith.constant 1 : i32
      %gather3A_1529 = arith.constant 2 : i32
      %gather3A_1530 = arith.constant 0 : i32
      %gather3A_1531 = arith.constant 0 : i32
      %gather3A_1532 = tpu.memref_slice %arg8[%gather3A_1528, %gather3A_1529, %gather3A_1530, %gather3A_1531] : memref<2x4x32x128xf32, #tpu.memory_space<vmem>> -> memref<1x1x32x128xf32, #tpu.memory_space<vmem>>
      %gather3A_1533 = tpu.memref_squeeze %gather3A_1532 : memref<1x1x32x128xf32, #tpu.memory_space<vmem>> -> memref<32x128xf32, #tpu.memory_space<vmem>>
      %gather3A_1534 = tpu.vector_load_idx %gather3A_1533[%iota3A_3, %broadcast_in_dim3A_1522] : memref<32x128xf32, #tpu.memory_space<vmem>>[vector<16xi32>, vector<16xi32>], vector<16xf32>,
      %gather3A_1535 = arith.constant 1 : i32
      %gather3A_1536 = arith.constant 2 : i32
      %gather3A_1537 = arith.constant 0 : i32
      %gather3A_1538 = arith.constant 0 : i32
      %gather3A_1539 = tpu.memref_slice %arg8[%gather3A_1535, %gather3A_1536, %gather3A_1537, %gather3A_1538] : memref<2x4x32x128xf32, #tpu.memory_space<vmem>> -> memref<1x1x32x128xf32, #tpu.memory_space<vmem>>
      %gather3A_1540 = tpu.memref_squeeze %gather3A_1539 : memref<1x1x32x128xf32, #tpu.memory_space<vmem>> -> memref<32x128xf32, #tpu.memory_space<vmem>>
      %gather3A_1541 = tpu.vector_load_idx %gather3A_1540[%add3A_6, %broadcast_in_dim3A_1522] : memref<32x128xf32, #tpu.memory_space<vmem>>[vector<16xi32>, vector<16xi32>], vector<16xf32>,
      %gather3A_1542 = arith.constant 1 : i32
      %gather3A_1543 = arith.constant 2 : i32
      %gather3A_1544 = arith.constant 0 : i32
      %gather3A_1545 = arith.constant 0 : i32
      %gather3A_1546 = tpu.memref_slice %arg9[%gather3A_1542, %gather3A_1543, %gather3A_1544, %gather3A_1545] : memref<2x4x32x128xf32, #tpu.memory_space<vmem>> -> memref<1x1x32x128xf32, #tpu.memory_space<vmem>>
      %gather3A_1547 = tpu.memref_squeeze %gather3A_1546 : memref<1x1x32x128xf32, #tpu.memory_space<vmem>> -> memref<32x128xf32, #tpu.memory_space<vmem>>
      %gather3A_1548 = tpu.vector_load_idx %gather3A_1547[%iota3A_3, %broadcast_in_dim3A_1527] : memref<32x128xf32, #tpu.memory_space<vmem>>[vector<16xi32>, vector<16xi32>], vector<16xf32>,
      %gather3A_1549 = arith.constant 1 : i32
      %gather3A_1550 = arith.constant 2 : i32
      %gather3A_1551 = arith.constant 0 : i32
      %gather3A_1552 = arith.constant 0 : i32
      %gather3A_1553 = tpu.memref_slice %arg9[%gather3A_1549, %gather3A_1550, %gather3A_1551, %gather3A_1552] : memref<2x4x32x128xf32, #tpu.memory_space<vmem>> -> memref<1x1x32x128xf32, #tpu.memory_space<vmem>>
      %gather3A_1554 = tpu.memref_squeeze %gather3A_1553 : memref<1x1x32x128xf32, #tpu.memory_space<vmem>> -> memref<32x128xf32, #tpu.memory_space<vmem>>
      %gather3A_1555 = tpu.vector_load_idx %gather3A_1554[%add3A_6, %broadcast_in_dim3A_1527] : memref<32x128xf32, #tpu.memory_space<vmem>>[vector<16xi32>, vector<16xi32>], vector<16xf32>,
      %eq3A_1556 = arith.constant 14 : i32
      %eq3A_1557 = vector.broadcast %eq3A_1556 : i32 to vector<16xi32>
      %eq3A_1558 = arith.cmpi eq, %iota3A, %eq3A_1557 : vector<16xi32>
      %mul3A_1559 = arith.mulf %gather3A_1534, %gather3A_1548 : vector<16xf32>
      %mul3A_1560 = arith.mulf %gather3A_1541, %gather3A_1555 : vector<16xf32>
      %add3A_1561 = arith.addf %mul3A_1559, %mul3A_1560 : vector<16xf32>
      %reduce_sum3A_1562 = arith.constant true
      %reduce_sum3A_1563 = vector.broadcast %reduce_sum3A_1562 : i1 to vector<16xi1>
      %reduce_sum3A_1564 = tpu.scan <sum>, %add3A_1561 masked %reduce_sum3A_1563 : vector<16xf32>, vector<16xi1> -> vector<16xf32>
      %reduce_sum3A_1565 = vector.extract %reduce_sum3A_1564[15] : f32 from vector<16xf32>
      %broadcast_in_dim3A_1566 = vector.broadcast %reduce_sum3A_1565 : f32 to vector<16xf32>
      %select_n3A_1567 = arith.select %eq3A_1558, %broadcast_in_dim3A_1566, %select_n3A_1517 : vector<16xi1>, vector<16xf32>
      %slice3A_1568 = vector.extract_strided_slice %get3A_15 {offsets = [15], sizes = [1], strides = [1]} : vector<16xi32> to vector<1xi32>
      %squeeze3A_1569 = vector.extract %slice3A_1568[0] : i32 from vector<1xi32>
      %and3A_1570 = arith.constant 127 : i32
      %and3A_1571 = arith.andi %squeeze3A_1569, %and3A_1570 : i32
      %broadcast_in_dim3A_1572 = vector.broadcast %and3A_1571 : i32 to vector<16xi32>
      %slice3A_1573 = vector.extract_strided_slice %get3A_19 {offsets = [15], sizes = [1], strides = [1]} : vector<16xi32> to vector<1xi32>
      %squeeze3A_1574 = vector.extract %slice3A_1573[0] : i32 from vector<1xi32>
      %and3A_1575 = arith.constant 127 : i32
      %and3A_1576 = arith.andi %squeeze3A_1574, %and3A_1575 : i32
      %broadcast_in_dim3A_1577 = vector.broadcast %and3A_1576 : i32 to vector<16xi32>
      %gather3A_1578 = arith.constant 1 : i32
      %gather3A_1579 = arith.constant 3 : i32
      %gather3A_1580 = arith.constant 0 : i32
      %gather3A_1581 = arith.constant 0 : i32
      %gather3A_1582 = tpu.memref_slice %arg8[%gather3A_1578, %gather3A_1579, %gather3A_1580, %gather3A_1581] : memref<2x4x32x128xf32, #tpu.memory_space<vmem>> -> memref<1x1x32x128xf32, #tpu.memory_space<vmem>>
      %gather3A_1583 = tpu.memref_squeeze %gather3A_1582 : memref<1x1x32x128xf32, #tpu.memory_space<vmem>> -> memref<32x128xf32, #tpu.memory_space<vmem>>
      %gather3A_1584 = tpu.vector_load_idx %gather3A_1583[%iota3A_3, %broadcast_in_dim3A_1572] : memref<32x128xf32, #tpu.memory_space<vmem>>[vector<16xi32>, vector<16xi32>], vector<16xf32>,
      %gather3A_1585 = arith.constant 1 : i32
      %gather3A_1586 = arith.constant 3 : i32
      %gather3A_1587 = arith.constant 0 : i32
      %gather3A_1588 = arith.constant 0 : i32
      %gather3A_1589 = tpu.memref_slice %arg8[%gather3A_1585, %gather3A_1586, %gather3A_1587, %gather3A_1588] : memref<2x4x32x128xf32, #tpu.memory_space<vmem>> -> memref<1x1x32x128xf32, #tpu.memory_space<vmem>>
      %gather3A_1590 = tpu.memref_squeeze %gather3A_1589 : memref<1x1x32x128xf32, #tpu.memory_space<vmem>> -> memref<32x128xf32, #tpu.memory_space<vmem>>
      %gather3A_1591 = tpu.vector_load_idx %gather3A_1590[%add3A_6, %broadcast_in_dim3A_1572] : memref<32x128xf32, #tpu.memory_space<vmem>>[vector<16xi32>, vector<16xi32>], vector<16xf32>,
      %gather3A_1592 = arith.constant 1 : i32
      %gather3A_1593 = arith.constant 3 : i32
      %gather3A_1594 = arith.constant 0 : i32
      %gather3A_1595 = arith.constant 0 : i32
      %gather3A_1596 = tpu.memref_slice %arg9[%gather3A_1592, %gather3A_1593, %gather3A_1594, %gather3A_1595] : memref<2x4x32x128xf32, #tpu.memory_space<vmem>> -> memref<1x1x32x128xf32, #tpu.memory_space<vmem>>
      %gather3A_1597 = tpu.memref_squeeze %gather3A_1596 : memref<1x1x32x128xf32, #tpu.memory_space<vmem>> -> memref<32x128xf32, #tpu.memory_space<vmem>>
      %gather3A_1598 = tpu.vector_load_idx %gather3A_1597[%iota3A_3, %broadcast_in_dim3A_1577] : memref<32x128xf32, #tpu.memory_space<vmem>>[vector<16xi32>, vector<16xi32>], vector<16xf32>,
      %gather3A_1599 = arith.constant 1 : i32
      %gather3A_1600 = arith.constant 3 : i32
      %gather3A_1601 = arith.constant 0 : i32
      %gather3A_1602 = arith.constant 0 : i32
      %gather3A_1603 = tpu.memref_slice %arg9[%gather3A_1599, %gather3A_1600, %gather3A_1601, %gather3A_1602] : memref<2x4x32x128xf32, #tpu.memory_space<vmem>> -> memref<1x1x32x128xf32, #tpu.memory_space<vmem>>
      %gather3A_1604 = tpu.memref_squeeze %gather3A_1603 : memref<1x1x32x128xf32, #tpu.memory_space<vmem>> -> memref<32x128xf32, #tpu.memory_space<vmem>>
      %gather3A_1605 = tpu.vector_load_idx %gather3A_1604[%add3A_6, %broadcast_in_dim3A_1577] : memref<32x128xf32, #tpu.memory_space<vmem>>[vector<16xi32>, vector<16xi32>], vector<16xf32>,
      %eq3A_1606 = arith.constant 15 : i32
      %eq3A_1607 = vector.broadcast %eq3A_1606 : i32 to vector<16xi32>
      %eq3A_1608 = arith.cmpi eq, %iota3A, %eq3A_1607 : vector<16xi32>
      %mul3A_1609 = arith.mulf %gather3A_1584, %gather3A_1598 : vector<16xf32>
      %mul3A_1610 = arith.mulf %gather3A_1591, %gather3A_1605 : vector<16xf32>
      %add3A_1611 = arith.addf %mul3A_1609, %mul3A_1610 : vector<16xf32>
      %reduce_sum3A_1612 = arith.constant true
      %reduce_sum3A_1613 = vector.broadcast %reduce_sum3A_1612 : i1 to vector<16xi1>
      %reduce_sum3A_1614 = tpu.scan <sum>, %add3A_1611 masked %reduce_sum3A_1613 : vector<16xf32>, vector<16xi1> -> vector<16xf32>
      %reduce_sum3A_1615 = vector.extract %reduce_sum3A_1614[15] : f32 from vector<16xf32>
      %broadcast_in_dim3A_1616 = vector.broadcast %reduce_sum3A_1615 : f32 to vector<16xf32>
      %select_n3A_1617 = arith.select %eq3A_1608, %broadcast_in_dim3A_1616, %select_n3A_1567 : vector<16xi1>, vector<16xf32>
      %mul3A_1618 = arith.constant 16 : i32
      %mul3A_1619 = arith.muli %scan3A_12, %mul3A_1618 : i32
      %swap3A = arith.index_cast %mul3A_1619 : i32 to index
      %swap3A_1620 = tpu.vector_load %arg10[%swap3A] {strides = array<i32>} : memref<512xf32, #tpu.memory_space<vmem>>, vector<16xf32>,
      tpu.vector_store %arg10[%swap3A], %select_n3A_1617 {strides = array<i32>} : memref<512xf32, #tpu.memory_space<vmem>>, vector<16xf32>,
    }
    %scan3A_11 = arith.constant 32 : i32
    "tpu.region"() ({
      %run_scoped3A = tpu.sem_alloc : memref<!tpu.dma_semaphore, #tpu.memory_space<semaphore_mem>>
      %dma_start3A = tpu.memref_slice %arg5[%mul3A_2] : memref<16384xf32, #tpu.memory_space<hbm>> -> memref<512xf32, #tpu.memory_space<hbm>>
      %dma_start3A_12 = tpu.memref_slice %arg5[%mul3A_2] : memref<16384xf32, #tpu.memory_space<hbm>> -> memref<512xf32, #tpu.memory_space<hbm>>
      tpu.enqueue_dma source(%arg10 : memref<512xf32, #tpu.memory_space<vmem>>) target(%dma_start3A_12 : memref<512xf32, #tpu.memory_space<hbm>>) target_semaphore(%run_scoped3A : memref<!tpu.dma_semaphore, #tpu.memory_space<semaphore_mem>>)
      %dma_wait3A = tpu.memref_slice %arg5[%mul3A_2] : memref<16384xf32, #tpu.memory_space<hbm>> -> memref<512xf32, #tpu.memory_space<hbm>>
      %dma_wait3A_13 = tpu.memref_slice %arg5[%mul3A_2] : memref<16384xf32, #tpu.memory_space<hbm>> -> memref<512xf32, #tpu.memory_space<hbm>>
      tpu.wait_dma2 semaphore(%run_scoped3A : memref<!tpu.dma_semaphore, #tpu.memory_space<semaphore_mem>>) src(%arg10 : memref<512xf32, #tpu.memory_space<vmem>>) dst(%dma_wait3A_13 : memref<512xf32, #tpu.memory_space<hbm>>)
      tpu.yield
    }) : () -> ()
    return
  }
}

</mosaic_0001>

<sc_bundles>
// kernel: _word2vec_score.3.cloned.1.call-start
scs
__scs_entry_jumppad:
0x0: {  	(pc) =	sbr.rel $0x88, $3  }
0x1: {  	(tag) =	ssettag $0x0;
	lr =	simm.s32 $0x1  }
0x2: {  	[smem:$0x3F9E] =	sst lr;
	_ =	strace $0xD0000000  }
0x3: {  	_ = 	snop  }
0x4: {  	_ = 	snop  }
0x5: {  	_ = 	snop  }
0x6: {  	_ = 	snop  }
0x7: {  	_ = 	snop  }
__scs_overlays_trampoline_lowered:
0x8: {  	[smem:$0x3FAD] =	sst s0  }
0x9: {  	[smem:$0x3FAE] =	sst s1  }
0xa: {  	[smem:$0x3FAF] =	sst s2  }
0xb: {  	[smem:$0x3FB0] =	sst s3  }
0xc: {  	[smem:$0x3FB1] =	sst s4  }
0xd: {  	[smem:$0x3FB2] =	sst s5  }
0xe: {  	[smem:$0x3FB3] =	sst s6  }
0xf: {  	[smem:$0x3FB4] =	sst s7  }
0x10: {  	[smem:$0x3FB5] =	sst s8  }
0x11: {  	[smem:$0x3FB6] =	sst s9;
	s0 =	simm.s32 @!p0 $0x0  }
0x12: {  	s1 =	sld [smem:$0x3F9C];
	s0 =	simm.s32 @p0 $0x1  }
0x13: {  	[smem:$0x3FB7] =	sst s0;
	s0 =	simm.s32 @!p1 $0x0  }
0x14: {  	s2 =	sld [smem:$0x3F9B];
	s0 =	simm.s32 @p1 $0x1  }
0x15: {  	[smem:$0x3FB8] =	sst s0;
	s0 =	simm.s32 @!p2 $0x0  }
0x16: {  	s3 =	sld [smem:$0x3FDB];
	s0 =	simm.s32 @p2 $0x1  }
0x17: {  	s4 =	simm.s32 $0x1BF5;
	[smem:$0x3FBA] =	sst s0  }
0x18: {  	s0 =	sld [smem:$0x3F9D];
	_ =	swait.ge [sflag:s4], $0x0  }
0x19: {  	s7 =	sld [smem:$0x3F9E]  }
0x1a: {  	s8 =	sadd.s32 $0xFFFFE003, lr  }
0x1b: {  	s9 =	sadd.s32 $0xFFFFFEF7, lr;
	s5 =	simm.s32 $0xFFFFFFFF;
	p2 =	slt.u32 s8, $0xFFFFF086  }
0x1c: {  	p1 =	slt.u32 s9, $0xF7A;
	s5 =	simm.s32 @!p2 $0x0  }
0x1d: {  	s5 =	simm.s32 @p1 $0x1;
	p0 =	seq.s32 s7, s2  }
0x1e: {  	s7 =	smul.u32 @!p0 $0xF7A, s2;
	p2 =	seq.s32 @!p0 s5, $0x0  }
0x1f: {  	s9 =	smul.u32 $0xF7A, s1;
	s8 =	simm.s32 @!p0 $0x1BF5;
	p2 =	por !p2, p0  }
0x20: {  	[sflag:s8] =	ssyncset.s32 @!p0 $0xFFFFF086;
	s6 =	sadd.s32 @!p0 s3, s7;
	s7 =	simm.s32 @!p0 $0x108  }
0x21: {  	s3 =	sadd.s32 s3, s9;
	s6 =	sadd.s32 @!p0 $0x88, s6;
	s7 =	simm.s32 @p2 $0x1082  }
0x22: {  	[simem:s7], [sflag:s8] =	dma.local @!p0 [hbm:s6], $0xF7A  }
0x23: {  	s9 =	sor.u32 $0xD0000000, s2;
	s6 =	simm.s32 $0x108;
	_ =	swait.ge @!p0 [sflag:s8], $0x0  }
0x24: {  	s3 =	sadd.s32 $0x88, s3;
	s6 =	simm.s32 @!p1 $0x1082;
	[sflag:s4] =	ssyncset.s32 $0xFFFFF086  }
0x25: {  	[simem:s6], [sflag:s4] =	dma.local [hbm:s3], $0xF7A  }
0x26: {  	[smem:$0x3F9E] =	sst s1;
	(tag) =	ssettag s2;
	_ =	strace s9  }
0x27: {  	s1 =	sld [smem:$0x3FAE]  }
0x28: {  	s2 =	sld [smem:$0x3FAF]  }
0x29: {  	s4 =	sld [smem:$0x3FB1]  }
0x2a: {  	p0 =	seq.s32 s5, $0x0;
	s5 =	sld [smem:$0x3FB2]  }
0x2b: {  	s6 =	sld [smem:$0x3FB3]  }
0x2c: {  	s7 =	sld [smem:$0x3FB4]  }
0x2d: {  	s3 =	simm.s32 $0x108;
	s8 =	sld [smem:$0x3FB5]  }
0x2e: {  	s3 =	simm.s32 @!p0 $0x1082;
	s9 =	sld [smem:$0x3FB6]  }
0x2f: {  	lr =	sadd.s32 s0, s3;
	s0 =	sld [smem:$0x3FAD]  }
0x30: {  	s3 =	sld [smem:$0x3FB0]  }
0x31: {  	[smem:$0x3FB9] =	sst s10  }
0x32: {  	s10 =	sld [smem:$0x3FB7];
	_ =	sdelay $0x3  }
0x33: {  	p0 =	seq.s32 s10, $0x1;
	s10 =	sld [smem:$0x3FB9];
	_ =	sdelay $0x3  }
0x34: {  	[smem:$0x3FB9] =	sst s10  }
0x35: {  	s10 =	sld [smem:$0x3FB8];
	_ =	sdelay $0x3  }
0x36: {  	p1 =	seq.s32 s10, $0x1;
	s10 =	sld [smem:$0x3FB9];
	_ =	sdelay $0x3  }
0x37: {  	[smem:$0x3FB9] =	sst s10  }
0x38: {  	s10 =	sld [smem:$0x3FBA]  }
0x39: {  	_ = 	snop;
	(pc) =	sbr.ind lr, $3  }
0x3a: {  	_ = 	snop  }
0x3b: {  	_ = 	snop  }
0x3c: {  	p2 =	seq.s32 s10, $0x1;
	s10 =	sld [smem:$0x3FB9]  }
0x3d: {  	_ =	shalt  }
0x3e: {  	_ =	shalt  }
0x3f: {  	_ =	shalt  }
0x40: {  	_ =	shalt  }
0x41: {  	_ =	shalt  }
0x42: {  	_ =	shalt  }
0x43: {  	_ =	shalt  }
0x44: {  	_ =	shalt  }
0x45: {  	_ =	shalt  }
0x46: {  	_ =	shalt  }
0x47: {  	_ =	shalt  }
0x48: {  	_ =	shalt  }
0x49: {  	_ =	shalt  }
0x4a: {  	_ =	shalt  }
0x4b: {  	_ =	shalt  }
0x4c: {  	_ =	shalt  }
0x4d: {  	_ =	shalt  }
0x4e: {  	_ =	shalt  }
0x4f: {  	_ =	shalt  }
0x50: {  	_ =	shalt  }
0x51: {  	_ =	shalt  }
0x52: {  	_ =	shalt  }
0x53: {  	_ =	shalt  }
0x54: {  	_ =	shalt  }
0x55: {  	_ =	shalt  }
0x56: {  	_ =	shalt  }
0x57: {  	_ =	shalt  }
0x58: {  	_ =	shalt  }
0x59: {  	_ =	shalt  }
0x5a: {  	_ =	shalt  }
0x5b: {  	_ =	shalt  }
0x5c: {  	_ =	shalt  }
0x5d: {  	_ =	shalt  }
0x5e: {  	_ =	shalt  }
0x5f: {  	_ =	shalt  }
0x60: {  	_ =	shalt  }
0x61: {  	_ =	shalt  }
0x62: {  	_ =	shalt  }
0x63: {  	_ =	shalt  }
0x64: {  	_ =	shalt  }
0x65: {  	_ =	shalt  }
0x66: {  	_ =	shalt  }
0x67: {  	_ =	shalt  }
0x68: {  	_ =	shalt  }
0x69: {  	_ =	shalt  }
0x6a: {  	_ =	shalt  }
0x6b: {  	_ =	shalt  }
0x6c: {  	_ =	shalt  }
0x6d: {  	_ =	shalt  }
0x6e: {  	_ =	shalt  }
0x6f: {  	_ =	shalt  }
0x70: {  	_ =	shalt  }
0x71: {  	_ =	shalt  }
0x72: {  	_ =	shalt  }
0x73: {  	_ =	shalt  }
0x74: {  	_ =	shalt  }
0x75: {  	_ =	shalt  }
0x76: {  	_ =	shalt  }
0x77: {  	_ =	shalt  }
0x78: {  	_ =	shalt  }
0x79: {  	_ =	shalt  }
0x7a: {  	_ =	shalt  }
0x7b: {  	_ =	shalt  }
0x7c: {  	_ =	shalt  }
0x7d: {  	_ =	shalt  }
0x7e: {  	_ =	shalt  }
0x7f: {  	_ =	shalt  }
0x80: {  	_ =	shalt  }
0x81: {  	_ =	shalt  }
0x82: {  	_ =	shalt  }
0x83: {  	_ =	shalt  }
0x84: {  	_ =	shalt  }
0x85: {  	_ =	shalt  }
0x86: {  	_ =	shalt  }
0x87: {  	_ =	shalt  }
.Lfunc_end0:
.L_simem_size_0:
called_computation_lowered:
.L_overlay_start_0:
0x88: {  	s2 =	sld [smem:$0x3FD9]  }
0x89: {  	s3 =	sld [smem:$0x3FFE];
	_ =	sdelay $0x1  }
0x8a: {  	s1 =	srdreg.scid  }
0x8b: {  	s0 =	sand.u32 $0x1, s1  }
0x8c: {  	s18 =	sshll.u32 s0, $0xA;
	s2 =	sadd.s32 s3, s2  }
0x8d: {  	s2 =	sadd.s32 s2, s18  }
0x8e: {  	[smem:$0x3FC5] =	sst s2  }
0x8f: {  	_ = 	snop  }
0x90: {  	s2 =	sld [smem:$0x3FC9]  }
0x91: {  	s19 =	sld [smem:$0x3FC8]  }
0x92: {  	s4 =	sld [smem:$0x3FC7]  }
0x93: {  	s5 =	sld [smem:$0x3FD0];
	(tm) =	ssettm $0x1  }
0x94: {  	s6 =	sld [smem:$0x3FFB];
	_ =	sdelay $0x3  }
0x95: {  	_ =	strace s6  }
0x96: {  	s6 =	sld [smem:$0x3FFC];
	_ =	sdelay $0x3  }
0x97: {  	_ =	strace s6  }
0x98: {  	s6 =	sld [smem:$0x3FFD];
	_ =	sdelay $0x3  }
0x99: {  	_ =	strace s6  }
0x9a: {  	_ =	strace $0x8FFFFFFF  }
0x9b: {  	s20 =	sld [smem:$0x3FDB];
	_ =	sdelay $0x1  }
0x9c: {  	s7 =	simm.s32 $_scs_section_size  }
0x9d: {  	s8 =	simm.s32 $_size__tile_overlayer_lowered;
	s9 =	simm.s32 $_tile_overlayer_lowered  }
0x9e: {  	s23 =	simm.s32 $0x1BFF;
	s22 =	sshll.u32 s9, $0x1;
	s6 =	sadd.s32 s7, s20  }
0x9f: {  	s10 =	simm.s32 $0x0;
	s21 =	sshll.u32 s8, $0x1;
	s8 =	sadd.s32 s22, s6  }
0xa0: {  	[timem:s10], [sflag:s23] =	dma.local [hbm:s8], s21  }
0xa1: {  	_ =	swait.ge [sflag:s23], s21  }
0xa2: {  	s7 =	ssub.s32 $0x0, s21;
	[sflag:s23] =	ssyncset.done $0x0  }
0xa3: {  	[sflag:s23] =	ssyncadd.s32 s7;
	_ =	sdelay $0x1  }
0xa4: {  	s24 =	simm.s32 $0x1B8B  }
0xa5: {  	_ =	swait.ge [sflag:s24], $0x1  }
0xa6: {  	[sflag:s24] =	ssyncset.done $0x0  }
0xa7: {  	s25 =	simm.s32 $0x1B8E;
	[sflag:s24] =	ssyncadd.s32 $0xFFFFFFFF  }
0xa8: {  	s26 =	simm.s32 $execute0_lowered;
	[smem:$0x3FD2] =	sst s25  }
0xa9: {  	s7 =	sshll.u32 s26, $0x1;
	_ =	strace $0x80000046;
	[dreg:$0x1] =	wrdreg $0xFFFFFFFF  }
0xaa: {  	s28 =	simm.s32 $_size_execute0_lowered;
	s6 =	sadd.s32 s6, s7;
	[dreg:$0x0] =	wrdreg $0x0  }
0xab: {  	s7 =	sshll.u32 s28, $0x1;
	[dreg:$0x2] =	wrdreg s6  }
0xac: {  	[dreg:$0x3] =	wrdreg s7  }
0xad: {  	[dreg:$0x4] =	wrdreg $0xC0  }
0xae: {  	_ =	task [dreg:s10], $0x5FFFF  }
0xaf: {  	[dreg:$0x1] =	wrdreg $0xFFFFFFFF  }
0xb0: {  	[dreg:$0x0] =	wrdreg $0x60  }
0xb1: {  	[dreg:$0x2] =	wrdreg s4  }
0xb2: {  	[dreg:$0x3] =	wrdreg s2  }
0xb3: {  	[dreg:$0x4] =	wrdreg s19  }
0xb4: {  	[dreg:$0x5] =	wrdreg s5  }
0xb5: {  	[dreg:$0x6] =	wrdreg $0x9  }
0xb6: {  	_ =	task.clear_ibuf [dreg:s10], $0x7FFFF;
	_ =	strace $0x90000046  }
0xb7: {  	s29 =	simm.s32 $0x9;
	_ =	strace $0x80000048  }
0xb8: {  	_ =	swait.ge [sflag:s29], $0x1  }
0xb9: {  	[sflag:s29] =	ssyncadd.s32 $0xFFFFFFFF  }
0xba: {  	_ =	strace $0x90000048  }
0xbb: {  	_ =	sfence  }
0xbc: {  	s30 =	sld [smem:$0x0];
	_ =	sdelay $0x2  }
0xbd: {  	s31 =	sshll.u32 s1, $0xD;
	s1 =	sshrl.u32 s1, $0x2  }
0xbe: {  	s3 =	sand.u32 $0x4000, s31;
	s1 =	sadd.s32 s1, s30  }
0xbf: {  	s0 =	sor.u32 s3, s0;
	s1 =	sshll.u32 s1, $0x11  }
0xc0: {  	s0 =	sor.u32 s1, s0  }
0xc1: {  	s0 =	sadd.s32 $0x8F2B, s0  }
0xc2: {  	[sflag:s0] =	ssyncadd.remote.s32 $0x1  }
0xc3: {  	_ =	sfence.sel $0xFFFF  }
0xc4: {  	[dreg:$0x0] =	wrdreg $0xFFFFFFFF;
	(pc) =	sbr.abs _section_cstart, $3  }
0xc5: {  	[dreg:$0x1] =	wrdreg $0xFFFFFFFF  }
0xc6: {  	_ =	task.clear_ibuf [dreg:s10], $0x2FFFF;
	_ =	strace $0x9FFFFFFF  }
0xc7: {  	(tm) =	ssettm $0x7FFFFFFF  }
tec
execute0_lowered:
.L_overlay_start_1:
0x0: {  	(tag) =	ssettag $0x1  }
0x1: {  	s1 =	rddreg [dreg:$0x0]  }
0x2: {  	s0 =	rddreg [dreg:$0x1]  }
0x3: {  	s2 =	rddreg [dreg:$0x2]  }
0x4: {  	s3 =	rddreg [dreg:$0x3];
	s4 =	srdreg.scid;
	s8 =	simm.s32 $0x0  }
0x5: {  	s7 =	stileid.u32;
	s10 =	simm.s32 $0x7A1400;
	s11 =	simm.s32 $0x400  }
0x6: {  	s19 =	simm.s32 $0x1400;
	s20 =	simm.s32 $0x9400;
	s21 =	simm.s32 $0x2400  }
0x7: {  	s22 =	simm.s32 $0xA400;
	s23 =	simm.s32 $0x3400;
	s12 =	simm.s32 $0x4400  }
0x8: {  	s13 =	simm.s32 $0xC400;
	s14 =	simm.s32 $0x5400;
	s25 =	simm.s32 $0xD400  }
0x9: {  	s28 =	simm.s32 $0x1;
	s29 =	simm.s32 $0x2;
	s4 =	sand.u32 $0x1, s4  }
0xa: {  	s7 =	sshll.u32 s7, $0x7;
	s5 =	ssub.s32 $0x2, s4;
	s4 =	sshll.u32 s4, $0x6  }
0xb: {  	v0 =	vlaneseq.u32;
	vm0 =	vmmov $0x1;
	vm1 =	vmmov $0x3;
	s24 =	simm.s32 $0xB400;
	[smem:$0x7FF] =	sst s8;
	s4 =	sor.u32 s4, s7  }
0xc: {  	vm2 =	vmmov $0x7;
	vm3 =	vmmov $0xf;
	vm4 =	vmmov $0x1f;
	_ =	strace $0x80000047;
	s6 =	sshrl.u32 s5, $0x1;
	s0 =	sadd.s32 s0, s4  }
0xd: {  	vm5 =	vmmov $0x3f;
	vm6 =	vmmov $0x7f;
	vm7 =	vmmov $0xff;
	s5 =	ssub.s32 s5, s6;
	s26 =	sadd.s32 s2, s4;
	[dreg:$0x5] =	wrdreg s0  }
0xe: {  	vm8 =	vmmov $0x1ff;
	vm9 =	vmmov $0x3ff;
	v0 =	vmul.u32 $0x80, v0;
	s30 =	sadd.s32 s3, s4;
	s2 =	simm.s32 $0x3;
	[dreg:$0x6] =	wrdreg s26  }
0xf: {  	vm10 =	vmmov $0x7ff;
	vm11 =	vmmov $0xfff;
	vm12 =	vmmov $0x1fff;
	s3 =	simm.s32 $0x0;
	[dreg:$0x7] =	wrdreg s30;
	s31 =	smax.u32 s5, $0x1  }
0x10: {  	vm13 =	vmmov $0x3fff;
	vm14 =	vmmov $0x7fff;
	v1 =	vor.u32 $0x800, v0;
	s5 =	simm.s32 $0x8400;
	s26 =	simm.s32 $0x6400;
	[dreg:$0x8] =	wrdreg s31  }
.LBB2_1:
0x11: {  	[dreg:$0x9] =	wrdreg s3  }
0x12: {  	s0 =	rddreg [dreg:$0x5]  }
0x13: {  	[tilespmem:s8], [sflag:$0x3] =	stream.linear.gather [hbm4b:s0+s8], $0x200, $0x38;
	[tilespmem:$0x10600] =	vst v63  }
0x14: {  	_ =	swait.ge [sflag:s2], $0x200  }
0x15: {  	[sflag:s2] =	ssyncset.done $0x0  }
0x16: {  	s31 =	simm.s32 $0x200;
	s30 =	rddreg [dreg:$0x6];
	[sflag:s2] =	ssyncadd.s32 $0xFFFFFE00  }
0x17: {  	[tilespmem:s31], [sflag:$0x3] =	stream.linear.gather [hbm4b:s30+s8], $0x200, $0x38;
	[tilespmem:$0x10600] =	vst v63  }
0x18: {  	_ =	swait.ge [sflag:s2], $0x200  }
0x19: {  	[sflag:s2] =	ssyncset.done $0x0  }
0x1a: {  	s0 =	simm.s32 $0x0;
	[sflag:s2] =	ssyncadd.s32 $0xFFFFFE00  }
.LBB2_2:
0x1b: {  	s2 =	sshra.s32 s0, $0x2  }
0x1c: {  	v3 =	vld [tilespmem:s2+$0x0]  }
0x1d: {  	v2 =	vld [tilespmem:s2+$0x200];
	_ =	sdelay $0x3  }
0x1e: {  	(v2sf) =	vpush v3, $0x0  }
0x1f: {  	(v2sf) =	vpush v2, $0x0  }
0x20: {  	(v2sf) =	vpush v3, $0x1;
	_ =	sdelay $0x1  }
0x21: {  	(v2sf) =	vpush v2, $0x1;
	_ =	sdelay $0x1  }
0x22: {  	(v2sf) =	vpush v3, $0x2;
	_ =	sdelay $0x2  }
0x23: {  	(v2sf) =	vpush v2, $0x2;
	_ =	sdelay $0x5  }
0x24: {  	s30 =	spop (v2sf)  }
0x25: {  	s3 =	sand.u32 $0xFFFFF80, s30;
	s9 =	spop (v2sf)  }
0x26: {  	(v2sf) =	vpush v3, $0x3;
	s3 =	sadd.s32 s1, s3;
	s17 =	sand.u32 $0xFFFFF80, s9;
	s31 =	spop (v2sf)  }
0x27: {  	(v2sf) =	vpush v2, $0x3;
	[tilespmem:s11], [sflag:$0x1] =	stream.strided.gather [hbm4b:s3+s11], $0x1000, s10, s11, $0x38;
	[tilespmem:$0x10600] =	vst v63  }
0x28: {  	s3 =	sadd.s32 s1, s17;
	s18 =	sand.u32 $0xFFFFF80, s31;
	s6 =	spop (v2sf);
	(v2sf) =	vpush v3, $0x4  }
0x29: {  	[tilespmem:s5], [sflag:$0x2] =	stream.strided.gather [hbm4b:s3+s11], $0x1000, s10, s11, $0x38;
	[tilespmem:$0x10600] =	vst v63  }
0x2a: {  	s8 =	spop (v2sf);
	(v2sf) =	vpush v2, $0x4;
	s3 =	sadd.s32 s1, s18  }
0x2b: {  	[tilespmem:s19], [sflag:$0x1] =	stream.strided.gather [hbm4b:s3+s11], $0x1000, s10, s11, $0x38;
	[tilespmem:$0x10600] =	vst v63  }
0x2c: {  	s19 =	sand.u32 $0xFFFFF80, s6  }
0x2d: {  	s4 =	spop (v2sf);
	(v2sf) =	vpush v3, $0x5;
	s3 =	sadd.s32 s1, s19  }
0x2e: {  	[tilespmem:s20], [sflag:$0x2] =	stream.strided.gather [hbm4b:s3+s11], $0x1000, s10, s11, $0x38;
	[tilespmem:$0x10600] =	vst v63  }
0x2f: {  	s20 =	sand.u32 $0xFFFFF80, s8  }
0x30: {  	s3 =	sadd.s32 s1, s20  }
0x31: {  	[tilespmem:s21], [sflag:$0x1] =	stream.strided.gather [hbm4b:s3+s11], $0x1000, s10, s11, $0x38;
	[tilespmem:$0x10600] =	vst v63  }
0x32: {  	s21 =	sand.u32 $0xFFFFF80, s4  }
0x33: {  	s3 =	sadd.s32 s1, s21  }
0x34: {  	[tilespmem:s22], [sflag:$0x2] =	stream.strided.gather [hbm4b:s3+s11], $0x1000, s10, s11, $0x38;
	[tilespmem:$0x10600] =	vst v63  }
0x35: {  	s5 =	spop (v2sf);
	(v2sf) =	vpush v2, $0x5  }
0x36: {  	s7 =	sand.u32 $0xFFFFF80, s5;
	s3 =	spop (v2sf);
	(v2sf) =	vpush v3, $0x6  }
0x37: {  	s7 =	sadd.s32 s1, s7;
	s17 =	spop (v2sf);
	(v2sf) =	vpush v2, $0x6  }
0x38: {  	[tilespmem:s23], [sflag:$0x1] =	stream.strided.gather [hbm4b:s7+s11], $0x1000, s10, s11, $0x38;
	[tilespmem:$0x10600] =	vst v63  }
0x39: {  	s23 =	sand.u32 $0xFFFFF80, s3;
	s16 =	spop (v2sf);
	(v2sf) =	vpush v3, $0x7  }
0x3a: {  	[dreg:$0xa] =	wrdreg s2;
	s2 =	sand.u32 $0xFFFFF80, s17;
	s7 =	sadd.s32 s1, s23  }
0x3b: {  	[tilespmem:s24], [sflag:$0x2] =	stream.strided.gather [hbm4b:s7+s11], $0x1000, s10, s11, $0x38;
	[tilespmem:$0x10600] =	vst v63  }
0x3c: {  	s18 =	spop (v2sf);
	s7 =	sadd.s32 s1, s2  }
0x3d: {  	(v2sf) =	vpush v2, $0x7;
	[tilespmem:s12], [sflag:$0x1] =	stream.strided.gather [hbm4b:s7+s11], $0x1000, s10, s11, $0x38;
	[tilespmem:$0x10600] =	vst v63  }
0x3e: {  	s12 =	sand.u32 $0xFFFFF80, s16  }
0x3f: {  	s7 =	sadd.s32 s1, s12  }
0x40: {  	[tilespmem:s13], [sflag:$0x2] =	stream.strided.gather [hbm4b:s7+s11], $0x1000, s10, s11, $0x38;
	[tilespmem:$0x10600] =	vst v63  }
0x41: {  	s13 =	sand.u32 $0xFFFFF80, s18  }
0x42: {  	s7 =	sadd.s32 s1, s13  }
0x43: {  	[tilespmem:s14], [sflag:$0x1] =	stream.strided.gather [hbm4b:s7+s11], $0x1000, s10, s11, $0x38;
	[tilespmem:$0x10600] =	vst v63  }
0x44: {  	s15 =	spop (v2sf)  }
0x45: {  	s19 =	sand.u32 $0xFFFFF80, s15;
	s14 =	spop (v2sf)  }
0x46: {  	s7 =	sadd.s32 s1, s19;
	s21 =	sand.u32 $0xFFFFF80, s14;
	s12 =	spop (v2sf)  }
0x47: {  	[tilespmem:s25], [sflag:$0x2] =	stream.strided.gather [hbm4b:s7+s11], $0x1000, s10, s11, $0x38;
	[tilespmem:$0x10600] =	vst v63  }
0x48: {  	s7 =	sadd.s32 s1, s21;
	s23 =	sand.u32 $0xFFFFF80, s12;
	s13 =	spop (v2sf)  }
0x49: {  	[tilespmem:s26], [sflag:$0x1] =	stream.strided.gather [hbm4b:s7+s11], $0x1000, s10, s11, $0x38;
	[tilespmem:$0x10600] =	vst v63  }
0x4a: {  	s2 =	sand.u32 $0xFFFFF80, s13;
	s7 =	sadd.s32 s1, s23;
	s26 =	simm.s32 $0xE400  }
0x4b: {  	[tilespmem:s26], [sflag:$0x2] =	stream.strided.gather [hbm4b:s7+s11], $0x1000, s10, s11, $0x38;
	[tilespmem:$0x10600] =	vst v63  }
0x4c: {  	s19 =	sadd.s32 s1, s2;
	s2 =	simm.s32 $0x7400;
	s7 =	spop (v2sf)  }
0x4d: {  	[tilespmem:s2], [sflag:$0x1] =	stream.strided.gather [hbm4b:s19+s11], $0x1000, s10, s11, $0x38;
	[tilespmem:$0x10600] =	vst v63  }
0x4e: {  	s2 =	sand.u32 $0xFFFFF80, s7  }
0x4f: {  	s19 =	sadd.s32 s1, s2;
	s2 =	simm.s32 $0xF400  }
0x50: {  	[tilespmem:s2], [sflag:$0x2] =	stream.strided.gather [hbm4b:s19+s11], $0x1000, s10, s11, $0x38;
	[tilespmem:$0x10600] =	vst v63  }
0x51: {  	s2 =	sand.u32 $0x7F, s30;
	_ =	swait.ge [sflag:s28], $0x4000  }
0x52: {  	v4 =	vor.u32 s2, v0;
	[sflag:s28] =	ssyncset.done $0x0  }
0x53: {  	s9 =	sand.u32 $0x7F, s9;
	v5 =	vor.u32 s2, v1;
	[sflag:s28] =	ssyncadd.s32 $0xFFFFC000  }
0x54: {  	v6 =	vor.u32 s9, v0;
	_ =	swait.ge [sflag:s29], $0x4000  }
0x55: {  	v7 =	vor.u32 s9, v1;
	s30 =	sand.u32 $0x7F, s31;
	[sflag:s29] =	ssyncset.done $0x0;
	(v2sf) =	vpush v3, $0x8  }
0x56: {  	v8 =	vor.u32 s30, v0;
	[sflag:s29] =	ssyncadd.s32 $0xFFFFC000;
	(v2sf) =	vpush v2, $0x8  }
0x57: {  	s6 =	sand.u32 $0x7F, s6;
	v9 =	vor.u32 s30, v1;
	v4 =	vld.idx.msk [tilespmem:v4+s11+$0x0], $0xffff;
	(v2sf) =	vpush v3, $0x9  }
0x58: {  	v10 =	vor.u32 s6, v0;
	s20 =	simm.s32 $0x8400;
	v5 =	vld.idx.msk [tilespmem:v5+s11+$0x0], $0xffff  }
0x59: {  	v11 =	vor.u32 s6, v1;
	s31 =	sand.u32 $0x7F, s8;
	v6 =	vld.idx.msk [tilespmem:v6+s20+$0x0], $0xffff;
	(v2sf) =	vpush v2, $0x9  }
0x5a: {  	s21 =	simm.s32 $0x1400;
	v12 =	vor.u32 s31, v0;
	v7 =	vld.idx.msk [tilespmem:v7+s20+$0x0], $0xffff  }
0x5b: {  	s3 =	sand.u32 $0x7F, s3;
	v13 =	vor.u32 s31, v1;
	v8 =	vld.idx.msk [tilespmem:v8+s21+$0x0], $0xffff  }
0x5c: {  	s22 =	simm.s32 $0x9400;
	v18 =	vor.u32 s3, v0;
	v9 =	vld.idx.msk [tilespmem:v9+s21+$0x0], $0xffff  }
0x5d: {  	s4 =	sand.u32 $0x7F, s4;
	v19 =	vor.u32 s3, v1;
	v10 =	vld.idx.msk [tilespmem:v10+s22+$0x0], $0xffff;
	(v2sf) =	vpush v3, $0xA  }
0x5e: {  	v14 =	vor.u32 s4, v0;
	s23 =	simm.s32 $0x2400;
	v11 =	vld.idx.msk [tilespmem:v11+s22+$0x0], $0xffff  }
0x5f: {  	v15 =	vor.u32 s4, v1;
	s2 =	sand.u32 $0x7F, s5;
	v12 =	vld.idx.msk [tilespmem:v12+s23+$0x0], $0xffff;
	(v2sf) =	vpush v2, $0xA  }
0x60: {  	v16 =	vor.u32 s2, v0;
	v13 =	vld.idx.msk [tilespmem:v13+s23+$0x0], $0xffff  }
0x61: {  	v17 =	vor.u32 s2, v1;
	v18 =	vld.idx.msk [tilespmem:v18+s24+$0x0], $0xffff  }
0x62: {  	s22 =	simm.s32 $0xA400;
	v19 =	vld.idx.msk [tilespmem:v19+s24+$0x0], $0xffff  }
0x63: {  	v14 =	vld.idx.msk [tilespmem:v14+s22+$0x0], $0xffff  }
0x64: {  	s23 =	simm.s32 $0x3400;
	v15 =	vld.idx.msk [tilespmem:v15+s22+$0x0], $0xffff;
	s9 =	spop (v2sf);
	(v2sf) =	vpush v3, $0xB  }
0x65: {  	v16 =	vld.idx.msk [tilespmem:v16+s23+$0x0], $0xffff;
	s4 =	sand.u32 $0xFFFFF80, s9;
	s30 =	spop (v2sf)  }
0x66: {  	v17 =	vld.idx.msk [tilespmem:v17+s23+$0x0], $0xffff;
	v4 =	vmul.f32 v6, v4;
	v5 =	vmul.f32 v7, v5;
	s3 =	sadd.s32 s1, s4;
	s5 =	sand.u32 $0xFFFFF80, s30;
	s4 =	spop (v2sf);
	(v2sf) =	vpush v2, $0xB  }
0x67: {  	[tilespmem:s11], [sflag:$0x1] =	stream.strided.gather [hbm4b:s3+s11], $0x1000, s10, s11, $0x38;
	[tilespmem:$0x10600] =	vst v63  }
0x68: {  	v62 =	vmul.f32 v10, v8;
	v63 =	vmul.f32 v11, v9;
	v4 =	vadd.f32 v5, v4;
	s3 =	sadd.s32 s1, s5;
	s6 =	sand.u32 $0xFFFFF80, s4;
	s5 =	spop (v2sf)  }
0x69: {  	[tilespmem:s20], [sflag:$0x2] =	stream.strided.gather [hbm4b:s3+s11], $0x1000, s10, s11, $0x38;
	[tilespmem:$0x10600] =	vst v63  }
0x6a: {  	v14 =	vmul.f32 v14, v12;
	v15 =	vmul.f32 v15, v13;
	v20 =	vadd.f32 v63, v62;
	(xrf2) =	vadd.scan.msk.f32 $0xffff, v4;
	s8 =	sand.u32 $0xFFFFF80, s5;
	s3 =	sadd.s32 s1, s6  }
0x6b: {  	v21 =	vmul.f32 v18, v16;
	v22 =	vmul.f32 v19, v17;
	[tilespmem:s21], [sflag:$0x1] =	stream.strided.gather [hbm4b:s3+s11], $0x1000, s10, s11, $0x38;
	[tilespmem:$0x10600] =	vst v63  }
0x6c: {  	v7 =	vadd.f32 v15, v14;
	(xrf2) =	vadd.scan.msk.f32 $0xffff, v20;
	s20 =	simm.s32 $0x9400;
	s3 =	sadd.s32 s1, s8;
	s8 =	spop (v2sf)  }
0x6d: {  	v23 =	vadd.f32 v22, v21;
	[tilespmem:s20], [sflag:$0x2] =	stream.strided.gather [hbm4b:s3+s11], $0x1000, s10, s11, $0x38;
	[tilespmem:$0x10600] =	vst v63  }
0x6e: {  	(xrf2) =	vadd.scan.msk.f32 $0xffff, v7;
	s19 =	sand.u32 $0xFFFFF80, s8;
	s3 =	spop (v2sf)  }
0x6f: {  	(xrf2) =	vadd.scan.msk.f32 $0xffff, v23;
	s21 =	simm.s32 $0x2400;
	s6 =	sadd.s32 s1, s19;
	s31 =	sand.u32 $0xFFFFF80, s3  }
0x70: {  	[tilespmem:s21], [sflag:$0x1] =	stream.strided.gather [hbm4b:s6+s11], $0x1000, s10, s11, $0x38;
	[tilespmem:$0x10600] =	vst v63  }
0x71: {  	s6 =	sadd.s32 s1, s31  }
0x72: {  	[tilespmem:s22], [sflag:$0x2] =	stream.strided.gather [hbm4b:s6+s11], $0x1000, s10, s11, $0x38;
	[tilespmem:$0x10600] =	vst v63  }
0x73: {  	s31 =	spop (v2sf)  }
0x74: {  	s2 =	sand.u32 $0xFFFFF80, s31  }
0x75: {  	s6 =	spop (v2sf);
	s19 =	sadd.s32 s1, s2  }
0x76: {  	v5, _, _ =	vpop (xrf2);
	[tilespmem:s23], [sflag:$0x1] =	stream.strided.gather [hbm4b:s19+s11], $0x1000, s10, s11, $0x38;
	[tilespmem:$0x10600] =	vst v63  }
0x77: {  	v7, _, _ =	vpop (xrf2);
	s2 =	sand.u32 $0xFFFFF80, s6  }
0x78: {  	v6, _, _ =	vpop (xrf2);
	s19 =	sadd.s32 s1, s2  }
0x79: {  	v4, _, _ =	vpop (xrf2);
	[tilespmem:s24], [sflag:$0x2] =	stream.strided.gather [hbm4b:s19+s11], $0x1000, s10, s11, $0x38;
	[tilespmem:$0x10600] =	vst v63  }
0x7a: {  	_ =	swait.ge [sflag:s28], $0x4000  }
0x7b: {  	s17 =	sand.u32 $0x7F, s17;
	[sflag:s28] =	ssyncset.done $0x0  }
0x7c: {  	v24 =	vor.u32 s17, v0;
	[sflag:s28] =	ssyncadd.s32 $0xFFFFC000  }
0x7d: {  	v25 =	vor.u32 s17, v1;
	s16 =	sand.u32 $0x7F, s16;
	_ =	swait.ge [sflag:s29], $0x4000  }
0x7e: {  	v26 =	vor.u32 s16, v0;
	(v2sf) =	vpush v3, $0xC  }
0x7f: {  	v27 =	vor.u32 s16, v1;
	s2 =	sand.u32 $0x7F, s18;
	[sflag:s29] =	ssyncset.done $0x0  }
0x80: {  	s25 =	simm.s32 $0x4400;
	v28 =	vor.u32 s2, v0;
	[sflag:s29] =	ssyncadd.s32 $0xFFFFC000;
	(v2sf) =	vpush v2, $0xC  }
0x81: {  	s15 =	sand.u32 $0x7F, s15;
	v29 =	vor.u32 s2, v1;
	v8 =	vld.idx.msk [tilespmem:v24+s25+$0x0], $0xffff  }
0x82: {  	v30 =	vor.u32 s15, v0;
	s26 =	simm.s32 $0xC400;
	v9 =	vld.idx.msk [tilespmem:v25+s25+$0x0], $0xffff;
	(v2sf) =	vpush v3, $0xD  }
0x83: {  	v31 =	vor.u32 s15, v1;
	s14 =	sand.u32 $0x7F, s14;
	v10 =	vld.idx.msk [tilespmem:v26+s26+$0x0], $0xffff;
	(v2sf) =	vpush v2, $0xD  }
0x84: {  	s15 =	simm.s32 $0x5400;
	v32 =	vor.u32 s14, v0;
	v11 =	vld.idx.msk [tilespmem:v27+s26+$0x0], $0xffff  }
0x85: {  	s16 =	simm.s32 $0x5400;
	s12 =	sand.u32 $0x7F, s12;
	v33 =	vor.u32 s14, v1;
	v12 =	vld.idx.msk [tilespmem:v28+s15+$0x0], $0xffff  }
0x86: {  	s17 =	simm.s32 $0xD400;
	v34 =	vor.u32 s12, v0;
	s7 =	sand.u32 $0x7F, s7;
	v13 =	vld.idx.msk [tilespmem:v29+s16+$0x0], $0xffff  }
0x87: {  	v22 =	vor.u32 s7, v0;
	s19 =	simm.s32 $0xD400;
	v14 =	vld.idx.msk [tilespmem:v30+s17+$0x0], $0xffff;
	(v2sf) =	vpush v3, $0xE  }
0x88: {  	v23 =	vor.u32 s7, v1;
	s2 =	simm.s32 $0x6400;
	v15 =	vld.idx.msk [tilespmem:v31+s19+$0x0], $0xffff  }
0x89: {  	v35 =	vor.u32 s12, v1;
	s18 =	sand.u32 $0x7F, s13;
	s13 =	simm.s32 $0x6400;
	v16 =	vld.idx.msk [tilespmem:v32+s2+$0x0], $0xffff;
	(v2sf) =	vpush v2, $0xE  }
0x8a: {  	s14 =	simm.s32 $0xE400;
	v20 =	vor.u32 s18, v0;
	v17 =	vld.idx.msk [tilespmem:v33+s13+$0x0], $0xffff  }
0x8b: {  	v21 =	vor.u32 s18, v1;
	s18 =	simm.s32 $0xF400;
	v18 =	vld.idx.msk [tilespmem:v34+s14+$0x0], $0xffff  }
0x8c: {  	s12 =	simm.s32 $0xF400;
	v22 =	vld.idx.msk [tilespmem:v22+s18+$0x0], $0xffff  }
0x8d: {  	s15 =	simm.s32 $0xE400;
	v23 =	vld.idx.msk [tilespmem:v23+s12+$0x0], $0xffff;
	s7 =	spop (v2sf)  }
0x8e: {  	s16 =	simm.s32 $0x7400;
	v19 =	vld.idx.msk [tilespmem:v35+s15+$0x0], $0xffff;
	(v2sf) =	vpush v3, $0xF;
	s19 =	sand.u32 $0xFFFFF80, s7  }
0x8f: {  	s17 =	simm.s32 $0x7400;
	v20 =	vld.idx.msk [tilespmem:v20+s16+$0x0], $0xffff;
	s12 =	spop (v2sf);
	s13 =	sadd.s32 s1, s19  }
0x90: {  	v21 =	vld.idx.msk [tilespmem:v21+s17+$0x0], $0xffff;
	v3 =	vmul.f32 v11, v9;
	(v2sf) =	vpush v2, $0xF;
	v2 =	vmul.f32 v10, v8;
	[tilespmem:s25], [sflag:$0x1] =	stream.strided.gather [hbm4b:s13+s11], $0x1000, s10, s11, $0x38  }
0x91: {  	s14 =	sand.u32 $0xFFFFF80, s12;
	s13 =	spop (v2sf)  }
0x92: {  	v36 =	vmul.f32 v14, v12;
	v37 =	vmul.f32 v15, v13;
	s15 =	sadd.s32 s1, s14;
	v2 =	vadd.f32 v3, v2;
	s16 =	sand.u32 $0xFFFFF80, s13;
	s14 =	spop (v2sf)  }
0x93: {  	[tilespmem:s26], [sflag:$0x2] =	stream.strided.gather [hbm4b:s15+s11], $0x1000, s10, s11, $0x38;
	[tilespmem:$0x10600] =	vst v63  }
0x94: {  	s17 =	simm.s32 $0x5400;
	v38 =	vmul.f32 v18, v16;
	v39 =	vmul.f32 v19, v17;
	v3 =	vadd.f32 v37, v36;
	s15 =	sadd.s32 s1, s16;
	(xrf2) =	vadd.scan.msk.f32 $0xffff, v2;
	s18 =	sand.u32 $0xFFFFF80, s14  }
0x95: {  	v40 =	vmul.f32 v23, v21;
	v2 =	vmul.f32 v22, v20;
	[tilespmem:s17], [sflag:$0x1] =	stream.strided.gather [hbm4b:s15+s11], $0x1000, s10, s11, $0x38;
	[tilespmem:$0x10600] =	vst v63  }
0x96: {  	s25 =	simm.s32 $0xD400;
	(xrf2) =	vadd.scan.msk.f32 $0xffff, v3;
	v3 =	vadd.f32 v39, v38;
	s16 =	sadd.s32 s1, s18;
	s15 =	spop (v2sf)  }
0x97: {  	v2 =	vadd.f32 v40, v2;
	[tilespmem:s25], [sflag:$0x2] =	stream.strided.gather [hbm4b:s16+s11], $0x1000, s10, s11, $0x38;
	[tilespmem:$0x10600] =	vst v63  }
0x98: {  	(xrf2) =	vadd.scan.msk.f32 $0xffff, v3;
	s19 =	sand.u32 $0xFFFFF80, s15;
	s16 =	spop (v2sf)  }
0x99: {  	s26 =	simm.s32 $0x6400;
	(xrf2) =	vadd.scan.msk.f32 $0xffff, v2;
	s17 =	sadd.s32 s1, s19;
	s2 =	sand.u32 $0xFFFFF80, s16  }
0x9a: {  	[tilespmem:s26], [sflag:$0x1] =	stream.strided.gather [hbm4b:s17+s11], $0x1000, s10, s11, $0x38;
	[tilespmem:$0x10600] =	vst v63  }
0x9b: {  	s19 =	simm.s32 $0xE400;
	s18 =	sadd.s32 s1, s2  }
0x9c: {  	[tilespmem:s19], [sflag:$0x2] =	stream.strided.gather [hbm4b:s18+s11], $0x1000, s10, s11, $0x38;
	[tilespmem:$0x10600] =	vst v63  }
0x9d: {  	s17 =	spop (v2sf)  }
0x9e: {  	s2 =	sand.u32 $0xFFFFF80, s17  }
0x9f: {  	s18 =	spop (v2sf);
	s19 =	sadd.s32 s1, s2;
	s2 =	simm.s32 $0x7400  }
0xa0: {  	v3, _, _ =	vpop (xrf2);
	[tilespmem:s2], [sflag:$0x1] =	stream.strided.gather [hbm4b:s19+s11], $0x1000, s10, s11, $0x38;
	[tilespmem:$0x10600] =	vst v63  }
0xa1: {  	v8, _, _ =	vpop (xrf2);
	s2 =	sand.u32 $0xFFFFF80, s18  }
0xa2: {  	v2, _, _ =	vpop (xrf2);
	s19 =	sadd.s32 s1, s2;
	s2 =	simm.s32 $0xF400  }
0xa3: {  	v9, _, _ =	vpop (xrf2);
	[tilespmem:s2], [sflag:$0x2] =	stream.strided.gather [hbm4b:s19+s11], $0x1000, s10, s11, $0x38;
	[tilespmem:$0x10600] =	vst v63  }
0xa4: {  	s9 =	sand.u32 $0x7F, s9;
	_ =	swait.ge [sflag:s28], $0x4000  }
0xa5: {  	v41 =	vor.u32 s9, v0;
	[sflag:s28] =	ssyncset.done $0x0  }
0xa6: {  	v42 =	vor.u32 s9, v1;
	s30 =	sand.u32 $0x7F, s30;
	[sflag:s28] =	ssyncadd.s32 $0xFFFFC000  }
0xa7: {  	v43 =	vor.u32 s30, v0;
	_ =	swait.ge [sflag:s29], $0x4000  }
0xa8: {  	v44 =	vor.u32 s30, v1;
	s4 =	sand.u32 $0x7F, s4;
	[sflag:s29] =	ssyncset.done $0x0  }
0xa9: {  	v45 =	vor.u32 s4, v0;
	[sflag:s29] =	ssyncadd.s32 $0xFFFFC000  }
0xaa: {  	v46 =	vor.u32 s4, v1;
	s2 =	sand.u32 $0x7F, s5;
	v10 =	vld.idx.msk [tilespmem:v41+s11+$0x0], $0xffff  }
0xab: {  	s5 =	simm.s32 $0x8400;
	v47 =	vor.u32 s2, v0;
	v11 =	vld.idx.msk [tilespmem:v42+s11+$0x0], $0xffff  }
0xac: {  	s8 =	sand.u32 $0x7F, s8;
	v48 =	vor.u32 s2, v1;
	v12 =	vld.idx.msk [tilespmem:v43+s5+$0x0], $0xffff  }
0xad: {  	v49 =	vor.u32 s8, v0;
	s19 =	simm.s32 $0x1400;
	v13 =	vld.idx.msk [tilespmem:v44+s5+$0x0], $0xffff  }
0xae: {  	v50 =	vor.u32 s8, v1;
	s3 =	sand.u32 $0x7F, s3;
	v14 =	vld.idx.msk [tilespmem:v45+s19+$0x0], $0xffff  }
0xaf: {  	v51 =	vor.u32 s3, v0;
	v15 =	vld.idx.msk [tilespmem:v46+s19+$0x0], $0xffff  }
0xb0: {  	v52 =	vor.u32 s3, v1;
	s9 =	sand.u32 $0x7F, s31;
	v16 =	vld.idx.msk [tilespmem:v47+s20+$0x0], $0xffff  }
0xb1: {  	v53 =	vor.u32 s9, v0;
	v17 =	vld.idx.msk [tilespmem:v48+s20+$0x0], $0xffff  }
0xb2: {  	v54 =	vor.u32 s9, v1;
	s30 =	sand.u32 $0x7F, s6;
	v18 =	vld.idx.msk [tilespmem:v49+s21+$0x0], $0xffff  }
0xb3: {  	v24 =	vor.u32 s30, v0;
	v19 =	vld.idx.msk [tilespmem:v50+s21+$0x0], $0xffff  }
0xb4: {  	v25 =	vor.u32 s30, v1;
	v20 =	vld.idx.msk [tilespmem:v51+s22+$0x0], $0xffff  }
0xb5: {  	v21 =	vld.idx.msk [tilespmem:v52+s22+$0x0], $0xffff  }
0xb6: {  	v22 =	vld.idx.msk [tilespmem:v53+s23+$0x0], $0xffff  }
0xb7: {  	s31 =	simm.s32 $0xB400;
	v23 =	vld.idx.msk [tilespmem:v54+s23+$0x0], $0xffff  }
0xb8: {  	v24 =	vld.idx.msk [tilespmem:v24+s31+$0x0], $0xffff  }
0xb9: {  	v25 =	vld.idx.msk [tilespmem:v25+s31+$0x0], $0xffff;
	_ =	sdelay $0x1  }
0xba: {  	v10 =	vmul.f32 v12, v10;
	v11 =	vmul.f32 v13, v11  }
0xbb: {  	v55 =	vmul.f32 v16, v14;
	v56 =	vmul.f32 v17, v15  }
0xbc: {  	v57 =	vmul.f32 v20, v18;
	v58 =	vmul.f32 v21, v19;
	v10 =	vadd.f32 v11, v10  }
0xbd: {  	v59 =	vmul.f32 v24, v22;
	v60 =	vmul.f32 v25, v23;
	v12 =	vadd.f32 v56, v55  }
0xbe: {  	v61 =	vadd.f32 v58, v57;
	(xrf2) =	vadd.scan.msk.f32 $0xffff, v10  }
0xbf: {  	v62 =	vadd.f32 v60, v59;
	(xrf2) =	vadd.scan.msk.f32 $0xffff, v12  }
0xc0: {  	(xrf2) =	vadd.scan.msk.f32 $0xffff, v61  }
0xc1: {  	(xrf2) =	vadd.scan.msk.f32 $0xffff, v62;
	_ =	sdelay $0x6  }
0xc2: {  	v63, _, _ =	vpop (xrf2)  }
0xc3: {  	v32, _, _ =	vpop (xrf2)  }
0xc4: {  	v33, _, _ =	vpop (xrf2)  }
0xc5: {  	v34, _, _ =	vpop (xrf2)  }
0xc6: {  	s2 =	sand.u32 $0x7F, s7;
	_ =	swait.ge [sflag:s28], $0x4000  }
0xc7: {  	v35 =	vor.u32 s2, v0;
	[sflag:s28] =	ssyncset.done $0x0  }
0xc8: {  	s4 =	sand.u32 $0x7F, s12;
	v36 =	vor.u32 s2, v1;
	[sflag:s28] =	ssyncadd.s32 $0xFFFFC000  }
0xc9: {  	v37 =	vor.u32 s4, v0;
	_ =	swait.ge [sflag:s29], $0x4000  }
0xca: {  	s6 =	sand.u32 $0x7F, s13;
	v38 =	vor.u32 s4, v1;
	[sflag:s29] =	ssyncset.done $0x0  }
0xcb: {  	s12 =	simm.s32 $0x4400;
	v39 =	vor.u32 s6, v0;
	[sflag:s29] =	ssyncadd.s32 $0xFFFFC000  }
0xcc: {  	v40 =	vor.u32 s6, v1;
	s7 =	sand.u32 $0x7F, s14;
	v14 =	vld.idx.msk [tilespmem:v35+s12+$0x0], $0xffff  }
0xcd: {  	s13 =	simm.s32 $0xC400;
	v41 =	vor.u32 s7, v0;
	v15 =	vld.idx.msk [tilespmem:v36+s12+$0x0], $0xffff  }
0xce: {  	s8 =	sand.u32 $0x7F, s15;
	v42 =	vor.u32 s7, v1;
	v16 =	vld.idx.msk [tilespmem:v37+s13+$0x0], $0xffff  }
0xcf: {  	s14 =	simm.s32 $0x5400;
	v43 =	vor.u32 s8, v0;
	v17 =	vld.idx.msk [tilespmem:v38+s13+$0x0], $0xffff  }
0xd0: {  	s9 =	sand.u32 $0x7F, s16;
	v44 =	vor.u32 s8, v1;
	v18 =	vld.idx.msk [tilespmem:v39+s14+$0x0], $0xffff  }
0xd1: {  	v45 =	vor.u32 s9, v0;
	v19 =	vld.idx.msk [tilespmem:v40+s14+$0x0], $0xffff  }
0xd2: {  	v46 =	vor.u32 s9, v1;
	v20 =	vld.idx.msk [tilespmem:v41+s25+$0x0], $0xffff  }
0xd3: {  	s15 =	sand.u32 $0x7F, s17;
	v21 =	vld.idx.msk [tilespmem:v42+s25+$0x0], $0xffff  }
0xd4: {  	s16 =	sand.u32 $0x7F, s18;
	v26 =	vor.u32 s15, v0;
	v22 =	vld.idx.msk [tilespmem:v43+s26+$0x0], $0xffff  }
0xd5: {  	s30 =	simm.s32 $0xE400;
	v27 =	vor.u32 s16, v0;
	v23 =	vld.idx.msk [tilespmem:v44+s26+$0x0], $0xffff  }
0xd6: {  	v28 =	vor.u32 s15, v1;
	v24 =	vld.idx.msk [tilespmem:v45+s30+$0x0], $0xffff  }
0xd7: {  	v29 =	vor.u32 s16, v1;
	v25 =	vld.idx.msk [tilespmem:v46+s30+$0x0], $0xffff  }
0xd8: {  	s18 =	simm.s32 $0x7400  }
0xd9: {  	s17 =	simm.s32 $0xF400;
	v26 =	vld.idx.msk [tilespmem:v26+s18+$0x0], $0xffff  }
0xda: {  	v27 =	vld.idx.msk [tilespmem:v27+s17+$0x0], $0xffff;
	v14 =	vmul.f32 v16, v14;
	v15 =	vmul.f32 v17, v15  }
0xdb: {  	v28 =	vld.idx.msk [tilespmem:v28+s18+$0x0], $0xffff;
	v48 =	vmul.f32 v20, v18;
	v49 =	vmul.f32 v21, v19  }
0xdc: {  	v47 =	vld.idx.msk [tilespmem:v29+s17+$0x0], $0xffff;
	v50 =	vmul.f32 v24, v22;
	v51 =	vmul.f32 v25, v23;
	v14 =	vadd.f32 v15, v14  }
0xdd: {  	v17 =	vadd.f32 v49, v48  }
0xde: {  	v5 =	vbroadcast v5, $0xF;
	v7 =	vbroadcast v7, $0xF;
	v53 =	vadd.f32 v51, v50;
	(xrf2) =	vadd.scan.msk.f32 $0xffff, v14  }
0xdf: {  	v6 =	vbroadcast v6, $0xF;
	(xrf2) =	vadd.scan.msk.f32 $0xffff, v17  }
0xe0: {  	v5 =	vsel vm0, v5, v7;
	v4 =	vbroadcast v4, $0xF;
	v3 =	vbroadcast v3, $0xF;
	(xrf2) =	vadd.scan.msk.f32 $0xffff, v53  }
0xe1: {  	v5 =	vsel vm1, v5, v6;
	v52 =	vmul.f32 v27, v26;
	v54 =	vmul.f32 v47, v28  }
0xe2: {  	v4 =	vsel vm2, v5, v4;
	v56 =	vbroadcast v8, $0xF  }
0xe3: {  	v3 =	vsel vm3, v4, v3;
	v2 =	vbroadcast v2, $0xF;
	v55 =	vadd.f32 v54, v52  }
0xe4: {  	v57 =	vbroadcast v9, $0xF;
	v3 =	vsel vm4, v3, v56  }
0xe5: {  	v2 =	vsel vm5, v3, v2;
	v3 =	vbroadcast v63, $0xF;
	(xrf2) =	vadd.scan.msk.f32 $0xffff, v55  }
0xe6: {  	v2 =	vsel vm6, v2, v57;
	v58 =	vbroadcast v32, $0xF  }
0xe7: {  	v2 =	vsel vm7, v2, v3;
	v3 =	vbroadcast v33, $0xF  }
0xe8: {  	v2 =	vsel vm8, v2, v58;
	v60 =	vbroadcast v34, $0xF;
	v59, _, _ =	vpop (xrf2)  }
0xe9: {  	v2 =	vsel vm9, v2, v3;
	v61, _, _ =	vpop (xrf2);
	v3 =	vbroadcast v59, $0xF  }
0xea: {  	v2 =	vsel vm10, v2, v60;
	v62, _, _ =	vpop (xrf2)  }
0xeb: {  	v2 =	vsel vm11, v2, v3;
	v3 =	vbroadcast v62, $0xF  }
0xec: {  	p0 =	sne.s32 s0, $0x7C0;
	v63 =	vbroadcast v61, $0xF  }
.Ltmp0:
0xed: {  	_ = 	snop;
	(pc) =	sbr.rel @p0 .LBB2_2-.Ltmp0, $4  }
0xee: {  	v2 =	vsel vm12, v2, v63  }
0xef: {  	v2 =	vsel vm13, v2, v3;
	v3, _, _ =	vpop (xrf2)  }
0xf0: {  	s31 =	rddreg [dreg:$0xa];
	v2 =	vsel vm14, v2, v3  }
0xf1: {  	s0 =	sadd.s32 $0x40, s0;
	[tilespmem:s31+$0x10400] =	vst v2  }
0xf2: {  	s8 =	simm.s32 $0x0;
	s0 =	rddreg [dreg:$0x7];
	s2 =	simm.s32 $0x10400  }
0xf3: {  	[hbm4b:s0+s8] =	stream.linear.scatter [tilespmem:s2], [sflag:$0x3], $0x200, $0x38;
	[tilespmem:$0x10600] =	vst v63  }
0xf4: {  	s2 =	simm.s32 $0x3  }
0xf5: {  	_ =	swait.ge [sflag:s2], $0x200  }
0xf6: {  	s3 =	rddreg [dreg:$0x9]  }
0xf7: {  	s31 =	rddreg [dreg:$0x8];
	s3 =	sadd.s32 $0x1, s3  }
0xf8: {  	p0 =	sne.s32 s3, s31  }
.Ltmp1:
0xf9: {  	_ = 	snop;
	(pc) =	sbr.rel @p0 .LBB2_1-.Ltmp1, $3  }
0xfa: {  	_ =	sdelay $0x1  }
0xfb: {  	[sflag:s2] =	ssyncset.done $0x0  }
0xfc: {  	[sflag:s2] =	ssyncadd.s32 $0xFFFFFE00  }
0xfd: {  	_ =	sfence.sel $0x180000  }
0xfe: {  	[bflag:$0x0] =	sbarrier.arrive $0xFFFF  }
0xff: {  	_ =	strace $0x90000047  }
0x100: {  	s0 =	stileid.u32;
	[bflag:$0x2] =	sbarrier.arrive $0xFFFF  }
0x101: {  	p0 =	sne.s32 s0, $0x0;
	s0 =	rddreg [dreg:$0x4]  }
0x102: {  	s0 =	sadd.s32 @!p0 $0x100000, s0  }
0x103: {  	[sflag:s0] =	ssyncadd.tile.s32 @!p0 $0x1;
	_ =	shalt  }
.Lfunc_end2:
_tile_overlayer_lowered:
.L_overlay_start_2:
0x104: {  	(tag) =	ssettag $0x2  }
0x105: {  	s0 =	rddreg [dreg:$0x0];
	s2 =	stileid.u32  }
0x106: {  	s1 =	rddreg [dreg:$0x1];
	p0 =	sne.s32 s2, $0x0  }
0x107: {  	s3 =	rddreg [dreg:$0x2];
	[bflag:$0x3] =	sbarrier.arrive $0xFFFF;
	s2 =	simm.s32 @!p0 $0x1C03  }
0x108: {  	[timem:s3], [sflag:s2] =	dma.local @!p0 [hbm:s0], s1  }
0x109: {  	s0 =	simm.s32 @!p0 $0x3  }
0x10a: {  	_ =	swait.ge @!p0 [sflag:s0], s1  }
0x10b: {  	s1 =	ssub.s32 @!p0 $0x0, s1;
	[sflag:s0] =	ssyncset.done @!p0 $0x0  }
0x10c: {  	[sflag:s0] =	ssyncadd.s32 @!p0 s1  }
0x10d: {  	[bflag:$0x3] =	sbarrier.arrive $0xFFFF  }
0x10e: {  	_ =	shalt  }

</sc_bundles>
